<compile_context>
chip_gen: v7x
topology: tpu7x:2x2x1
jax: 0.10.2.dev20260603
libtpu: 0.0.44.dev20260713+nightly
codegen_flags: <defaults>
</compile_context>

<pallas_src>
import functools

import jax
import jax.numpy as jnp
from jax import lax
from jax.experimental import pallas as pl
from jax.experimental.pallas import tpu as pltpu
from jax.experimental.pallas import tpu_sc as plsc

CHUNK = 128
NCORES = 2
NSUB = 16
NTILES = NCORES * NSUB
NBUF = 4


def _mesh():
    return plsc.VectorSubcoreMesh(core_axis_name="c", subcore_axis_name="s")


def _tile_plan(wid, lo, t0):
    hi = lo + 4
    count = jnp.where(wid < t0, lo, hi)
    base = jnp.where(wid < t0, lo * wid, lo * t0 + hi * (wid - t0))
    return count, base


def _deg_kernel(n_pad, lo, t0, win, dw):
    rpt = n_pad // NSUB

    @functools.partial(
        pl.kernel,
        out_type=jax.ShapeDtypeStruct((NCORES, n_pad), jnp.float32),
        mesh=_mesh(),
        compiler_params=pltpu.CompilerParams(
            use_tc_tiling_on_sc=False, needs_layout_passes=False),
        scratch_types=[
            pltpu.VMEM((win, CHUNK), jnp.int32),
            pltpu.VMEM((CHUNK, dw), jnp.float32),
            pltpu.VMEM_SHARED((n_pad, dw), jnp.float32),
            pltpu.VMEM((rpt, dw), jnp.float32),
            pltpu.VMEM((((rpt + 15) // 16) * 16,), jnp.float32),
            pltpu.SemaphoreType.DMA,
        ],
    )
    def k(dst_hbm, zeros_hbm, ones_hbm, out_hbm, dst_v, ones_v, acc, slab_v,
          col_v, ssem):
        c = lax.axis_index("c")
        s = lax.axis_index("s")
        wid = s * NCORES + c
        count, base = _tile_plan(wid, lo, t0)
        pltpu.sync_copy(dst_hbm.at[pl.ds(base, win)], dst_v)
        pltpu.sync_copy(ones_hbm, ones_v)
        pltpu.sync_copy(zeros_hbm.at[pl.ds(s * rpt, rpt)], acc.at[pl.ds(s * rpt, rpt)])
        plsc.subcore_barrier()

        def body(j, carry):
            pltpu.async_copy(ones_v, acc.at[dst_v.at[j]], ssem, add=True)
            return carry

        lax.fori_loop(0, count, body, 0)

        def drain(j, carry):
            pltpu.make_async_copy(ones_v, acc.at[dst_v.at[j]], ssem).wait()
            return carry

        lax.fori_loop(0, count, drain, 0)
        plsc.subcore_barrier()
        pltpu.sync_copy(acc.at[pl.ds(s * rpt, rpt)], slab_v)
        lanes = lax.iota(jnp.int32, 16)
        zeros16 = jnp.zeros((16,), jnp.int32)

        def extract(j, carry):
            rows = jnp.minimum(j * 16 + lanes, rpt - 1)
            col_v[pl.ds(j * 16, 16)] = plsc.load_gather(slab_v, [rows, zeros16])
            return carry

        lax.fori_loop(0, (rpt + 15) // 16, extract, 0)
        pltpu.sync_copy(col_v.at[pl.ds(0, rpt)], out_hbm.at[c, pl.ds(s * rpt, rpt)])

    return k


def _scatter_kernel(n_pad, lo, t0, win, f):
    rpt = n_pad // NSUB

    @functools.partial(
        pl.kernel,
        out_type=jax.ShapeDtypeStruct((NCORES, n_pad, f), jnp.float32),
        mesh=_mesh(),
        compiler_params=pltpu.CompilerParams(use_tc_tiling_on_sc=False),
        scratch_types=[
            pltpu.VMEM((win, CHUNK), jnp.int32),
            pltpu.VMEM((win, CHUNK), jnp.int32),
            [pltpu.VMEM((CHUNK, f), jnp.float32) for _ in range(NBUF)],
            [pltpu.SemaphoreType.DMA for _ in range(NBUF)],
            [pltpu.SemaphoreType.DMA for _ in range(NBUF)],
            pltpu.VMEM_SHARED((n_pad, f), jnp.float32),
            pltpu.VMEM_SHARED((n_pad, f), jnp.float32),
        ],
    )
    def k(src_hbm, dst_hbm, y_hbm, zeros_hbm, out_hbm,
          src_v, dst_v, bufs, gsems, ssems, acc, y_sp):
        c = lax.axis_index("c")
        s = lax.axis_index("s")
        wid = s * NCORES + c
        count, base = _tile_plan(wid, lo, t0)
        pltpu.sync_copy(src_hbm.at[pl.ds(base, win)], src_v)
        pltpu.sync_copy(dst_hbm.at[pl.ds(base, win)], dst_v)
        pltpu.sync_copy(zeros_hbm.at[pl.ds(s * rpt, rpt)], acc.at[pl.ds(s * rpt, rpt)])
        pltpu.sync_copy(y_hbm.at[pl.ds(s * rpt, rpt)], y_sp.at[pl.ds(s * rpt, rpt)])
        plsc.subcore_barrier()

        def gather(j, b):
            pltpu.async_copy(y_sp.at[src_v.at[j]], bufs[b], gsems[b])

        def gather_wait(j, b):
            pltpu.make_async_copy(y_sp.at[src_v.at[j]], bufs[b], gsems[b]).wait()

        def scat(j, b):
            pltpu.async_copy(bufs[b], acc.at[dst_v.at[j]], ssems[b], add=True)

        def scat_wait(j, b):
            pltpu.make_async_copy(bufs[b], acc.at[dst_v.at[j]], ssems[b]).wait()

        for b in range(NBUF):
            gather(b, b)

        def body(i, carry):
            j0 = NBUF * i
            for b in range(NBUF):
                gather_wait(j0 + b, b)
                scat(j0 + b, b)
            for b in range(NBUF):
                scat_wait(j0 + b, b)
                gather(j0 + NBUF + b, b)
            return carry

        lax.fori_loop(0, count // NBUF - 1, body, 0)
        j0 = count - NBUF
        for b in range(NBUF):
            gather_wait(j0 + b, b)
            scat(j0 + b, b)
        for b in range(NBUF):
            scat_wait(j0 + b, b)

        plsc.subcore_barrier()
        pltpu.sync_copy(acc.at[pl.ds(s * rpt, rpt)], out_hbm.at[c, pl.ds(s * rpt, rpt)])

    return k


def _tc_prep(deg2, x, w1, n, n_pad):
    h = w1.shape[1]

    def body(deg_ref, x_ref, w_ref, y_ref, dinv_ref):
        d = deg_ref[0, :] + deg_ref[1, :] + 1.0
        dinv = jnp.reshape(lax.rsqrt(d), (d.shape[0], 1))
        xt = jnp.dot(x_ref[...], w_ref[...], preferred_element_type=jnp.float32)
        xt_pad = jnp.concatenate(
            [xt, jnp.zeros((n_pad - n, h), jnp.float32)], axis=0)
        y_ref[...] = xt_pad * dinv
        dinv_ref[...] = dinv

    return pl.pallas_call(
        body,
        out_shape=[
            jax.ShapeDtypeStruct((n_pad, h), jnp.float32),
            jax.ShapeDtypeStruct((n_pad, 1), jnp.float32),
        ],
    )(deg2, x, w1)


def _tc_mid(s1, y1, dinv, b1, w2p, n_pad):
    w = w2p.shape[1]

    def body(s_ref, y_ref, dinv_ref, b_ref, w_ref, o_ref):
        o1 = (s_ref[0] + s_ref[1] + y_ref[...]) * dinv_ref[...] + b_ref[...]
        hid = jnp.maximum(o1, 0.0)
        o_ref[...] = jnp.dot(hid, w_ref[...], preferred_element_type=jnp.float32) * dinv_ref[...]

    return pl.pallas_call(
        body,
        out_shape=jax.ShapeDtypeStruct((n_pad, w), jnp.float32),
    )(s1, y1, dinv, b1, w2p)


def _tc_final(s2, y2, dinv, b2, n, c_out):

    def body(s_ref, y_ref, dinv_ref, b_ref, o_ref):
        o = (s_ref[0, :n, :] + s_ref[1, :n, :] + y_ref[:n, :]) * dinv_ref[:n, :]
        logits = o[:, 0:c_out] + b_ref[...]
        m = jnp.max(logits, axis=1, keepdims=True)
        ex = jnp.exp(logits - m)
        lse = jnp.log(jnp.sum(ex, axis=1, keepdims=True))
        o_ref[...] = logits - m - lse

    return pl.pallas_call(
        body,
        out_shape=jax.ShapeDtypeStruct((n, c_out), jnp.float32),
    )(s2, y2, dinv, b2)


def kernel(x, edge_index, W1, b1, W2, b2):
    n, _ = x.shape
    h = W1.shape[1]
    c_out = W2.shape[1]
    e = edge_index.shape[1]

    n_pad = -(-(n + 1) // (NSUB * 8)) * (NSUB * 8)
    dw = 8
    w2w = 8

    if e % (CHUNK * NBUF) == 0:
        src = edge_index[0].reshape(-1, CHUNK)
        dst = edge_index[1].reshape(-1, CHUNK)
    else:
        e_pad = -(-e // (CHUNK * NBUF)) * (CHUNK * NBUF)
        src = jnp.concatenate(
            [edge_index[0], jnp.zeros((e_pad - e,), jnp.int32)]).reshape(-1, CHUNK)
        dst = jnp.concatenate(
            [edge_index[1], jnp.full((e_pad - e,), n, jnp.int32)]).reshape(-1, CHUNK)
    n_chunks = src.shape[0]

    lo = (n_chunks // NTILES) // NBUF * NBUF
    n_hi = (n_chunks - NTILES * lo) // NBUF
    t0 = NTILES - n_hi
    win = lo + 4 if n_hi > 0 else lo

    zeros_dw = jnp.zeros((n_pad, dw), jnp.float32)
    ones_dw = jnp.ones((CHUNK, dw), jnp.float32)
    zeros_h = jnp.zeros((n_pad, h), jnp.float32)
    zeros_w2 = jnp.zeros((n_pad, w2w), jnp.float32)
    w2p = jnp.pad(W2, ((0, 0), (0, w2w - c_out)))

    deg2 = _deg_kernel(n_pad, lo, t0, win, dw)(dst, zeros_dw, ones_dw)
    y1, dinv = _tc_prep(deg2, x, W1, n, n_pad)
    s1 = _scatter_kernel(n_pad, lo, t0, win, h)(src, dst, y1, zeros_h)
    y2 = _tc_mid(s1, y1, dinv, b1.reshape(1, h), w2p, n_pad)
    s2 = _scatter_kernel(n_pad, lo, t0, win, w2w)(src, dst, y2, zeros_w2)
    return _tc_final(s2, y2, dinv, b2.reshape(1, c_out), n, c_out)

# --- scband reference (transcript-rebuilt; emitter-appended) ---
"""Pipeline reference for scband-net-35519379537969 (READ-ONLY COPY).

The authoritative reference and input builder live on the scoring server;
editing this copy changes nothing except your own understanding.
"""

import jax, jax.numpy as jnp
import numpy as np

N = 10000
E = 320000
F_IN = 128
H = 32
C = 4


def setup_inputs(seed: int = 0) -> dict:
    key = jax.random.key(seed)
    k1, k2, k3, k4, k5, k6 = jax.random.split(key, 6)
    x = jax.random.normal(k1, (N, F_IN), dtype=jnp.float32)
    edge_index = jax.random.randint(k2, (2, E), 0, N, dtype=jnp.int32)
    W1 = jax.random.normal(k3, (F_IN, H), dtype=jnp.float32) * (1.0 / np.sqrt(F_IN))
    b1 = jnp.zeros((H,), dtype=jnp.float32)
    W2 = jax.random.normal(k4, (H, C), dtype=jnp.float32) * (1.0 / np.sqrt(H))
    b2 = jnp.zeros((C,), dtype=jnp.float32)
    return {"x": x, "edge_index": edge_index, "W1": W1, "b1": b1, "W2": W2, "b2": b2}


def _gcn_conv(x, edge_index, W, b):
    # GCNConv: out = D^{-1/2} (A + I) D^{-1/2} X W + b
    n = x.shape[0]
    src = edge_index[0]
    dst = edge_index[1]
    loop = jnp.arange(n, dtype=src.dtype)
    src = jnp.concatenate([src, loop])
    dst = jnp.concatenate([dst, loop])
    deg = jnp.zeros((n,), dtype=x.dtype).at[dst].add(1.0)
    dinv = jnp.where(deg > 0, 1.0 / jnp.sqrt(deg), 0.0)
    norm = dinv[src] * dinv[dst]
    xt = x @ W
    msg = jnp.take(xt, src, axis=0) * norm[:, None]
    out = jnp.zeros((n, xt.shape[1]), dtype=x.dtype).at[dst].add(msg)
    return out + b


def reference(x, edge_index, W1, b1, W2, b2):
    h = _gcn_conv(x, edge_index, W1, b1)
    h = jax.nn.relu(h)
    # dropout is identity in eval mode (training=False)
    h = _gcn_conv(h, edge_index, W2, b2)
    return jax.nn.log_softmax(h, axis=1)

if __name__ == "__main__":
    import jax
    _d = setup_inputs()
    print(jax.jit(kernel)(*tuple(_d.values())))

</pallas_src>

<mosaic_0001>
#map = affine_map<(d0, d1) -> (0, 0)>
module attributes {stable_mosaic.version = 14 : i64} {
  func.func @k(%arg0: i32, %arg1: i32, %arg2: memref<2500x128xi32, #tpu.memory_space<hbm>>, %arg3: memref<10112x8xf32, #tpu.memory_space<hbm>>, %arg4: memref<128x8xf32, #tpu.memory_space<hbm>>, %arg5: memref<2x10112xf32, #tpu.memory_space<hbm>>, %arg6: memref<80x128xi32, #tpu.memory_space<vmem>>, %arg7: memref<128x8xf32, #tpu.memory_space<vmem>>, %arg8: memref<10112x8xf32, #tpu.memory_space<vmem_shared>>, %arg9: memref<632x8xf32, #tpu.memory_space<vmem>>, %arg10: memref<640xf32, #tpu.memory_space<vmem>>, %arg11: memref<!tpu.dma_semaphore, #tpu.memory_space<semaphore_mem>>) attributes {dimension_semantics = [#tpu.dimension_semantics<core_parallel>, #tpu.dimension_semantics<subcore_parallel>], iteration_bounds = array<i64: 2, 16>, scalar_prefetch = 0 : i64, scratch_operands = 6 : i64, tpu.core_type = #tpu.core_type<sc_vector_subcore>, window_params = [{transform_indices = #map}, {transform_indices = #map}, {transform_indices = #map}, {transform_indices = #map}]} {
    %mul3A = arith.constant 2 : i32
    %mul3A_0 = arith.muli %arg1, %mul3A : i32
    %add3A = arith.addi %mul3A_0, %arg0 : i32
    %lt3A = arith.constant 15 : i32
    %lt3A_1 = arith.cmpi slt, %add3A, %lt3A : i32
    %jit3A = arith.constant 76 : i32
    %jit3A_2 = arith.constant 80 : i32
    %select_n3A = arith.select %lt3A_1, %jit3A, %jit3A_2 : i32
    %lt3A_3 = arith.constant 15 : i32
    %lt3A_4 = arith.cmpi slt, %add3A, %lt3A_3 : i32
    %mul3A_5 = arith.constant 76 : i32
    %mul3A_6 = arith.muli %mul3A_5, %add3A : i32
    %sub3A = arith.constant 15 : i32
    %sub3A_7 = arith.subi %add3A, %sub3A : i32
    %mul3A_8 = arith.constant 80 : i32
    %mul3A_9 = arith.muli %mul3A_8, %sub3A_7 : i32
    %add3A_10 = arith.constant 1140 : i32
    %add3A_11 = arith.addi %add3A_10, %mul3A_9 : i32
    %select_n3A_12 = arith.select %lt3A_4, %mul3A_6, %add3A_11 : i32
    "tpu.region"() ({
      %run_scoped3A = tpu.sem_alloc : memref<!tpu.dma_semaphore, #tpu.memory_space<semaphore_mem>>
      %dma_start3A = arith.constant 0 : i32
      %dma_start3A_47 = tpu.memref_slice %arg2[%select_n3A_12, %dma_start3A] : memref<2500x128xi32, #tpu.memory_space<hbm>> -> memref<80x128xi32, #tpu.memory_space<hbm>>
      %dma_start3A_48 = arith.constant 0 : i32
      %dma_start3A_49 = tpu.memref_slice %arg2[%select_n3A_12, %dma_start3A_48] : memref<2500x128xi32, #tpu.memory_space<hbm>> -> memref<80x128xi32, #tpu.memory_space<hbm>>
      tpu.enqueue_dma source(%dma_start3A_49 : memref<80x128xi32, #tpu.memory_space<hbm>>) target(%arg6 : memref<80x128xi32, #tpu.memory_space<vmem>>) target_semaphore(%run_scoped3A : memref<!tpu.dma_semaphore, #tpu.memory_space<semaphore_mem>>)
      %dma_wait3A = arith.constant 0 : i32
      %dma_wait3A_50 = tpu.memref_slice %arg2[%select_n3A_12, %dma_wait3A] : memref<2500x128xi32, #tpu.memory_space<hbm>> -> memref<80x128xi32, #tpu.memory_space<hbm>>
      %dma_wait3A_51 = arith.constant 0 : i32
      %dma_wait3A_52 = tpu.memref_slice %arg2[%select_n3A_12, %dma_wait3A_51] : memref<2500x128xi32, #tpu.memory_space<hbm>> -> memref<80x128xi32, #tpu.memory_space<hbm>>
      tpu.wait_dma2 semaphore(%run_scoped3A : memref<!tpu.dma_semaphore, #tpu.memory_space<semaphore_mem>>) src(%dma_wait3A_52 : memref<80x128xi32, #tpu.memory_space<hbm>>) dst(%arg6 : memref<80x128xi32, #tpu.memory_space<vmem>>)
      tpu.yield
    }) : () -> ()
    "tpu.region"() ({
      %run_scoped3A = tpu.sem_alloc : memref<!tpu.dma_semaphore, #tpu.memory_space<semaphore_mem>>
      tpu.enqueue_dma source(%arg4 : memref<128x8xf32, #tpu.memory_space<hbm>>) target(%arg7 : memref<128x8xf32, #tpu.memory_space<vmem>>) target_semaphore(%run_scoped3A : memref<!tpu.dma_semaphore, #tpu.memory_space<semaphore_mem>>)
      tpu.wait_dma2 semaphore(%run_scoped3A : memref<!tpu.dma_semaphore, #tpu.memory_space<semaphore_mem>>) src(%arg4 : memref<128x8xf32, #tpu.memory_space<hbm>>) dst(%arg7 : memref<128x8xf32, #tpu.memory_space<vmem>>)
      tpu.yield
    }) : () -> ()
    %mul3A_13 = arith.constant 632 : i32
    %mul3A_14 = arith.muli %arg1, %mul3A_13 : i32
    %mul3A_15 = arith.constant 632 : i32
    %mul3A_16 = arith.muli %arg1, %mul3A_15 : i32
    "tpu.region"() ({
      %run_scoped3A = tpu.sem_alloc : memref<!tpu.dma_semaphore, #tpu.memory_space<semaphore_mem>>
      %dma_start3A = arith.constant 0 : i32
      %dma_start3A_47 = tpu.memref_slice %arg8[%mul3A_16, %dma_start3A] : memref<10112x8xf32, #tpu.memory_space<vmem_shared>> -> memref<632x8xf32, #tpu.memory_space<vmem_shared>>
      %dma_start3A_48 = arith.constant 0 : i32
      %dma_start3A_49 = tpu.memref_slice %arg3[%mul3A_14, %dma_start3A_48] : memref<10112x8xf32, #tpu.memory_space<hbm>> -> memref<632x8xf32, #tpu.memory_space<hbm>>
      tpu.enqueue_dma source(%dma_start3A_49 : memref<632x8xf32, #tpu.memory_space<hbm>>) target(%dma_start3A_47 : memref<632x8xf32, #tpu.memory_space<vmem_shared>>) target_semaphore(%run_scoped3A : memref<!tpu.dma_semaphore, #tpu.memory_space<semaphore_mem>>)
      %dma_wait3A = arith.constant 0 : i32
      %dma_wait3A_50 = tpu.memref_slice %arg8[%mul3A_16, %dma_wait3A] : memref<10112x8xf32, #tpu.memory_space<vmem_shared>> -> memref<632x8xf32, #tpu.memory_space<vmem_shared>>
      %dma_wait3A_51 = arith.constant 0 : i32
      %dma_wait3A_52 = tpu.memref_slice %arg3[%mul3A_14, %dma_wait3A_51] : memref<10112x8xf32, #tpu.memory_space<hbm>> -> memref<632x8xf32, #tpu.memory_space<hbm>>
      tpu.wait_dma2 semaphore(%run_scoped3A : memref<!tpu.dma_semaphore, #tpu.memory_space<semaphore_mem>>) src(%dma_wait3A_52 : memref<632x8xf32, #tpu.memory_space<hbm>>) dst(%dma_wait3A_50 : memref<632x8xf32, #tpu.memory_space<vmem_shared>>)
      tpu.yield
    }) : () -> ()
    %barrier3A = arith.constant 0 : index
    tpu.barrier barrier_id(%barrier3A)
    %while3A = arith.constant 0 : i32
    %while3A_17 = arith.constant 0 : i32
    %while3A_18 = arith.subi %select_n3A, %while3A_17 : i32
    %while3A_19 = arith.addi %while3A_17, %while3A_18 : i32
    %while3A_20 = arith.constant 1 : i32
    %while3A_21 = arith.divsi %while3A_18, %while3A_20 : i32
    %while3A_22 = arith.muli %while3A_21, %while3A_20 : i32
    %while3A_23 = arith.addi %while3A_17, %while3A_22 : i32
    %while3A_24 = arith.constant 1 : i32
    scf.for %while3A_47 = %while3A_17 to %while3A_23 step %while3A_24  : i32 {
      %dma_start3A = arith.constant 0 : i32
      %dma_start3A_48 = tpu.memref_slice %arg6[%while3A_47, %dma_start3A] : memref<80x128xi32, #tpu.memory_space<vmem>> -> memref<1x128xi32, #tpu.memory_space<vmem>>
      %dma_start3A_49 = tpu.memref_squeeze %dma_start3A_48 : memref<1x128xi32, #tpu.memory_space<vmem>> -> memref<128xi32, #tpu.memory_space<vmem>>
      %dma_start3A_50 = arith.constant 0 : i32
      %dma_start3A_51 = arith.constant 0 : i32
      %dma_start3A_52 = tpu.memref_slice %arg8[%dma_start3A_50, %dma_start3A_51] : memref<10112x8xf32, #tpu.memory_space<vmem_shared>> -> memref<10112x8xf32, #tpu.memory_space<vmem_shared>>
      tpu.enqueue_indirect_dma source(%arg7 : memref<128x8xf32, #tpu.memory_space<vmem>>) target(%dma_start3A_52 : memref<10112x8xf32, #tpu.memory_space<vmem_shared>>) offsets(%dma_start3A_49 : memref<128xi32, #tpu.memory_space<vmem>>) semaphore(%arg11 : memref<!tpu.dma_semaphore, #tpu.memory_space<semaphore_mem>>) {add = true}
    }
    %while3A_25 = arith.constant 1 : i32
    scf.for %while3A_47 = %while3A_23 to %while3A_19 step %while3A_25  : i32 {
      %dma_start3A = arith.constant 0 : i32
      %dma_start3A_48 = tpu.memref_slice %arg6[%while3A_47, %dma_start3A] : memref<80x128xi32, #tpu.memory_space<vmem>> -> memref<1x128xi32, #tpu.memory_space<vmem>>
      %dma_start3A_49 = tpu.memref_squeeze %dma_start3A_48 : memref<1x128xi32, #tpu.memory_space<vmem>> -> memref<128xi32, #tpu.memory_space<vmem>>
      %dma_start3A_50 = arith.constant 0 : i32
      %dma_start3A_51 = arith.constant 0 : i32
      %dma_start3A_52 = tpu.memref_slice %arg8[%dma_start3A_50, %dma_start3A_51] : memref<10112x8xf32, #tpu.memory_space<vmem_shared>> -> memref<10112x8xf32, #tpu.memory_space<vmem_shared>>
      tpu.enqueue_indirect_dma source(%arg7 : memref<128x8xf32, #tpu.memory_space<vmem>>) target(%dma_start3A_52 : memref<10112x8xf32, #tpu.memory_space<vmem_shared>>) offsets(%dma_start3A_49 : memref<128xi32, #tpu.memory_space<vmem>>) semaphore(%arg11 : memref<!tpu.dma_semaphore, #tpu.memory_space<semaphore_mem>>) {add = true}
    }
    %while3A_26 = arith.constant 0 : i32
    %while3A_27 = arith.constant 0 : i32
    %while3A_28 = arith.subi %select_n3A, %while3A_27 : i32
    %while3A_29 = arith.addi %while3A_27, %while3A_28 : i32
    %while3A_30 = arith.constant 1 : i32
    %while3A_31 = arith.divsi %while3A_28, %while3A_30 : i32
    %while3A_32 = arith.muli %while3A_31, %while3A_30 : i32
    %while3A_33 = arith.addi %while3A_27, %while3A_32 : i32
    %while3A_34 = arith.constant 1 : i32
    scf.for %while3A_47 = %while3A_27 to %while3A_33 step %while3A_34  : i32 {
      %dma_wait3A = arith.constant 0 : i32
      %dma_wait3A_48 = tpu.memref_slice %arg6[%while3A_47, %dma_wait3A] : memref<80x128xi32, #tpu.memory_space<vmem>> -> memref<1x128xi32, #tpu.memory_space<vmem>>
      %dma_wait3A_49 = tpu.memref_squeeze %dma_wait3A_48 : memref<1x128xi32, #tpu.memory_space<vmem>> -> memref<128xi32, #tpu.memory_space<vmem>>
      %dma_wait3A_50 = arith.constant 0 : i32
      %dma_wait3A_51 = arith.constant 0 : i32
      %dma_wait3A_52 = tpu.memref_slice %arg8[%dma_wait3A_50, %dma_wait3A_51] : memref<10112x8xf32, #tpu.memory_space<vmem_shared>> -> memref<10112x8xf32, #tpu.memory_space<vmem_shared>>
      tpu.wait_indirect_dma semaphore(%arg11 : memref<!tpu.dma_semaphore, #tpu.memory_space<semaphore_mem>>) src(%arg7 : memref<128x8xf32, #tpu.memory_space<vmem>>) dst(%dma_wait3A_52 : memref<10112x8xf32, #tpu.memory_space<vmem_shared>>)
    }
    %while3A_35 = arith.constant 1 : i32
    scf.for %while3A_47 = %while3A_33 to %while3A_29 step %while3A_35  : i32 {
      %dma_wait3A = arith.constant 0 : i32
      %dma_wait3A_48 = tpu.memref_slice %arg6[%while3A_47, %dma_wait3A] : memref<80x128xi32, #tpu.memory_space<vmem>> -> memref<1x128xi32, #tpu.memory_space<vmem>>
      %dma_wait3A_49 = tpu.memref_squeeze %dma_wait3A_48 : memref<1x128xi32, #tpu.memory_space<vmem>> -> memref<128xi32, #tpu.memory_space<vmem>>
      %dma_wait3A_50 = arith.constant 0 : i32
      %dma_wait3A_51 = arith.constant 0 : i32
      %dma_wait3A_52 = tpu.memref_slice %arg8[%dma_wait3A_50, %dma_wait3A_51] : memref<10112x8xf32, #tpu.memory_space<vmem_shared>> -> memref<10112x8xf32, #tpu.memory_space<vmem_shared>>
      tpu.wait_indirect_dma semaphore(%arg11 : memref<!tpu.dma_semaphore, #tpu.memory_space<semaphore_mem>>) src(%arg7 : memref<128x8xf32, #tpu.memory_space<vmem>>) dst(%dma_wait3A_52 : memref<10112x8xf32, #tpu.memory_space<vmem_shared>>)
    }
    %barrier3A_36 = arith.constant 0 : index
    tpu.barrier barrier_id(%barrier3A_36)
    %mul3A_37 = arith.constant 632 : i32
    %mul3A_38 = arith.muli %arg1, %mul3A_37 : i32
    "tpu.region"() ({
      %run_scoped3A = tpu.sem_alloc : memref<!tpu.dma_semaphore, #tpu.memory_space<semaphore_mem>>
      %dma_start3A = arith.constant 0 : i32
      %dma_start3A_47 = tpu.memref_slice %arg8[%mul3A_38, %dma_start3A] : memref<10112x8xf32, #tpu.memory_space<vmem_shared>> -> memref<632x8xf32, #tpu.memory_space<vmem_shared>>
      %dma_start3A_48 = arith.constant 0 : i32
      %dma_start3A_49 = tpu.memref_slice %arg8[%mul3A_38, %dma_start3A_48] : memref<10112x8xf32, #tpu.memory_space<vmem_shared>> -> memref<632x8xf32, #tpu.memory_space<vmem_shared>>
      tpu.enqueue_dma source(%dma_start3A_49 : memref<632x8xf32, #tpu.memory_space<vmem_shared>>) target(%arg9 : memref<632x8xf32, #tpu.memory_space<vmem>>) target_semaphore(%run_scoped3A : memref<!tpu.dma_semaphore, #tpu.memory_space<semaphore_mem>>)
      %dma_wait3A = arith.constant 0 : i32
      %dma_wait3A_50 = tpu.memref_slice %arg8[%mul3A_38, %dma_wait3A] : memref<10112x8xf32, #tpu.memory_space<vmem_shared>> -> memref<632x8xf32, #tpu.memory_space<vmem_shared>>
      %dma_wait3A_51 = arith.constant 0 : i32
      %dma_wait3A_52 = tpu.memref_slice %arg8[%mul3A_38, %dma_wait3A_51] : memref<10112x8xf32, #tpu.memory_space<vmem_shared>> -> memref<632x8xf32, #tpu.memory_space<vmem_shared>>
      tpu.wait_dma2 semaphore(%run_scoped3A : memref<!tpu.dma_semaphore, #tpu.memory_space<semaphore_mem>>) src(%dma_wait3A_52 : memref<632x8xf32, #tpu.memory_space<vmem_shared>>) dst(%arg9 : memref<632x8xf32, #tpu.memory_space<vmem>>)
      tpu.yield
    }) : () -> ()
    %iota3A = tpu.iota {dimensions = array<i32: 0>} : vector<16xi32>
    %broadcast_in_dim3A = arith.constant 0 : i32
    %broadcast_in_dim3A_39 = vector.broadcast %broadcast_in_dim3A : i32 to vector<16xi32>
    %scan3A = arith.constant 0 : i32
    %scan3A_40 = arith.constant 0 : i32
    %scan3A_41 = arith.constant 40 : i32
    %scan3A_42 = arith.addi %scan3A_40, %scan3A_41 : i32
    %scan3A_43 = arith.constant 1 : i32
    scf.for %scan3A_47 = %scan3A_40 to %scan3A_42 step %scan3A_43  : i32 {
      %mul3A_48 = arith.constant 16 : i32
      %mul3A_49 = arith.muli %scan3A_47, %mul3A_48 : i32
      %add3A_50 = vector.broadcast %mul3A_49 : i32 to vector<16xi32>
      %add3A_51 = arith.addi %add3A_50, %iota3A : vector<16xi32>
      %min3A = arith.constant 631 : i32
      %min3A_52 = vector.broadcast %min3A : i32 to vector<16xi32>
      %min3A_53 = arith.minsi %add3A_51, %min3A_52 : vector<16xi32>
      %gather3A = tpu.vector_load_idx %arg9[%min3A_53, %broadcast_in_dim3A_39] : memref<632x8xf32, #tpu.memory_space<vmem>>[vector<16xi32>, vector<16xi32>], vector<16xf32>,
      %mul3A_54 = arith.constant 16 : i32
      %mul3A_55 = arith.muli %scan3A_47, %mul3A_54 : i32
      %swap3A = arith.index_cast %mul3A_55 : i32 to index
      %swap3A_56 = tpu.vector_load %arg10[%swap3A] {strides = array<i32>} : memref<640xf32, #tpu.memory_space<vmem>>, vector<16xf32>,
      tpu.vector_store %arg10[%swap3A], %gather3A {strides = array<i32>} : memref<640xf32, #tpu.memory_space<vmem>>, vector<16xf32>,
    }
    %scan3A_44 = arith.constant 40 : i32
    %mul3A_45 = arith.constant 632 : i32
    %mul3A_46 = arith.muli %arg1, %mul3A_45 : i32
    "tpu.region"() ({
      %run_scoped3A = tpu.sem_alloc : memref<!tpu.dma_semaphore, #tpu.memory_space<semaphore_mem>>
      %dma_start3A = arith.constant 0 : i32
      %dma_start3A_47 = tpu.memref_slice %arg10[%dma_start3A] : memref<640xf32, #tpu.memory_space<vmem>> -> memref<632xf32, #tpu.memory_space<vmem>>
      %dma_start3A_48 = tpu.memref_slice %arg5[%arg0, %mul3A_46] : memref<2x10112xf32, #tpu.memory_space<hbm>> -> memref<1x632xf32, #tpu.memory_space<hbm>>
      %dma_start3A_49 = tpu.memref_squeeze %dma_start3A_48 : memref<1x632xf32, #tpu.memory_space<hbm>> -> memref<632xf32, #tpu.memory_space<hbm>>
      %dma_start3A_50 = tpu.memref_slice %arg5[%arg0, %mul3A_46] : memref<2x10112xf32, #tpu.memory_space<hbm>> -> memref<1x632xf32, #tpu.memory_space<hbm>>
      %dma_start3A_51 = tpu.memref_squeeze %dma_start3A_50 : memref<1x632xf32, #tpu.memory_space<hbm>> -> memref<632xf32, #tpu.memory_space<hbm>>
      %dma_start3A_52 = arith.constant 0 : i32
      %dma_start3A_53 = tpu.memref_slice %arg10[%dma_start3A_52] : memref<640xf32, #tpu.memory_space<vmem>> -> memref<632xf32, #tpu.memory_space<vmem>>
      tpu.enqueue_dma source(%dma_start3A_53 : memref<632xf32, #tpu.memory_space<vmem>>) target(%dma_start3A_51 : memref<632xf32, #tpu.memory_space<hbm>>) target_semaphore(%run_scoped3A : memref<!tpu.dma_semaphore, #tpu.memory_space<semaphore_mem>>)
      %dma_wait3A = arith.constant 0 : i32
      %dma_wait3A_54 = tpu.memref_slice %arg10[%dma_wait3A] : memref<640xf32, #tpu.memory_space<vmem>> -> memref<632xf32, #tpu.memory_space<vmem>>
      %dma_wait3A_55 = tpu.memref_slice %arg5[%arg0, %mul3A_46] : memref<2x10112xf32, #tpu.memory_space<hbm>> -> memref<1x632xf32, #tpu.memory_space<hbm>>
      %dma_wait3A_56 = tpu.memref_squeeze %dma_wait3A_55 : memref<1x632xf32, #tpu.memory_space<hbm>> -> memref<632xf32, #tpu.memory_space<hbm>>
      %dma_wait3A_57 = tpu.memref_slice %arg5[%arg0, %mul3A_46] : memref<2x10112xf32, #tpu.memory_space<hbm>> -> memref<1x632xf32, #tpu.memory_space<hbm>>
      %dma_wait3A_58 = tpu.memref_squeeze %dma_wait3A_57 : memref<1x632xf32, #tpu.memory_space<hbm>> -> memref<632xf32, #tpu.memory_space<hbm>>
      %dma_wait3A_59 = arith.constant 0 : i32
      %dma_wait3A_60 = tpu.memref_slice %arg10[%dma_wait3A_59] : memref<640xf32, #tpu.memory_space<vmem>> -> memref<632xf32, #tpu.memory_space<vmem>>
      tpu.wait_dma2 semaphore(%run_scoped3A : memref<!tpu.dma_semaphore, #tpu.memory_space<semaphore_mem>>) src(%dma_wait3A_60 : memref<632xf32, #tpu.memory_space<vmem>>) dst(%dma_wait3A_58 : memref<632xf32, #tpu.memory_space<hbm>>)
      tpu.yield
    }) : () -> ()
    return
  }
}

#map = affine_map<(d0, d1) -> (0, 0)>
#map1 = affine_map<(d0, d1) -> (0, 0, 0)>
module attributes {stable_mosaic.version = 14 : i64} {
  func.func @k(%arg0: i32, %arg1: i32, %arg2: memref<2500x128xi32, #tpu.memory_space<hbm>>, %arg3: memref<2500x128xi32, #tpu.memory_space<hbm>>, %arg4: memref<10112x32xf32, #tpu.memory_space<hbm>>, %arg5: memref<10112x32xf32, #tpu.memory_space<hbm>>, %arg6: memref<2x10112x32xf32, #tpu.memory_space<hbm>>, %arg7: memref<80x128xi32, #tpu.memory_space<vmem>>, %arg8: memref<80x128xi32, #tpu.memory_space<vmem>>, %arg9: memref<128x32xf32, #tpu.memory_space<vmem>>, %arg10: memref<128x32xf32, #tpu.memory_space<vmem>>, %arg11: memref<128x32xf32, #tpu.memory_space<vmem>>, %arg12: memref<128x32xf32, #tpu.memory_space<vmem>>, %arg13: memref<!tpu.dma_semaphore, #tpu.memory_space<semaphore_mem>>, %arg14: memref<!tpu.dma_semaphore, #tpu.memory_space<semaphore_mem>>, %arg15: memref<!tpu.dma_semaphore, #tpu.memory_space<semaphore_mem>>, %arg16: memref<!tpu.dma_semaphore, #tpu.memory_space<semaphore_mem>>, %arg17: memref<!tpu.dma_semaphore, #tpu.memory_space<semaphore_mem>>, %arg18: memref<!tpu.dma_semaphore, #tpu.memory_space<semaphore_mem>>, %arg19: memref<!tpu.dma_semaphore, #tpu.memory_space<semaphore_mem>>, %arg20: memref<!tpu.dma_semaphore, #tpu.memory_space<semaphore_mem>>, %arg21: memref<10112x32xf32, #tpu.memory_space<vmem_shared>>, %arg22: memref<10112x32xf32, #tpu.memory_space<vmem_shared>>) attributes {dimension_semantics = [#tpu.dimension_semantics<core_parallel>, #tpu.dimension_semantics<subcore_parallel>], iteration_bounds = array<i64: 2, 16>, scalar_prefetch = 0 : i64, scratch_operands = 16 : i64, tpu.core_type = #tpu.core_type<sc_vector_subcore>, window_params = [{transform_indices = #map}, {transform_indices = #map}, {transform_indices = #map}, {transform_indices = #map}, {transform_indices = #map1}]} {
    %mul3A = arith.constant 2 : i32
    %mul3A_0 = arith.muli %arg1, %mul3A : i32
    %add3A = arith.addi %mul3A_0, %arg0 : i32
    %lt3A = arith.constant 15 : i32
    %lt3A_1 = arith.cmpi slt, %add3A, %lt3A : i32
    %jit3A = arith.constant 76 : i32
    %jit3A_2 = arith.constant 80 : i32
    %select_n3A = arith.select %lt3A_1, %jit3A, %jit3A_2 : i32
    %lt3A_3 = arith.constant 15 : i32
    %lt3A_4 = arith.cmpi slt, %add3A, %lt3A_3 : i32
    %mul3A_5 = arith.constant 76 : i32
    %mul3A_6 = arith.muli %mul3A_5, %add3A : i32
    %sub3A = arith.constant 15 : i32
    %sub3A_7 = arith.subi %add3A, %sub3A : i32
    %mul3A_8 = arith.constant 80 : i32
    %mul3A_9 = arith.muli %mul3A_8, %sub3A_7 : i32
    %add3A_10 = arith.constant 1140 : i32
    %add3A_11 = arith.addi %add3A_10, %mul3A_9 : i32
    %select_n3A_12 = arith.select %lt3A_4, %mul3A_6, %add3A_11 : i32
    "tpu.region"() ({
      %run_scoped3A = tpu.sem_alloc : memref<!tpu.dma_semaphore, #tpu.memory_space<semaphore_mem>>
      %dma_start3A_180 = arith.constant 0 : i32
      %dma_start3A_181 = tpu.memref_slice %arg2[%select_n3A_12, %dma_start3A_180] : memref<2500x128xi32, #tpu.memory_space<hbm>> -> memref<80x128xi32, #tpu.memory_space<hbm>>
      %dma_start3A_182 = arith.constant 0 : i32
      %dma_start3A_183 = tpu.memref_slice %arg2[%select_n3A_12, %dma_start3A_182] : memref<2500x128xi32, #tpu.memory_space<hbm>> -> memref<80x128xi32, #tpu.memory_space<hbm>>
      tpu.enqueue_dma source(%dma_start3A_183 : memref<80x128xi32, #tpu.memory_space<hbm>>) target(%arg7 : memref<80x128xi32, #tpu.memory_space<vmem>>) target_semaphore(%run_scoped3A : memref<!tpu.dma_semaphore, #tpu.memory_space<semaphore_mem>>)
      %dma_wait3A_184 = arith.constant 0 : i32
      %dma_wait3A_185 = tpu.memref_slice %arg2[%select_n3A_12, %dma_wait3A_184] : memref<2500x128xi32, #tpu.memory_space<hbm>> -> memref<80x128xi32, #tpu.memory_space<hbm>>
      %dma_wait3A_186 = arith.constant 0 : i32
      %dma_wait3A_187 = tpu.memref_slice %arg2[%select_n3A_12, %dma_wait3A_186] : memref<2500x128xi32, #tpu.memory_space<hbm>> -> memref<80x128xi32, #tpu.memory_space<hbm>>
      tpu.wait_dma2 semaphore(%run_scoped3A : memref<!tpu.dma_semaphore, #tpu.memory_space<semaphore_mem>>) src(%dma_wait3A_187 : memref<80x128xi32, #tpu.memory_space<hbm>>) dst(%arg7 : memref<80x128xi32, #tpu.memory_space<vmem>>)
      tpu.yield
    }) : () -> ()
    "tpu.region"() ({
      %run_scoped3A = tpu.sem_alloc : memref<!tpu.dma_semaphore, #tpu.memory_space<semaphore_mem>>
      %dma_start3A_180 = arith.constant 0 : i32
      %dma_start3A_181 = tpu.memref_slice %arg3[%select_n3A_12, %dma_start3A_180] : memref<2500x128xi32, #tpu.memory_space<hbm>> -> memref<80x128xi32, #tpu.memory_space<hbm>>
      %dma_start3A_182 = arith.constant 0 : i32
      %dma_start3A_183 = tpu.memref_slice %arg3[%select_n3A_12, %dma_start3A_182] : memref<2500x128xi32, #tpu.memory_space<hbm>> -> memref<80x128xi32, #tpu.memory_space<hbm>>
      tpu.enqueue_dma source(%dma_start3A_183 : memref<80x128xi32, #tpu.memory_space<hbm>>) target(%arg8 : memref<80x128xi32, #tpu.memory_space<vmem>>) target_semaphore(%run_scoped3A : memref<!tpu.dma_semaphore, #tpu.memory_space<semaphore_mem>>)
      %dma_wait3A_184 = arith.constant 0 : i32
      %dma_wait3A_185 = tpu.memref_slice %arg3[%select_n3A_12, %dma_wait3A_184] : memref<2500x128xi32, #tpu.memory_space<hbm>> -> memref<80x128xi32, #tpu.memory_space<hbm>>
      %dma_wait3A_186 = arith.constant 0 : i32
      %dma_wait3A_187 = tpu.memref_slice %arg3[%select_n3A_12, %dma_wait3A_186] : memref<2500x128xi32, #tpu.memory_space<hbm>> -> memref<80x128xi32, #tpu.memory_space<hbm>>
      tpu.wait_dma2 semaphore(%run_scoped3A : memref<!tpu.dma_semaphore, #tpu.memory_space<semaphore_mem>>) src(%dma_wait3A_187 : memref<80x128xi32, #tpu.memory_space<hbm>>) dst(%arg8 : memref<80x128xi32, #tpu.memory_space<vmem>>)
      tpu.yield
    }) : () -> ()
    %mul3A_13 = arith.constant 632 : i32
    %mul3A_14 = arith.muli %arg1, %mul3A_13 : i32
    %mul3A_15 = arith.constant 632 : i32
    %mul3A_16 = arith.muli %arg1, %mul3A_15 : i32
    "tpu.region"() ({
      %run_scoped3A = tpu.sem_alloc : memref<!tpu.dma_semaphore, #tpu.memory_space<semaphore_mem>>
      %dma_start3A_180 = arith.constant 0 : i32
      %dma_start3A_181 = tpu.memref_slice %arg21[%mul3A_16, %dma_start3A_180] : memref<10112x32xf32, #tpu.memory_space<vmem_shared>> -> memref<632x32xf32, #tpu.memory_space<vmem_shared>>
      %dma_start3A_182 = arith.constant 0 : i32
      %dma_start3A_183 = tpu.memref_slice %arg5[%mul3A_14, %dma_start3A_182] : memref<10112x32xf32, #tpu.memory_space<hbm>> -> memref<632x32xf32, #tpu.memory_space<hbm>>
      tpu.enqueue_dma source(%dma_start3A_183 : memref<632x32xf32, #tpu.memory_space<hbm>>) target(%dma_start3A_181 : memref<632x32xf32, #tpu.memory_space<vmem_shared>>) target_semaphore(%run_scoped3A : memref<!tpu.dma_semaphore, #tpu.memory_space<semaphore_mem>>)
      %dma_wait3A_184 = arith.constant 0 : i32
      %dma_wait3A_185 = tpu.memref_slice %arg21[%mul3A_16, %dma_wait3A_184] : memref<10112x32xf32, #tpu.memory_space<vmem_shared>> -> memref<632x32xf32, #tpu.memory_space<vmem_shared>>
      %dma_wait3A_186 = arith.constant 0 : i32
      %dma_wait3A_187 = tpu.memref_slice %arg5[%mul3A_14, %dma_wait3A_186] : memref<10112x32xf32, #tpu.memory_space<hbm>> -> memref<632x32xf32, #tpu.memory_space<hbm>>
      tpu.wait_dma2 semaphore(%run_scoped3A : memref<!tpu.dma_semaphore, #tpu.memory_space<semaphore_mem>>) src(%dma_wait3A_187 : memref<632x32xf32, #tpu.memory_space<hbm>>) dst(%dma_wait3A_185 : memref<632x32xf32, #tpu.memory_space<vmem_shared>>)
      tpu.yield
    }) : () -> ()
    %mul3A_17 = arith.constant 632 : i32
    %mul3A_18 = arith.muli %arg1, %mul3A_17 : i32
    %mul3A_19 = arith.constant 632 : i32
    %mul3A_20 = arith.muli %arg1, %mul3A_19 : i32
    "tpu.region"() ({
      %run_scoped3A = tpu.sem_alloc : memref<!tpu.dma_semaphore, #tpu.memory_space<semaphore_mem>>
      %dma_start3A_180 = arith.constant 0 : i32
      %dma_start3A_181 = tpu.memref_slice %arg22[%mul3A_20, %dma_start3A_180] : memref<10112x32xf32, #tpu.memory_space<vmem_shared>> -> memref<632x32xf32, #tpu.memory_space<vmem_shared>>
      %dma_start3A_182 = arith.constant 0 : i32
      %dma_start3A_183 = tpu.memref_slice %arg4[%mul3A_18, %dma_start3A_182] : memref<10112x32xf32, #tpu.memory_space<hbm>> -> memref<632x32xf32, #tpu.memory_space<hbm>>
      tpu.enqueue_dma source(%dma_start3A_183 : memref<632x32xf32, #tpu.memory_space<hbm>>) target(%dma_start3A_181 : memref<632x32xf32, #tpu.memory_space<vmem_shared>>) target_semaphore(%run_scoped3A : memref<!tpu.dma_semaphore, #tpu.memory_space<semaphore_mem>>)
      %dma_wait3A_184 = arith.constant 0 : i32
      %dma_wait3A_185 = tpu.memref_slice %arg22[%mul3A_20, %dma_wait3A_184] : memref<10112x32xf32, #tpu.memory_space<vmem_shared>> -> memref<632x32xf32, #tpu.memory_space<vmem_shared>>
      %dma_wait3A_186 = arith.constant 0 : i32
      %dma_wait3A_187 = tpu.memref_slice %arg4[%mul3A_18, %dma_wait3A_186] : memref<10112x32xf32, #tpu.memory_space<hbm>> -> memref<632x32xf32, #tpu.memory_space<hbm>>
      tpu.wait_dma2 semaphore(%run_scoped3A : memref<!tpu.dma_semaphore, #tpu.memory_space<semaphore_mem>>) src(%dma_wait3A_187 : memref<632x32xf32, #tpu.memory_space<hbm>>) dst(%dma_wait3A_185 : memref<632x32xf32, #tpu.memory_space<vmem_shared>>)
      tpu.yield
    }) : () -> ()
    %barrier3A = arith.constant 0 : index
    tpu.barrier barrier_id(%barrier3A)
    %dma_start3A = arith.constant 0 : i32
    %dma_start3A_21 = arith.constant 0 : i32
    %dma_start3A_22 = tpu.memref_slice %arg7[%dma_start3A, %dma_start3A_21] : memref<80x128xi32, #tpu.memory_space<vmem>> -> memref<1x128xi32, #tpu.memory_space<vmem>>
    %dma_start3A_23 = tpu.memref_squeeze %dma_start3A_22 : memref<1x128xi32, #tpu.memory_space<vmem>> -> memref<128xi32, #tpu.memory_space<vmem>>
    %dma_start3A_24 = arith.constant 0 : i32
    %dma_start3A_25 = arith.constant 0 : i32
    %dma_start3A_26 = tpu.memref_slice %arg22[%dma_start3A_24, %dma_start3A_25] : memref<10112x32xf32, #tpu.memory_space<vmem_shared>> -> memref<10112x32xf32, #tpu.memory_space<vmem_shared>>
    tpu.enqueue_indirect_dma source(%dma_start3A_26 : memref<10112x32xf32, #tpu.memory_space<vmem_shared>>) target(%arg9 : memref<128x32xf32, #tpu.memory_space<vmem>>) offsets(%dma_start3A_23 : memref<128xi32, #tpu.memory_space<vmem>>) semaphore(%arg13 : memref<!tpu.dma_semaphore, #tpu.memory_space<semaphore_mem>>)
    %dma_start3A_27 = arith.constant 1 : i32
    %dma_start3A_28 = arith.constant 0 : i32
    %dma_start3A_29 = tpu.memref_slice %arg7[%dma_start3A_27, %dma_start3A_28] : memref<80x128xi32, #tpu.memory_space<vmem>> -> memref<1x128xi32, #tpu.memory_space<vmem>>
    %dma_start3A_30 = tpu.memref_squeeze %dma_start3A_29 : memref<1x128xi32, #tpu.memory_space<vmem>> -> memref<128xi32, #tpu.memory_space<vmem>>
    %dma_start3A_31 = arith.constant 0 : i32
    %dma_start3A_32 = arith.constant 0 : i32
    %dma_start3A_33 = tpu.memref_slice %arg22[%dma_start3A_31, %dma_start3A_32] : memref<10112x32xf32, #tpu.memory_space<vmem_shared>> -> memref<10112x32xf32, #tpu.memory_space<vmem_shared>>
    tpu.enqueue_indirect_dma source(%dma_start3A_33 : memref<10112x32xf32, #tpu.memory_space<vmem_shared>>) target(%arg10 : memref<128x32xf32, #tpu.memory_space<vmem>>) offsets(%dma_start3A_30 : memref<128xi32, #tpu.memory_space<vmem>>) semaphore(%arg14 : memref<!tpu.dma_semaphore, #tpu.memory_space<semaphore_mem>>)
    %dma_start3A_34 = arith.constant 2 : i32
    %dma_start3A_35 = arith.constant 0 : i32
    %dma_start3A_36 = tpu.memref_slice %arg7[%dma_start3A_34, %dma_start3A_35] : memref<80x128xi32, #tpu.memory_space<vmem>> -> memref<1x128xi32, #tpu.memory_space<vmem>>
    %dma_start3A_37 = tpu.memref_squeeze %dma_start3A_36 : memref<1x128xi32, #tpu.memory_space<vmem>> -> memref<128xi32, #tpu.memory_space<vmem>>
    %dma_start3A_38 = arith.constant 0 : i32
    %dma_start3A_39 = arith.constant 0 : i32
    %dma_start3A_40 = tpu.memref_slice %arg22[%dma_start3A_38, %dma_start3A_39] : memref<10112x32xf32, #tpu.memory_space<vmem_shared>> -> memref<10112x32xf32, #tpu.memory_space<vmem_shared>>
    tpu.enqueue_indirect_dma source(%dma_start3A_40 : memref<10112x32xf32, #tpu.memory_space<vmem_shared>>) target(%arg11 : memref<128x32xf32, #tpu.memory_space<vmem>>) offsets(%dma_start3A_37 : memref<128xi32, #tpu.memory_space<vmem>>) semaphore(%arg15 : memref<!tpu.dma_semaphore, #tpu.memory_space<semaphore_mem>>)
    %dma_start3A_41 = arith.constant 3 : i32
    %dma_start3A_42 = arith.constant 0 : i32
    %dma_start3A_43 = tpu.memref_slice %arg7[%dma_start3A_41, %dma_start3A_42] : memref<80x128xi32, #tpu.memory_space<vmem>> -> memref<1x128xi32, #tpu.memory_space<vmem>>
    %dma_start3A_44 = tpu.memref_squeeze %dma_start3A_43 : memref<1x128xi32, #tpu.memory_space<vmem>> -> memref<128xi32, #tpu.memory_space<vmem>>
    %dma_start3A_45 = arith.constant 0 : i32
    %dma_start3A_46 = arith.constant 0 : i32
    %dma_start3A_47 = tpu.memref_slice %arg22[%dma_start3A_45, %dma_start3A_46] : memref<10112x32xf32, #tpu.memory_space<vmem_shared>> -> memref<10112x32xf32, #tpu.memory_space<vmem_shared>>
    tpu.enqueue_indirect_dma source(%dma_start3A_47 : memref<10112x32xf32, #tpu.memory_space<vmem_shared>>) target(%arg12 : memref<128x32xf32, #tpu.memory_space<vmem>>) offsets(%dma_start3A_44 : memref<128xi32, #tpu.memory_space<vmem>>) semaphore(%arg16 : memref<!tpu.dma_semaphore, #tpu.memory_space<semaphore_mem>>)
    %jit3A_48 = arith.constant 4 : i32
    %div3A = arith.divsi %select_n3A, %jit3A_48 : i32
    %sign3A = arith.constant 0 : i32
    %sign3A_49 = arith.cmpi sgt, %select_n3A, %sign3A : i32
    %sign3A_50 = arith.extui %sign3A_49 : i1 to i32
    %sign3A_51 = arith.constant 0 : i32
    %sign3A_52 = arith.cmpi slt, %select_n3A, %sign3A_51 : i32
    %sign3A_53 = arith.extui %sign3A_52 : i1 to i32
    %sign3A_54 = arith.subi %sign3A_50, %sign3A_53 : i32
    %sign3A_55 = arith.constant 0 : i32
    %sign3A_56 = arith.cmpi sgt, %jit3A_48, %sign3A_55 : i32
    %sign3A_57 = arith.extui %sign3A_56 : i1 to i32
    %sign3A_58 = arith.constant 0 : i32
    %sign3A_59 = arith.cmpi slt, %jit3A_48, %sign3A_58 : i32
    %sign3A_60 = arith.extui %sign3A_59 : i1 to i32
    %sign3A_61 = arith.subi %sign3A_57, %sign3A_60 : i32
    %ne3A = arith.cmpi ne, %sign3A_54, %sign3A_61 : i32
    %rem3A = arith.remsi %select_n3A, %jit3A_48 : i32
    %ne3A_62 = arith.constant 0 : i32
    %ne3A_63 = arith.cmpi ne, %rem3A, %ne3A_62 : i32
    %and3A = arith.andi %ne3A, %ne3A_63 : i1
    %sub3A_64 = arith.constant 1 : i32
    %sub3A_65 = arith.subi %div3A, %sub3A_64 : i32
    %select_n3A_66 = arith.select %and3A, %sub3A_65, %div3A : i32
    %sub3A_67 = arith.constant 1 : i32
    %sub3A_68 = arith.subi %select_n3A_66, %sub3A_67 : i32
    %while3A = arith.constant 0 : i32
    %while3A_69 = arith.constant 0 : i32
    %while3A_70 = arith.subi %sub3A_68, %while3A_69 : i32
    %while3A_71 = arith.addi %while3A_69, %while3A_70 : i32
    %while3A_72 = arith.constant 1 : i32
    %while3A_73 = arith.divsi %while3A_70, %while3A_72 : i32
    %while3A_74 = arith.muli %while3A_73, %while3A_72 : i32
    %while3A_75 = arith.addi %while3A_69, %while3A_74 : i32
    %while3A_76 = arith.constant 1 : i32
    scf.for %while3A_180 = %while3A_69 to %while3A_75 step %while3A_76  : i32 {
      %mul3A_181 = arith.constant 4 : i32
      %mul3A_182 = arith.muli %mul3A_181, %while3A_180 : i32
      %add3A_183 = arith.constant 0 : i32
      %add3A_184 = arith.addi %mul3A_182, %add3A_183 : i32
      %dma_wait3A_185 = arith.constant 0 : i32
      %dma_wait3A_186 = tpu.memref_slice %arg7[%add3A_184, %dma_wait3A_185] : memref<80x128xi32, #tpu.memory_space<vmem>> -> memref<1x128xi32, #tpu.memory_space<vmem>>
      %dma_wait3A_187 = tpu.memref_squeeze %dma_wait3A_186 : memref<1x128xi32, #tpu.memory_space<vmem>> -> memref<128xi32, #tpu.memory_space<vmem>>
      %dma_wait3A_188 = arith.constant 0 : i32
      %dma_wait3A_189 = arith.constant 0 : i32
      %dma_wait3A_190 = tpu.memref_slice %arg22[%dma_wait3A_188, %dma_wait3A_189] : memref<10112x32xf32, #tpu.memory_space<vmem_shared>> -> memref<10112x32xf32, #tpu.memory_space<vmem_shared>>
      tpu.wait_indirect_dma semaphore(%arg13 : memref<!tpu.dma_semaphore, #tpu.memory_space<semaphore_mem>>) src(%dma_wait3A_190 : memref<10112x32xf32, #tpu.memory_space<vmem_shared>>) dst(%arg9 : memref<128x32xf32, #tpu.memory_space<vmem>>)
      %add3A_191 = arith.constant 0 : i32
      %add3A_192 = arith.addi %mul3A_182, %add3A_191 : i32
      %dma_start3A_193 = arith.constant 0 : i32
      %dma_start3A_194 = tpu.memref_slice %arg8[%add3A_192, %dma_start3A_193] : memref<80x128xi32, #tpu.memory_space<vmem>> -> memref<1x128xi32, #tpu.memory_space<vmem>>
      %dma_start3A_195 = tpu.memref_squeeze %dma_start3A_194 : memref<1x128xi32, #tpu.memory_space<vmem>> -> memref<128xi32, #tpu.memory_space<vmem>>
      %dma_start3A_196 = arith.constant 0 : i32
      %dma_start3A_197 = arith.constant 0 : i32
      %dma_start3A_198 = tpu.memref_slice %arg21[%dma_start3A_196, %dma_start3A_197] : memref<10112x32xf32, #tpu.memory_space<vmem_shared>> -> memref<10112x32xf32, #tpu.memory_space<vmem_shared>>
      tpu.enqueue_indirect_dma source(%arg9 : memref<128x32xf32, #tpu.memory_space<vmem>>) target(%dma_start3A_198 : memref<10112x32xf32, #tpu.memory_space<vmem_shared>>) offsets(%dma_start3A_195 : memref<128xi32, #tpu.memory_space<vmem>>) semaphore(%arg17 : memref<!tpu.dma_semaphore, #tpu.memory_space<semaphore_mem>>) {add = true}
      %add3A_199 = arith.constant 1 : i32
      %add3A_200 = arith.addi %mul3A_182, %add3A_199 : i32
      %dma_wait3A_201 = arith.constant 0 : i32
      %dma_wait3A_202 = tpu.memref_slice %arg7[%add3A_200, %dma_wait3A_201] : memref<80x128xi32, #tpu.memory_space<vmem>> -> memref<1x128xi32, #tpu.memory_space<vmem>>
      %dma_wait3A_203 = tpu.memref_squeeze %dma_wait3A_202 : memref<1x128xi32, #tpu.memory_space<vmem>> -> memref<128xi32, #tpu.memory_space<vmem>>
      %dma_wait3A_204 = arith.constant 0 : i32
      %dma_wait3A_205 = arith.constant 0 : i32
      %dma_wait3A_206 = tpu.memref_slice %arg22[%dma_wait3A_204, %dma_wait3A_205] : memref<10112x32xf32, #tpu.memory_space<vmem_shared>> -> memref<10112x32xf32, #tpu.memory_space<vmem_shared>>
      tpu.wait_indirect_dma semaphore(%arg14 : memref<!tpu.dma_semaphore, #tpu.memory_space<semaphore_mem>>) src(%dma_wait3A_206 : memref<10112x32xf32, #tpu.memory_space<vmem_shared>>) dst(%arg10 : memref<128x32xf32, #tpu.memory_space<vmem>>)
      %add3A_207 = arith.constant 1 : i32
      %add3A_208 = arith.addi %mul3A_182, %add3A_207 : i32
      %dma_start3A_209 = arith.constant 0 : i32
      %dma_start3A_210 = tpu.memref_slice %arg8[%add3A_208, %dma_start3A_209] : memref<80x128xi32, #tpu.memory_space<vmem>> -> memref<1x128xi32, #tpu.memory_space<vmem>>
      %dma_start3A_211 = tpu.memref_squeeze %dma_start3A_210 : memref<1x128xi32, #tpu.memory_space<vmem>> -> memref<128xi32, #tpu.memory_space<vmem>>
      %dma_start3A_212 = arith.constant 0 : i32
      %dma_start3A_213 = arith.constant 0 : i32
      %dma_start3A_214 = tpu.memref_slice %arg21[%dma_start3A_212, %dma_start3A_213] : memref<10112x32xf32, #tpu.memory_space<vmem_shared>> -> memref<10112x32xf32, #tpu.memory_space<vmem_shared>>
      tpu.enqueue_indirect_dma source(%arg10 : memref<128x32xf32, #tpu.memory_space<vmem>>) target(%dma_start3A_214 : memref<10112x32xf32, #tpu.memory_space<vmem_shared>>) offsets(%dma_start3A_211 : memref<128xi32, #tpu.memory_space<vmem>>) semaphore(%arg18 : memref<!tpu.dma_semaphore, #tpu.memory_space<semaphore_mem>>) {add = true}
      %add3A_215 = arith.constant 2 : i32
      %add3A_216 = arith.addi %mul3A_182, %add3A_215 : i32
      %dma_wait3A_217 = arith.constant 0 : i32
      %dma_wait3A_218 = tpu.memref_slice %arg7[%add3A_216, %dma_wait3A_217] : memref<80x128xi32, #tpu.memory_space<vmem>> -> memref<1x128xi32, #tpu.memory_space<vmem>>
      %dma_wait3A_219 = tpu.memref_squeeze %dma_wait3A_218 : memref<1x128xi32, #tpu.memory_space<vmem>> -> memref<128xi32, #tpu.memory_space<vmem>>
      %dma_wait3A_220 = arith.constant 0 : i32
      %dma_wait3A_221 = arith.constant 0 : i32
      %dma_wait3A_222 = tpu.memref_slice %arg22[%dma_wait3A_220, %dma_wait3A_221] : memref<10112x32xf32, #tpu.memory_space<vmem_shared>> -> memref<10112x32xf32, #tpu.memory_space<vmem_shared>>
      tpu.wait_indirect_dma semaphore(%arg15 : memref<!tpu.dma_semaphore, #tpu.memory_space<semaphore_mem>>) src(%dma_wait3A_222 : memref<10112x32xf32, #tpu.memory_space<vmem_shared>>) dst(%arg11 : memref<128x32xf32, #tpu.memory_space<vmem>>)
      %add3A_223 = arith.constant 2 : i32
      %add3A_224 = arith.addi %mul3A_182, %add3A_223 : i32
      %dma_start3A_225 = arith.constant 0 : i32
      %dma_start3A_226 = tpu.memref_slice %arg8[%add3A_224, %dma_start3A_225] : memref<80x128xi32, #tpu.memory_space<vmem>> -> memref<1x128xi32, #tpu.memory_space<vmem>>
      %dma_start3A_227 = tpu.memref_squeeze %dma_start3A_226 : memref<1x128xi32, #tpu.memory_space<vmem>> -> memref<128xi32, #tpu.memory_space<vmem>>
      %dma_start3A_228 = arith.constant 0 : i32
      %dma_start3A_229 = arith.constant 0 : i32
      %dma_start3A_230 = tpu.memref_slice %arg21[%dma_start3A_228, %dma_start3A_229] : memref<10112x32xf32, #tpu.memory_space<vmem_shared>> -> memref<10112x32xf32, #tpu.memory_space<vmem_shared>>
      tpu.enqueue_indirect_dma source(%arg11 : memref<128x32xf32, #tpu.memory_space<vmem>>) target(%dma_start3A_230 : memref<10112x32xf32, #tpu.memory_space<vmem_shared>>) offsets(%dma_start3A_227 : memref<128xi32, #tpu.memory_space<vmem>>) semaphore(%arg19 : memref<!tpu.dma_semaphore, #tpu.memory_space<semaphore_mem>>) {add = true}
      %add3A_231 = arith.constant 3 : i32
      %add3A_232 = arith.addi %mul3A_182, %add3A_231 : i32
      %dma_wait3A_233 = arith.constant 0 : i32
      %dma_wait3A_234 = tpu.memref_slice %arg7[%add3A_232, %dma_wait3A_233] : memref<80x128xi32, #tpu.memory_space<vmem>> -> memref<1x128xi32, #tpu.memory_space<vmem>>
      %dma_wait3A_235 = tpu.memref_squeeze %dma_wait3A_234 : memref<1x128xi32, #tpu.memory_space<vmem>> -> memref<128xi32, #tpu.memory_space<vmem>>
      %dma_wait3A_236 = arith.constant 0 : i32
      %dma_wait3A_237 = arith.constant 0 : i32
      %dma_wait3A_238 = tpu.memref_slice %arg22[%dma_wait3A_236, %dma_wait3A_237] : memref<10112x32xf32, #tpu.memory_space<vmem_shared>> -> memref<10112x32xf32, #tpu.memory_space<vmem_shared>>
      tpu.wait_indirect_dma semaphore(%arg16 : memref<!tpu.dma_semaphore, #tpu.memory_space<semaphore_mem>>) src(%dma_wait3A_238 : memref<10112x32xf32, #tpu.memory_space<vmem_shared>>) dst(%arg12 : memref<128x32xf32, #tpu.memory_space<vmem>>)
      %add3A_239 = arith.constant 3 : i32
      %add3A_240 = arith.addi %mul3A_182, %add3A_239 : i32
      %dma_start3A_241 = arith.constant 0 : i32
      %dma_start3A_242 = tpu.memref_slice %arg8[%add3A_240, %dma_start3A_241] : memref<80x128xi32, #tpu.memory_space<vmem>> -> memref<1x128xi32, #tpu.memory_space<vmem>>
      %dma_start3A_243 = tpu.memref_squeeze %dma_start3A_242 : memref<1x128xi32, #tpu.memory_space<vmem>> -> memref<128xi32, #tpu.memory_space<vmem>>
      %dma_start3A_244 = arith.constant 0 : i32
      %dma_start3A_245 = arith.constant 0 : i32
      %dma_start3A_246 = tpu.memref_slice %arg21[%dma_start3A_244, %dma_start3A_245] : memref<10112x32xf32, #tpu.memory_space<vmem_shared>> -> memref<10112x32xf32, #tpu.memory_space<vmem_shared>>
      tpu.enqueue_indirect_dma source(%arg12 : memref<128x32xf32, #tpu.memory_space<vmem>>) target(%dma_start3A_246 : memref<10112x32xf32, #tpu.memory_space<vmem_shared>>) offsets(%dma_start3A_243 : memref<128xi32, #tpu.memory_space<vmem>>) semaphore(%arg20 : memref<!tpu.dma_semaphore, #tpu.memory_space<semaphore_mem>>) {add = true}
      %add3A_247 = arith.constant 0 : i32
      %add3A_248 = arith.addi %mul3A_182, %add3A_247 : i32
      %dma_wait3A_249 = arith.constant 0 : i32
      %dma_wait3A_250 = tpu.memref_slice %arg8[%add3A_248, %dma_wait3A_249] : memref<80x128xi32, #tpu.memory_space<vmem>> -> memref<1x128xi32, #tpu.memory_space<vmem>>
      %dma_wait3A_251 = tpu.memref_squeeze %dma_wait3A_250 : memref<1x128xi32, #tpu.memory_space<vmem>> -> memref<128xi32, #tpu.memory_space<vmem>>
      %dma_wait3A_252 = arith.constant 0 : i32
      %dma_wait3A_253 = arith.constant 0 : i32
      %dma_wait3A_254 = tpu.memref_slice %arg21[%dma_wait3A_252, %dma_wait3A_253] : memref<10112x32xf32, #tpu.memory_space<vmem_shared>> -> memref<10112x32xf32, #tpu.memory_space<vmem_shared>>
      tpu.wait_indirect_dma semaphore(%arg17 : memref<!tpu.dma_semaphore, #tpu.memory_space<semaphore_mem>>) src(%arg9 : memref<128x32xf32, #tpu.memory_space<vmem>>) dst(%dma_wait3A_254 : memref<10112x32xf32, #tpu.memory_space<vmem_shared>>)
      %add3A_255 = arith.constant 4 : i32
      %add3A_256 = arith.addi %mul3A_182, %add3A_255 : i32
      %add3A_257 = arith.constant 0 : i32
      %add3A_258 = arith.addi %add3A_256, %add3A_257 : i32
      %dma_start3A_259 = arith.constant 0 : i32
      %dma_start3A_260 = tpu.memref_slice %arg7[%add3A_258, %dma_start3A_259] : memref<80x128xi32, #tpu.memory_space<vmem>> -> memref<1x128xi32, #tpu.memory_space<vmem>>
      %dma_start3A_261 = tpu.memref_squeeze %dma_start3A_260 : memref<1x128xi32, #tpu.memory_space<vmem>> -> memref<128xi32, #tpu.memory_space<vmem>>
      %dma_start3A_262 = arith.constant 0 : i32
      %dma_start3A_263 = arith.constant 0 : i32
      %dma_start3A_264 = tpu.memref_slice %arg22[%dma_start3A_262, %dma_start3A_263] : memref<10112x32xf32, #tpu.memory_space<vmem_shared>> -> memref<10112x32xf32, #tpu.memory_space<vmem_shared>>
      tpu.enqueue_indirect_dma source(%dma_start3A_264 : memref<10112x32xf32, #tpu.memory_space<vmem_shared>>) target(%arg9 : memref<128x32xf32, #tpu.memory_space<vmem>>) offsets(%dma_start3A_261 : memref<128xi32, #tpu.memory_space<vmem>>) semaphore(%arg13 : memref<!tpu.dma_semaphore, #tpu.memory_space<semaphore_mem>>)
      %add3A_265 = arith.constant 1 : i32
      %add3A_266 = arith.addi %mul3A_182, %add3A_265 : i32
      %dma_wait3A_267 = arith.constant 0 : i32
      %dma_wait3A_268 = tpu.memref_slice %arg8[%add3A_266, %dma_wait3A_267] : memref<80x128xi32, #tpu.memory_space<vmem>> -> memref<1x128xi32, #tpu.memory_space<vmem>>
      %dma_wait3A_269 = tpu.memref_squeeze %dma_wait3A_268 : memref<1x128xi32, #tpu.memory_space<vmem>> -> memref<128xi32, #tpu.memory_space<vmem>>
      %dma_wait3A_270 = arith.constant 0 : i32
      %dma_wait3A_271 = arith.constant 0 : i32
      %dma_wait3A_272 = tpu.memref_slice %arg21[%dma_wait3A_270, %dma_wait3A_271] : memref<10112x32xf32, #tpu.memory_space<vmem_shared>> -> memref<10112x32xf32, #tpu.memory_space<vmem_shared>>
      tpu.wait_indirect_dma semaphore(%arg18 : memref<!tpu.dma_semaphore, #tpu.memory_space<semaphore_mem>>) src(%arg10 : memref<128x32xf32, #tpu.memory_space<vmem>>) dst(%dma_wait3A_272 : memref<10112x32xf32, #tpu.memory_space<vmem_shared>>)
      %add3A_273 = arith.constant 4 : i32
      %add3A_274 = arith.addi %mul3A_182, %add3A_273 : i32
      %add3A_275 = arith.constant 1 : i32
      %add3A_276 = arith.addi %add3A_274, %add3A_275 : i32
      %dma_start3A_277 = arith.constant 0 : i32
      %dma_start3A_278 = tpu.memref_slice %arg7[%add3A_276, %dma_start3A_277] : memref<80x128xi32, #tpu.memory_space<vmem>> -> memref<1x128xi32, #tpu.memory_space<vmem>>
      %dma_start3A_279 = tpu.memref_squeeze %dma_start3A_278 : memref<1x128xi32, #tpu.memory_space<vmem>> -> memref<128xi32, #tpu.memory_space<vmem>>
      %dma_start3A_280 = arith.constant 0 : i32
      %dma_start3A_281 = arith.constant 0 : i32
      %dma_start3A_282 = tpu.memref_slice %arg22[%dma_start3A_280, %dma_start3A_281] : memref<10112x32xf32, #tpu.memory_space<vmem_shared>> -> memref<10112x32xf32, #tpu.memory_space<vmem_shared>>
      tpu.enqueue_indirect_dma source(%dma_start3A_282 : memref<10112x32xf32, #tpu.memory_space<vmem_shared>>) target(%arg10 : memref<128x32xf32, #tpu.memory_space<vmem>>) offsets(%dma_start3A_279 : memref<128xi32, #tpu.memory_space<vmem>>) semaphore(%arg14 : memref<!tpu.dma_semaphore, #tpu.memory_space<semaphore_mem>>)
      %add3A_283 = arith.constant 2 : i32
      %add3A_284 = arith.addi %mul3A_182, %add3A_283 : i32
      %dma_wait3A_285 = arith.constant 0 : i32
      %dma_wait3A_286 = tpu.memref_slice %arg8[%add3A_284, %dma_wait3A_285] : memref<80x128xi32, #tpu.memory_space<vmem>> -> memref<1x128xi32, #tpu.memory_space<vmem>>
      %dma_wait3A_287 = tpu.memref_squeeze %dma_wait3A_286 : memref<1x128xi32, #tpu.memory_space<vmem>> -> memref<128xi32, #tpu.memory_space<vmem>>
      %dma_wait3A_288 = arith.constant 0 : i32
      %dma_wait3A_289 = arith.constant 0 : i32
      %dma_wait3A_290 = tpu.memref_slice %arg21[%dma_wait3A_288, %dma_wait3A_289] : memref<10112x32xf32, #tpu.memory_space<vmem_shared>> -> memref<10112x32xf32, #tpu.memory_space<vmem_shared>>
      tpu.wait_indirect_dma semaphore(%arg19 : memref<!tpu.dma_semaphore, #tpu.memory_space<semaphore_mem>>) src(%arg11 : memref<128x32xf32, #tpu.memory_space<vmem>>) dst(%dma_wait3A_290 : memref<10112x32xf32, #tpu.memory_space<vmem_shared>>)
      %add3A_291 = arith.constant 4 : i32
      %add3A_292 = arith.addi %mul3A_182, %add3A_291 : i32
      %add3A_293 = arith.constant 2 : i32
      %add3A_294 = arith.addi %add3A_292, %add3A_293 : i32
      %dma_start3A_295 = arith.constant 0 : i32
      %dma_start3A_296 = tpu.memref_slice %arg7[%add3A_294, %dma_start3A_295] : memref<80x128xi32, #tpu.memory_space<vmem>> -> memref<1x128xi32, #tpu.memory_space<vmem>>
      %dma_start3A_297 = tpu.memref_squeeze %dma_start3A_296 : memref<1x128xi32, #tpu.memory_space<vmem>> -> memref<128xi32, #tpu.memory_space<vmem>>
      %dma_start3A_298 = arith.constant 0 : i32
      %dma_start3A_299 = arith.constant 0 : i32
      %dma_start3A_300 = tpu.memref_slice %arg22[%dma_start3A_298, %dma_start3A_299] : memref<10112x32xf32, #tpu.memory_space<vmem_shared>> -> memref<10112x32xf32, #tpu.memory_space<vmem_shared>>
      tpu.enqueue_indirect_dma source(%dma_start3A_300 : memref<10112x32xf32, #tpu.memory_space<vmem_shared>>) target(%arg11 : memref<128x32xf32, #tpu.memory_space<vmem>>) offsets(%dma_start3A_297 : memref<128xi32, #tpu.memory_space<vmem>>) semaphore(%arg15 : memref<!tpu.dma_semaphore, #tpu.memory_space<semaphore_mem>>)
      %add3A_301 = arith.constant 3 : i32
      %add3A_302 = arith.addi %mul3A_182, %add3A_301 : i32
      %dma_wait3A_303 = arith.constant 0 : i32
      %dma_wait3A_304 = tpu.memref_slice %arg8[%add3A_302, %dma_wait3A_303] : memref<80x128xi32, #tpu.memory_space<vmem>> -> memref<1x128xi32, #tpu.memory_space<vmem>>
      %dma_wait3A_305 = tpu.memref_squeeze %dma_wait3A_304 : memref<1x128xi32, #tpu.memory_space<vmem>> -> memref<128xi32, #tpu.memory_space<vmem>>
      %dma_wait3A_306 = arith.constant 0 : i32
      %dma_wait3A_307 = arith.constant 0 : i32
      %dma_wait3A_308 = tpu.memref_slice %arg21[%dma_wait3A_306, %dma_wait3A_307] : memref<10112x32xf32, #tpu.memory_space<vmem_shared>> -> memref<10112x32xf32, #tpu.memory_space<vmem_shared>>
      tpu.wait_indirect_dma semaphore(%arg20 : memref<!tpu.dma_semaphore, #tpu.memory_space<semaphore_mem>>) src(%arg12 : memref<128x32xf32, #tpu.memory_space<vmem>>) dst(%dma_wait3A_308 : memref<10112x32xf32, #tpu.memory_space<vmem_shared>>)
      %add3A_309 = arith.constant 4 : i32
      %add3A_310 = arith.addi %mul3A_182, %add3A_309 : i32
      %add3A_311 = arith.constant 3 : i32
      %add3A_312 = arith.addi %add3A_310, %add3A_311 : i32
      %dma_start3A_313 = arith.constant 0 : i32
      %dma_start3A_314 = tpu.memref_slice %arg7[%add3A_312, %dma_start3A_313] : memref<80x128xi32, #tpu.memory_space<vmem>> -> memref<1x128xi32, #tpu.memory_space<vmem>>
      %dma_start3A_315 = tpu.memref_squeeze %dma_start3A_314 : memref<1x128xi32, #tpu.memory_space<vmem>> -> memref<128xi32, #tpu.memory_space<vmem>>
      %dma_start3A_316 = arith.constant 0 : i32
      %dma_start3A_317 = arith.constant 0 : i32
      %dma_start3A_318 = tpu.memref_slice %arg22[%dma_start3A_316, %dma_start3A_317] : memref<10112x32xf32, #tpu.memory_space<vmem_shared>> -> memref<10112x32xf32, #tpu.memory_space<vmem_shared>>
      tpu.enqueue_indirect_dma source(%dma_start3A_318 : memref<10112x32xf32, #tpu.memory_space<vmem_shared>>) target(%arg12 : memref<128x32xf32, #tpu.memory_space<vmem>>) offsets(%dma_start3A_315 : memref<128xi32, #tpu.memory_space<vmem>>) semaphore(%arg16 : memref<!tpu.dma_semaphore, #tpu.memory_space<semaphore_mem>>)
    }
    %while3A_77 = arith.constant 1 : i32
    scf.for %while3A_180 = %while3A_75 to %while3A_71 step %while3A_77  : i32 {
      %mul3A_181 = arith.constant 4 : i32
      %mul3A_182 = arith.muli %mul3A_181, %while3A_180 : i32
      %add3A_183 = arith.constant 0 : i32
      %add3A_184 = arith.addi %mul3A_182, %add3A_183 : i32
      %dma_wait3A_185 = arith.constant 0 : i32
      %dma_wait3A_186 = tpu.memref_slice %arg7[%add3A_184, %dma_wait3A_185] : memref<80x128xi32, #tpu.memory_space<vmem>> -> memref<1x128xi32, #tpu.memory_space<vmem>>
      %dma_wait3A_187 = tpu.memref_squeeze %dma_wait3A_186 : memref<1x128xi32, #tpu.memory_space<vmem>> -> memref<128xi32, #tpu.memory_space<vmem>>
      %dma_wait3A_188 = arith.constant 0 : i32
      %dma_wait3A_189 = arith.constant 0 : i32
      %dma_wait3A_190 = tpu.memref_slice %arg22[%dma_wait3A_188, %dma_wait3A_189] : memref<10112x32xf32, #tpu.memory_space<vmem_shared>> -> memref<10112x32xf32, #tpu.memory_space<vmem_shared>>
      tpu.wait_indirect_dma semaphore(%arg13 : memref<!tpu.dma_semaphore, #tpu.memory_space<semaphore_mem>>) src(%dma_wait3A_190 : memref<10112x32xf32, #tpu.memory_space<vmem_shared>>) dst(%arg9 : memref<128x32xf32, #tpu.memory_space<vmem>>)
      %add3A_191 = arith.constant 0 : i32
      %add3A_192 = arith.addi %mul3A_182, %add3A_191 : i32
      %dma_start3A_193 = arith.constant 0 : i32
      %dma_start3A_194 = tpu.memref_slice %arg8[%add3A_192, %dma_start3A_193] : memref<80x128xi32, #tpu.memory_space<vmem>> -> memref<1x128xi32, #tpu.memory_space<vmem>>
      %dma_start3A_195 = tpu.memref_squeeze %dma_start3A_194 : memref<1x128xi32, #tpu.memory_space<vmem>> -> memref<128xi32, #tpu.memory_space<vmem>>
      %dma_start3A_196 = arith.constant 0 : i32
      %dma_start3A_197 = arith.constant 0 : i32
      %dma_start3A_198 = tpu.memref_slice %arg21[%dma_start3A_196, %dma_start3A_197] : memref<10112x32xf32, #tpu.memory_space<vmem_shared>> -> memref<10112x32xf32, #tpu.memory_space<vmem_shared>>
      tpu.enqueue_indirect_dma source(%arg9 : memref<128x32xf32, #tpu.memory_space<vmem>>) target(%dma_start3A_198 : memref<10112x32xf32, #tpu.memory_space<vmem_shared>>) offsets(%dma_start3A_195 : memref<128xi32, #tpu.memory_space<vmem>>) semaphore(%arg17 : memref<!tpu.dma_semaphore, #tpu.memory_space<semaphore_mem>>) {add = true}
      %add3A_199 = arith.constant 1 : i32
      %add3A_200 = arith.addi %mul3A_182, %add3A_199 : i32
      %dma_wait3A_201 = arith.constant 0 : i32
      %dma_wait3A_202 = tpu.memref_slice %arg7[%add3A_200, %dma_wait3A_201] : memref<80x128xi32, #tpu.memory_space<vmem>> -> memref<1x128xi32, #tpu.memory_space<vmem>>
      %dma_wait3A_203 = tpu.memref_squeeze %dma_wait3A_202 : memref<1x128xi32, #tpu.memory_space<vmem>> -> memref<128xi32, #tpu.memory_space<vmem>>
      %dma_wait3A_204 = arith.constant 0 : i32
      %dma_wait3A_205 = arith.constant 0 : i32
      %dma_wait3A_206 = tpu.memref_slice %arg22[%dma_wait3A_204, %dma_wait3A_205] : memref<10112x32xf32, #tpu.memory_space<vmem_shared>> -> memref<10112x32xf32, #tpu.memory_space<vmem_shared>>
      tpu.wait_indirect_dma semaphore(%arg14 : memref<!tpu.dma_semaphore, #tpu.memory_space<semaphore_mem>>) src(%dma_wait3A_206 : memref<10112x32xf32, #tpu.memory_space<vmem_shared>>) dst(%arg10 : memref<128x32xf32, #tpu.memory_space<vmem>>)
      %add3A_207 = arith.constant 1 : i32
      %add3A_208 = arith.addi %mul3A_182, %add3A_207 : i32
      %dma_start3A_209 = arith.constant 0 : i32
      %dma_start3A_210 = tpu.memref_slice %arg8[%add3A_208, %dma_start3A_209] : memref<80x128xi32, #tpu.memory_space<vmem>> -> memref<1x128xi32, #tpu.memory_space<vmem>>
      %dma_start3A_211 = tpu.memref_squeeze %dma_start3A_210 : memref<1x128xi32, #tpu.memory_space<vmem>> -> memref<128xi32, #tpu.memory_space<vmem>>
      %dma_start3A_212 = arith.constant 0 : i32
      %dma_start3A_213 = arith.constant 0 : i32
      %dma_start3A_214 = tpu.memref_slice %arg21[%dma_start3A_212, %dma_start3A_213] : memref<10112x32xf32, #tpu.memory_space<vmem_shared>> -> memref<10112x32xf32, #tpu.memory_space<vmem_shared>>
      tpu.enqueue_indirect_dma source(%arg10 : memref<128x32xf32, #tpu.memory_space<vmem>>) target(%dma_start3A_214 : memref<10112x32xf32, #tpu.memory_space<vmem_shared>>) offsets(%dma_start3A_211 : memref<128xi32, #tpu.memory_space<vmem>>) semaphore(%arg18 : memref<!tpu.dma_semaphore, #tpu.memory_space<semaphore_mem>>) {add = true}
      %add3A_215 = arith.constant 2 : i32
      %add3A_216 = arith.addi %mul3A_182, %add3A_215 : i32
      %dma_wait3A_217 = arith.constant 0 : i32
      %dma_wait3A_218 = tpu.memref_slice %arg7[%add3A_216, %dma_wait3A_217] : memref<80x128xi32, #tpu.memory_space<vmem>> -> memref<1x128xi32, #tpu.memory_space<vmem>>
      %dma_wait3A_219 = tpu.memref_squeeze %dma_wait3A_218 : memref<1x128xi32, #tpu.memory_space<vmem>> -> memref<128xi32, #tpu.memory_space<vmem>>
      %dma_wait3A_220 = arith.constant 0 : i32
      %dma_wait3A_221 = arith.constant 0 : i32
      %dma_wait3A_222 = tpu.memref_slice %arg22[%dma_wait3A_220, %dma_wait3A_221] : memref<10112x32xf32, #tpu.memory_space<vmem_shared>> -> memref<10112x32xf32, #tpu.memory_space<vmem_shared>>
      tpu.wait_indirect_dma semaphore(%arg15 : memref<!tpu.dma_semaphore, #tpu.memory_space<semaphore_mem>>) src(%dma_wait3A_222 : memref<10112x32xf32, #tpu.memory_space<vmem_shared>>) dst(%arg11 : memref<128x32xf32, #tpu.memory_space<vmem>>)
      %add3A_223 = arith.constant 2 : i32
      %add3A_224 = arith.addi %mul3A_182, %add3A_223 : i32
      %dma_start3A_225 = arith.constant 0 : i32
      %dma_start3A_226 = tpu.memref_slice %arg8[%add3A_224, %dma_start3A_225] : memref<80x128xi32, #tpu.memory_space<vmem>> -> memref<1x128xi32, #tpu.memory_space<vmem>>
      %dma_start3A_227 = tpu.memref_squeeze %dma_start3A_226 : memref<1x128xi32, #tpu.memory_space<vmem>> -> memref<128xi32, #tpu.memory_space<vmem>>
      %dma_start3A_228 = arith.constant 0 : i32
      %dma_start3A_229 = arith.constant 0 : i32
      %dma_start3A_230 = tpu.memref_slice %arg21[%dma_start3A_228, %dma_start3A_229] : memref<10112x32xf32, #tpu.memory_space<vmem_shared>> -> memref<10112x32xf32, #tpu.memory_space<vmem_shared>>
      tpu.enqueue_indirect_dma source(%arg11 : memref<128x32xf32, #tpu.memory_space<vmem>>) target(%dma_start3A_230 : memref<10112x32xf32, #tpu.memory_space<vmem_shared>>) offsets(%dma_start3A_227 : memref<128xi32, #tpu.memory_space<vmem>>) semaphore(%arg19 : memref<!tpu.dma_semaphore, #tpu.memory_space<semaphore_mem>>) {add = true}
      %add3A_231 = arith.constant 3 : i32
      %add3A_232 = arith.addi %mul3A_182, %add3A_231 : i32
      %dma_wait3A_233 = arith.constant 0 : i32
      %dma_wait3A_234 = tpu.memref_slice %arg7[%add3A_232, %dma_wait3A_233] : memref<80x128xi32, #tpu.memory_space<vmem>> -> memref<1x128xi32, #tpu.memory_space<vmem>>
      %dma_wait3A_235 = tpu.memref_squeeze %dma_wait3A_234 : memref<1x128xi32, #tpu.memory_space<vmem>> -> memref<128xi32, #tpu.memory_space<vmem>>
      %dma_wait3A_236 = arith.constant 0 : i32
      %dma_wait3A_237 = arith.constant 0 : i32
      %dma_wait3A_238 = tpu.memref_slice %arg22[%dma_wait3A_236, %dma_wait3A_237] : memref<10112x32xf32, #tpu.memory_space<vmem_shared>> -> memref<10112x32xf32, #tpu.memory_space<vmem_shared>>
      tpu.wait_indirect_dma semaphore(%arg16 : memref<!tpu.dma_semaphore, #tpu.memory_space<semaphore_mem>>) src(%dma_wait3A_238 : memref<10112x32xf32, #tpu.memory_space<vmem_shared>>) dst(%arg12 : memref<128x32xf32, #tpu.memory_space<vmem>>)
      %add3A_239 = arith.constant 3 : i32
      %add3A_240 = arith.addi %mul3A_182, %add3A_239 : i32
      %dma_start3A_241 = arith.constant 0 : i32
      %dma_start3A_242 = tpu.memref_slice %arg8[%add3A_240, %dma_start3A_241] : memref<80x128xi32, #tpu.memory_space<vmem>> -> memref<1x128xi32, #tpu.memory_space<vmem>>
      %dma_start3A_243 = tpu.memref_squeeze %dma_start3A_242 : memref<1x128xi32, #tpu.memory_space<vmem>> -> memref<128xi32, #tpu.memory_space<vmem>>
      %dma_start3A_244 = arith.constant 0 : i32
      %dma_start3A_245 = arith.constant 0 : i32
      %dma_start3A_246 = tpu.memref_slice %arg21[%dma_start3A_244, %dma_start3A_245] : memref<10112x32xf32, #tpu.memory_space<vmem_shared>> -> memref<10112x32xf32, #tpu.memory_space<vmem_shared>>
      tpu.enqueue_indirect_dma source(%arg12 : memref<128x32xf32, #tpu.memory_space<vmem>>) target(%dma_start3A_246 : memref<10112x32xf32, #tpu.memory_space<vmem_shared>>) offsets(%dma_start3A_243 : memref<128xi32, #tpu.memory_space<vmem>>) semaphore(%arg20 : memref<!tpu.dma_semaphore, #tpu.memory_space<semaphore_mem>>) {add = true}
      %add3A_247 = arith.constant 0 : i32
      %add3A_248 = arith.addi %mul3A_182, %add3A_247 : i32
      %dma_wait3A_249 = arith.constant 0 : i32
      %dma_wait3A_250 = tpu.memref_slice %arg8[%add3A_248, %dma_wait3A_249] : memref<80x128xi32, #tpu.memory_space<vmem>> -> memref<1x128xi32, #tpu.memory_space<vmem>>
      %dma_wait3A_251 = tpu.memref_squeeze %dma_wait3A_250 : memref<1x128xi32, #tpu.memory_space<vmem>> -> memref<128xi32, #tpu.memory_space<vmem>>
      %dma_wait3A_252 = arith.constant 0 : i32
      %dma_wait3A_253 = arith.constant 0 : i32
      %dma_wait3A_254 = tpu.memref_slice %arg21[%dma_wait3A_252, %dma_wait3A_253] : memref<10112x32xf32, #tpu.memory_space<vmem_shared>> -> memref<10112x32xf32, #tpu.memory_space<vmem_shared>>
      tpu.wait_indirect_dma semaphore(%arg17 : memref<!tpu.dma_semaphore, #tpu.memory_space<semaphore_mem>>) src(%arg9 : memref<128x32xf32, #tpu.memory_space<vmem>>) dst(%dma_wait3A_254 : memref<10112x32xf32, #tpu.memory_space<vmem_shared>>)
      %add3A_255 = arith.constant 4 : i32
      %add3A_256 = arith.addi %mul3A_182, %add3A_255 : i32
      %add3A_257 = arith.constant 0 : i32
      %add3A_258 = arith.addi %add3A_256, %add3A_257 : i32
      %dma_start3A_259 = arith.constant 0 : i32
      %dma_start3A_260 = tpu.memref_slice %arg7[%add3A_258, %dma_start3A_259] : memref<80x128xi32, #tpu.memory_space<vmem>> -> memref<1x128xi32, #tpu.memory_space<vmem>>
      %dma_start3A_261 = tpu.memref_squeeze %dma_start3A_260 : memref<1x128xi32, #tpu.memory_space<vmem>> -> memref<128xi32, #tpu.memory_space<vmem>>
      %dma_start3A_262 = arith.constant 0 : i32
      %dma_start3A_263 = arith.constant 0 : i32
      %dma_start3A_264 = tpu.memref_slice %arg22[%dma_start3A_262, %dma_start3A_263] : memref<10112x32xf32, #tpu.memory_space<vmem_shared>> -> memref<10112x32xf32, #tpu.memory_space<vmem_shared>>
      tpu.enqueue_indirect_dma source(%dma_start3A_264 : memref<10112x32xf32, #tpu.memory_space<vmem_shared>>) target(%arg9 : memref<128x32xf32, #tpu.memory_space<vmem>>) offsets(%dma_start3A_261 : memref<128xi32, #tpu.memory_space<vmem>>) semaphore(%arg13 : memref<!tpu.dma_semaphore, #tpu.memory_space<semaphore_mem>>)
      %add3A_265 = arith.constant 1 : i32
      %add3A_266 = arith.addi %mul3A_182, %add3A_265 : i32
      %dma_wait3A_267 = arith.constant 0 : i32
      %dma_wait3A_268 = tpu.memref_slice %arg8[%add3A_266, %dma_wait3A_267] : memref<80x128xi32, #tpu.memory_space<vmem>> -> memref<1x128xi32, #tpu.memory_space<vmem>>
      %dma_wait3A_269 = tpu.memref_squeeze %dma_wait3A_268 : memref<1x128xi32, #tpu.memory_space<vmem>> -> memref<128xi32, #tpu.memory_space<vmem>>
      %dma_wait3A_270 = arith.constant 0 : i32
      %dma_wait3A_271 = arith.constant 0 : i32
      %dma_wait3A_272 = tpu.memref_slice %arg21[%dma_wait3A_270, %dma_wait3A_271] : memref<10112x32xf32, #tpu.memory_space<vmem_shared>> -> memref<10112x32xf32, #tpu.memory_space<vmem_shared>>
      tpu.wait_indirect_dma semaphore(%arg18 : memref<!tpu.dma_semaphore, #tpu.memory_space<semaphore_mem>>) src(%arg10 : memref<128x32xf32, #tpu.memory_space<vmem>>) dst(%dma_wait3A_272 : memref<10112x32xf32, #tpu.memory_space<vmem_shared>>)
      %add3A_273 = arith.constant 4 : i32
      %add3A_274 = arith.addi %mul3A_182, %add3A_273 : i32
      %add3A_275 = arith.constant 1 : i32
      %add3A_276 = arith.addi %add3A_274, %add3A_275 : i32
      %dma_start3A_277 = arith.constant 0 : i32
      %dma_start3A_278 = tpu.memref_slice %arg7[%add3A_276, %dma_start3A_277] : memref<80x128xi32, #tpu.memory_space<vmem>> -> memref<1x128xi32, #tpu.memory_space<vmem>>
      %dma_start3A_279 = tpu.memref_squeeze %dma_start3A_278 : memref<1x128xi32, #tpu.memory_space<vmem>> -> memref<128xi32, #tpu.memory_space<vmem>>
      %dma_start3A_280 = arith.constant 0 : i32
      %dma_start3A_281 = arith.constant 0 : i32
      %dma_start3A_282 = tpu.memref_slice %arg22[%dma_start3A_280, %dma_start3A_281] : memref<10112x32xf32, #tpu.memory_space<vmem_shared>> -> memref<10112x32xf32, #tpu.memory_space<vmem_shared>>
      tpu.enqueue_indirect_dma source(%dma_start3A_282 : memref<10112x32xf32, #tpu.memory_space<vmem_shared>>) target(%arg10 : memref<128x32xf32, #tpu.memory_space<vmem>>) offsets(%dma_start3A_279 : memref<128xi32, #tpu.memory_space<vmem>>) semaphore(%arg14 : memref<!tpu.dma_semaphore, #tpu.memory_space<semaphore_mem>>)
      %add3A_283 = arith.constant 2 : i32
      %add3A_284 = arith.addi %mul3A_182, %add3A_283 : i32
      %dma_wait3A_285 = arith.constant 0 : i32
      %dma_wait3A_286 = tpu.memref_slice %arg8[%add3A_284, %dma_wait3A_285] : memref<80x128xi32, #tpu.memory_space<vmem>> -> memref<1x128xi32, #tpu.memory_space<vmem>>
      %dma_wait3A_287 = tpu.memref_squeeze %dma_wait3A_286 : memref<1x128xi32, #tpu.memory_space<vmem>> -> memref<128xi32, #tpu.memory_space<vmem>>
      %dma_wait3A_288 = arith.constant 0 : i32
      %dma_wait3A_289 = arith.constant 0 : i32
      %dma_wait3A_290 = tpu.memref_slice %arg21[%dma_wait3A_288, %dma_wait3A_289] : memref<10112x32xf32, #tpu.memory_space<vmem_shared>> -> memref<10112x32xf32, #tpu.memory_space<vmem_shared>>
      tpu.wait_indirect_dma semaphore(%arg19 : memref<!tpu.dma_semaphore, #tpu.memory_space<semaphore_mem>>) src(%arg11 : memref<128x32xf32, #tpu.memory_space<vmem>>) dst(%dma_wait3A_290 : memref<10112x32xf32, #tpu.memory_space<vmem_shared>>)
      %add3A_291 = arith.constant 4 : i32
      %add3A_292 = arith.addi %mul3A_182, %add3A_291 : i32
      %add3A_293 = arith.constant 2 : i32
      %add3A_294 = arith.addi %add3A_292, %add3A_293 : i32
      %dma_start3A_295 = arith.constant 0 : i32
      %dma_start3A_296 = tpu.memref_slice %arg7[%add3A_294, %dma_start3A_295] : memref<80x128xi32, #tpu.memory_space<vmem>> -> memref<1x128xi32, #tpu.memory_space<vmem>>
      %dma_start3A_297 = tpu.memref_squeeze %dma_start3A_296 : memref<1x128xi32, #tpu.memory_space<vmem>> -> memref<128xi32, #tpu.memory_space<vmem>>
      %dma_start3A_298 = arith.constant 0 : i32
      %dma_start3A_299 = arith.constant 0 : i32
      %dma_start3A_300 = tpu.memref_slice %arg22[%dma_start3A_298, %dma_start3A_299] : memref<10112x32xf32, #tpu.memory_space<vmem_shared>> -> memref<10112x32xf32, #tpu.memory_space<vmem_shared>>
      tpu.enqueue_indirect_dma source(%dma_start3A_300 : memref<10112x32xf32, #tpu.memory_space<vmem_shared>>) target(%arg11 : memref<128x32xf32, #tpu.memory_space<vmem>>) offsets(%dma_start3A_297 : memref<128xi32, #tpu.memory_space<vmem>>) semaphore(%arg15 : memref<!tpu.dma_semaphore, #tpu.memory_space<semaphore_mem>>)
      %add3A_301 = arith.constant 3 : i32
      %add3A_302 = arith.addi %mul3A_182, %add3A_301 : i32
      %dma_wait3A_303 = arith.constant 0 : i32
      %dma_wait3A_304 = tpu.memref_slice %arg8[%add3A_302, %dma_wait3A_303] : memref<80x128xi32, #tpu.memory_space<vmem>> -> memref<1x128xi32, #tpu.memory_space<vmem>>
      %dma_wait3A_305 = tpu.memref_squeeze %dma_wait3A_304 : memref<1x128xi32, #tpu.memory_space<vmem>> -> memref<128xi32, #tpu.memory_space<vmem>>
      %dma_wait3A_306 = arith.constant 0 : i32
      %dma_wait3A_307 = arith.constant 0 : i32
      %dma_wait3A_308 = tpu.memref_slice %arg21[%dma_wait3A_306, %dma_wait3A_307] : memref<10112x32xf32, #tpu.memory_space<vmem_shared>> -> memref<10112x32xf32, #tpu.memory_space<vmem_shared>>
      tpu.wait_indirect_dma semaphore(%arg20 : memref<!tpu.dma_semaphore, #tpu.memory_space<semaphore_mem>>) src(%arg12 : memref<128x32xf32, #tpu.memory_space<vmem>>) dst(%dma_wait3A_308 : memref<10112x32xf32, #tpu.memory_space<vmem_shared>>)
      %add3A_309 = arith.constant 4 : i32
      %add3A_310 = arith.addi %mul3A_182, %add3A_309 : i32
      %add3A_311 = arith.constant 3 : i32
      %add3A_312 = arith.addi %add3A_310, %add3A_311 : i32
      %dma_start3A_313 = arith.constant 0 : i32
      %dma_start3A_314 = tpu.memref_slice %arg7[%add3A_312, %dma_start3A_313] : memref<80x128xi32, #tpu.memory_space<vmem>> -> memref<1x128xi32, #tpu.memory_space<vmem>>
      %dma_start3A_315 = tpu.memref_squeeze %dma_start3A_314 : memref<1x128xi32, #tpu.memory_space<vmem>> -> memref<128xi32, #tpu.memory_space<vmem>>
      %dma_start3A_316 = arith.constant 0 : i32
      %dma_start3A_317 = arith.constant 0 : i32
      %dma_start3A_318 = tpu.memref_slice %arg22[%dma_start3A_316, %dma_start3A_317] : memref<10112x32xf32, #tpu.memory_space<vmem_shared>> -> memref<10112x32xf32, #tpu.memory_space<vmem_shared>>
      tpu.enqueue_indirect_dma source(%dma_start3A_318 : memref<10112x32xf32, #tpu.memory_space<vmem_shared>>) target(%arg12 : memref<128x32xf32, #tpu.memory_space<vmem>>) offsets(%dma_start3A_315 : memref<128xi32, #tpu.memory_space<vmem>>) semaphore(%arg16 : memref<!tpu.dma_semaphore, #tpu.memory_space<semaphore_mem>>)
    }
    %sub3A_78 = arith.constant 4 : i32
    %sub3A_79 = arith.subi %select_n3A, %sub3A_78 : i32
    %add3A_80 = arith.constant 0 : i32
    %add3A_81 = arith.addi %sub3A_79, %add3A_80 : i32
    %dma_wait3A = arith.constant 0 : i32
    %dma_wait3A_82 = tpu.memref_slice %arg7[%add3A_81, %dma_wait3A] : memref<80x128xi32, #tpu.memory_space<vmem>> -> memref<1x128xi32, #tpu.memory_space<vmem>>
    %dma_wait3A_83 = tpu.memref_squeeze %dma_wait3A_82 : memref<1x128xi32, #tpu.memory_space<vmem>> -> memref<128xi32, #tpu.memory_space<vmem>>
    %dma_wait3A_84 = arith.constant 0 : i32
    %dma_wait3A_85 = arith.constant 0 : i32
    %dma_wait3A_86 = tpu.memref_slice %arg22[%dma_wait3A_84, %dma_wait3A_85] : memref<10112x32xf32, #tpu.memory_space<vmem_shared>> -> memref<10112x32xf32, #tpu.memory_space<vmem_shared>>
    tpu.wait_indirect_dma semaphore(%arg13 : memref<!tpu.dma_semaphore, #tpu.memory_space<semaphore_mem>>) src(%dma_wait3A_86 : memref<10112x32xf32, #tpu.memory_space<vmem_shared>>) dst(%arg9 : memref<128x32xf32, #tpu.memory_space<vmem>>)
    %add3A_87 = arith.constant 0 : i32
    %add3A_88 = arith.addi %sub3A_79, %add3A_87 : i32
    %dma_start3A_89 = arith.constant 0 : i32
    %dma_start3A_90 = tpu.memref_slice %arg8[%add3A_88, %dma_start3A_89] : memref<80x128xi32, #tpu.memory_space<vmem>> -> memref<1x128xi32, #tpu.memory_space<vmem>>
    %dma_start3A_91 = tpu.memref_squeeze %dma_start3A_90 : memref<1x128xi32, #tpu.memory_space<vmem>> -> memref<128xi32, #tpu.memory_space<vmem>>
    %dma_start3A_92 = arith.constant 0 : i32
    %dma_start3A_93 = arith.constant 0 : i32
    %dma_start3A_94 = tpu.memref_slice %arg21[%dma_start3A_92, %dma_start3A_93] : memref<10112x32xf32, #tpu.memory_space<vmem_shared>> -> memref<10112x32xf32, #tpu.memory_space<vmem_shared>>
    tpu.enqueue_indirect_dma source(%arg9 : memref<128x32xf32, #tpu.memory_space<vmem>>) target(%dma_start3A_94 : memref<10112x32xf32, #tpu.memory_space<vmem_shared>>) offsets(%dma_start3A_91 : memref<128xi32, #tpu.memory_space<vmem>>) semaphore(%arg17 : memref<!tpu.dma_semaphore, #tpu.memory_space<semaphore_mem>>) {add = true}
    %add3A_95 = arith.constant 1 : i32
    %add3A_96 = arith.addi %sub3A_79, %add3A_95 : i32
    %dma_wait3A_97 = arith.constant 0 : i32
    %dma_wait3A_98 = tpu.memref_slice %arg7[%add3A_96, %dma_wait3A_97] : memref<80x128xi32, #tpu.memory_space<vmem>> -> memref<1x128xi32, #tpu.memory_space<vmem>>
    %dma_wait3A_99 = tpu.memref_squeeze %dma_wait3A_98 : memref<1x128xi32, #tpu.memory_space<vmem>> -> memref<128xi32, #tpu.memory_space<vmem>>
    %dma_wait3A_100 = arith.constant 0 : i32
    %dma_wait3A_101 = arith.constant 0 : i32
    %dma_wait3A_102 = tpu.memref_slice %arg22[%dma_wait3A_100, %dma_wait3A_101] : memref<10112x32xf32, #tpu.memory_space<vmem_shared>> -> memref<10112x32xf32, #tpu.memory_space<vmem_shared>>
    tpu.wait_indirect_dma semaphore(%arg14 : memref<!tpu.dma_semaphore, #tpu.memory_space<semaphore_mem>>) src(%dma_wait3A_102 : memref<10112x32xf32, #tpu.memory_space<vmem_shared>>) dst(%arg10 : memref<128x32xf32, #tpu.memory_space<vmem>>)
    %add3A_103 = arith.constant 1 : i32
    %add3A_104 = arith.addi %sub3A_79, %add3A_103 : i32
    %dma_start3A_105 = arith.constant 0 : i32
    %dma_start3A_106 = tpu.memref_slice %arg8[%add3A_104, %dma_start3A_105] : memref<80x128xi32, #tpu.memory_space<vmem>> -> memref<1x128xi32, #tpu.memory_space<vmem>>
    %dma_start3A_107 = tpu.memref_squeeze %dma_start3A_106 : memref<1x128xi32, #tpu.memory_space<vmem>> -> memref<128xi32, #tpu.memory_space<vmem>>
    %dma_start3A_108 = arith.constant 0 : i32
    %dma_start3A_109 = arith.constant 0 : i32
    %dma_start3A_110 = tpu.memref_slice %arg21[%dma_start3A_108, %dma_start3A_109] : memref<10112x32xf32, #tpu.memory_space<vmem_shared>> -> memref<10112x32xf32, #tpu.memory_space<vmem_shared>>
    tpu.enqueue_indirect_dma source(%arg10 : memref<128x32xf32, #tpu.memory_space<vmem>>) target(%dma_start3A_110 : memref<10112x32xf32, #tpu.memory_space<vmem_shared>>) offsets(%dma_start3A_107 : memref<128xi32, #tpu.memory_space<vmem>>) semaphore(%arg18 : memref<!tpu.dma_semaphore, #tpu.memory_space<semaphore_mem>>) {add = true}
    %add3A_111 = arith.constant 2 : i32
    %add3A_112 = arith.addi %sub3A_79, %add3A_111 : i32
    %dma_wait3A_113 = arith.constant 0 : i32
    %dma_wait3A_114 = tpu.memref_slice %arg7[%add3A_112, %dma_wait3A_113] : memref<80x128xi32, #tpu.memory_space<vmem>> -> memref<1x128xi32, #tpu.memory_space<vmem>>
    %dma_wait3A_115 = tpu.memref_squeeze %dma_wait3A_114 : memref<1x128xi32, #tpu.memory_space<vmem>> -> memref<128xi32, #tpu.memory_space<vmem>>
    %dma_wait3A_116 = arith.constant 0 : i32
    %dma_wait3A_117 = arith.constant 0 : i32
    %dma_wait3A_118 = tpu.memref_slice %arg22[%dma_wait3A_116, %dma_wait3A_117] : memref<10112x32xf32, #tpu.memory_space<vmem_shared>> -> memref<10112x32xf32, #tpu.memory_space<vmem_shared>>
    tpu.wait_indirect_dma semaphore(%arg15 : memref<!tpu.dma_semaphore, #tpu.memory_space<semaphore_mem>>) src(%dma_wait3A_118 : memref<10112x32xf32, #tpu.memory_space<vmem_shared>>) dst(%arg11 : memref<128x32xf32, #tpu.memory_space<vmem>>)
    %add3A_119 = arith.constant 2 : i32
    %add3A_120 = arith.addi %sub3A_79, %add3A_119 : i32
    %dma_start3A_121 = arith.constant 0 : i32
    %dma_start3A_122 = tpu.memref_slice %arg8[%add3A_120, %dma_start3A_121] : memref<80x128xi32, #tpu.memory_space<vmem>> -> memref<1x128xi32, #tpu.memory_space<vmem>>
    %dma_start3A_123 = tpu.memref_squeeze %dma_start3A_122 : memref<1x128xi32, #tpu.memory_space<vmem>> -> memref<128xi32, #tpu.memory_space<vmem>>
    %dma_start3A_124 = arith.constant 0 : i32
    %dma_start3A_125 = arith.constant 0 : i32
    %dma_start3A_126 = tpu.memref_slice %arg21[%dma_start3A_124, %dma_start3A_125] : memref<10112x32xf32, #tpu.memory_space<vmem_shared>> -> memref<10112x32xf32, #tpu.memory_space<vmem_shared>>
    tpu.enqueue_indirect_dma source(%arg11 : memref<128x32xf32, #tpu.memory_space<vmem>>) target(%dma_start3A_126 : memref<10112x32xf32, #tpu.memory_space<vmem_shared>>) offsets(%dma_start3A_123 : memref<128xi32, #tpu.memory_space<vmem>>) semaphore(%arg19 : memref<!tpu.dma_semaphore, #tpu.memory_space<semaphore_mem>>) {add = true}
    %add3A_127 = arith.constant 3 : i32
    %add3A_128 = arith.addi %sub3A_79, %add3A_127 : i32
    %dma_wait3A_129 = arith.constant 0 : i32
    %dma_wait3A_130 = tpu.memref_slice %arg7[%add3A_128, %dma_wait3A_129] : memref<80x128xi32, #tpu.memory_space<vmem>> -> memref<1x128xi32, #tpu.memory_space<vmem>>
    %dma_wait3A_131 = tpu.memref_squeeze %dma_wait3A_130 : memref<1x128xi32, #tpu.memory_space<vmem>> -> memref<128xi32, #tpu.memory_space<vmem>>
    %dma_wait3A_132 = arith.constant 0 : i32
    %dma_wait3A_133 = arith.constant 0 : i32
    %dma_wait3A_134 = tpu.memref_slice %arg22[%dma_wait3A_132, %dma_wait3A_133] : memref<10112x32xf32, #tpu.memory_space<vmem_shared>> -> memref<10112x32xf32, #tpu.memory_space<vmem_shared>>
    tpu.wait_indirect_dma semaphore(%arg16 : memref<!tpu.dma_semaphore, #tpu.memory_space<semaphore_mem>>) src(%dma_wait3A_134 : memref<10112x32xf32, #tpu.memory_space<vmem_shared>>) dst(%arg12 : memref<128x32xf32, #tpu.memory_space<vmem>>)
    %add3A_135 = arith.constant 3 : i32
    %add3A_136 = arith.addi %sub3A_79, %add3A_135 : i32
    %dma_start3A_137 = arith.constant 0 : i32
    %dma_start3A_138 = tpu.memref_slice %arg8[%add3A_136, %dma_start3A_137] : memref<80x128xi32, #tpu.memory_space<vmem>> -> memref<1x128xi32, #tpu.memory_space<vmem>>
    %dma_start3A_139 = tpu.memref_squeeze %dma_start3A_138 : memref<1x128xi32, #tpu.memory_space<vmem>> -> memref<128xi32, #tpu.memory_space<vmem>>
    %dma_start3A_140 = arith.constant 0 : i32
    %dma_start3A_141 = arith.constant 0 : i32
    %dma_start3A_142 = tpu.memref_slice %arg21[%dma_start3A_140, %dma_start3A_141] : memref<10112x32xf32, #tpu.memory_space<vmem_shared>> -> memref<10112x32xf32, #tpu.memory_space<vmem_shared>>
    tpu.enqueue_indirect_dma source(%arg12 : memref<128x32xf32, #tpu.memory_space<vmem>>) target(%dma_start3A_142 : memref<10112x32xf32, #tpu.memory_space<vmem_shared>>) offsets(%dma_start3A_139 : memref<128xi32, #tpu.memory_space<vmem>>) semaphore(%arg20 : memref<!tpu.dma_semaphore, #tpu.memory_space<semaphore_mem>>) {add = true}
    %add3A_143 = arith.constant 0 : i32
    %add3A_144 = arith.addi %sub3A_79, %add3A_143 : i32
    %dma_wait3A_145 = arith.constant 0 : i32
    %dma_wait3A_146 = tpu.memref_slice %arg8[%add3A_144, %dma_wait3A_145] : memref<80x128xi32, #tpu.memory_space<vmem>> -> memref<1x128xi32, #tpu.memory_space<vmem>>
    %dma_wait3A_147 = tpu.memref_squeeze %dma_wait3A_146 : memref<1x128xi32, #tpu.memory_space<vmem>> -> memref<128xi32, #tpu.memory_space<vmem>>
    %dma_wait3A_148 = arith.constant 0 : i32
    %dma_wait3A_149 = arith.constant 0 : i32
    %dma_wait3A_150 = tpu.memref_slice %arg21[%dma_wait3A_148, %dma_wait3A_149] : memref<10112x32xf32, #tpu.memory_space<vmem_shared>> -> memref<10112x32xf32, #tpu.memory_space<vmem_shared>>
    tpu.wait_indirect_dma semaphore(%arg17 : memref<!tpu.dma_semaphore, #tpu.memory_space<semaphore_mem>>) src(%arg9 : memref<128x32xf32, #tpu.memory_space<vmem>>) dst(%dma_wait3A_150 : memref<10112x32xf32, #tpu.memory_space<vmem_shared>>)
    %add3A_151 = arith.constant 1 : i32
    %add3A_152 = arith.addi %sub3A_79, %add3A_151 : i32
    %dma_wait3A_153 = arith.constant 0 : i32
    %dma_wait3A_154 = tpu.memref_slice %arg8[%add3A_152, %dma_wait3A_153] : memref<80x128xi32, #tpu.memory_space<vmem>> -> memref<1x128xi32, #tpu.memory_space<vmem>>
    %dma_wait3A_155 = tpu.memref_squeeze %dma_wait3A_154 : memref<1x128xi32, #tpu.memory_space<vmem>> -> memref<128xi32, #tpu.memory_space<vmem>>
    %dma_wait3A_156 = arith.constant 0 : i32
    %dma_wait3A_157 = arith.constant 0 : i32
    %dma_wait3A_158 = tpu.memref_slice %arg21[%dma_wait3A_156, %dma_wait3A_157] : memref<10112x32xf32, #tpu.memory_space<vmem_shared>> -> memref<10112x32xf32, #tpu.memory_space<vmem_shared>>
    tpu.wait_indirect_dma semaphore(%arg18 : memref<!tpu.dma_semaphore, #tpu.memory_space<semaphore_mem>>) src(%arg10 : memref<128x32xf32, #tpu.memory_space<vmem>>) dst(%dma_wait3A_158 : memref<10112x32xf32, #tpu.memory_space<vmem_shared>>)
    %add3A_159 = arith.constant 2 : i32
    %add3A_160 = arith.addi %sub3A_79, %add3A_159 : i32
    %dma_wait3A_161 = arith.constant 0 : i32
    %dma_wait3A_162 = tpu.memref_slice %arg8[%add3A_160, %dma_wait3A_161] : memref<80x128xi32, #tpu.memory_space<vmem>> -> memref<1x128xi32, #tpu.memory_space<vmem>>
    %dma_wait3A_163 = tpu.memref_squeeze %dma_wait3A_162 : memref<1x128xi32, #tpu.memory_space<vmem>> -> memref<128xi32, #tpu.memory_space<vmem>>
    %dma_wait3A_164 = arith.constant 0 : i32
    %dma_wait3A_165 = arith.constant 0 : i32
    %dma_wait3A_166 = tpu.memref_slice %arg21[%dma_wait3A_164, %dma_wait3A_165] : memref<10112x32xf32, #tpu.memory_space<vmem_shared>> -> memref<10112x32xf32, #tpu.memory_space<vmem_shared>>
    tpu.wait_indirect_dma semaphore(%arg19 : memref<!tpu.dma_semaphore, #tpu.memory_space<semaphore_mem>>) src(%arg11 : memref<128x32xf32, #tpu.memory_space<vmem>>) dst(%dma_wait3A_166 : memref<10112x32xf32, #tpu.memory_space<vmem_shared>>)
    %add3A_167 = arith.constant 3 : i32
    %add3A_168 = arith.addi %sub3A_79, %add3A_167 : i32
    %dma_wait3A_169 = arith.constant 0 : i32
    %dma_wait3A_170 = tpu.memref_slice %arg8[%add3A_168, %dma_wait3A_169] : memref<80x128xi32, #tpu.memory_space<vmem>> -> memref<1x128xi32, #tpu.memory_space<vmem>>
    %dma_wait3A_171 = tpu.memref_squeeze %dma_wait3A_170 : memref<1x128xi32, #tpu.memory_space<vmem>> -> memref<128xi32, #tpu.memory_space<vmem>>
    %dma_wait3A_172 = arith.constant 0 : i32
    %dma_wait3A_173 = arith.constant 0 : i32
    %dma_wait3A_174 = tpu.memref_slice %arg21[%dma_wait3A_172, %dma_wait3A_173] : memref<10112x32xf32, #tpu.memory_space<vmem_shared>> -> memref<10112x32xf32, #tpu.memory_space<vmem_shared>>
    tpu.wait_indirect_dma semaphore(%arg20 : memref<!tpu.dma_semaphore, #tpu.memory_space<semaphore_mem>>) src(%arg12 : memref<128x32xf32, #tpu.memory_space<vmem>>) dst(%dma_wait3A_174 : memref<10112x32xf32, #tpu.memory_space<vmem_shared>>)
    %barrier3A_175 = arith.constant 0 : index
    tpu.barrier barrier_id(%barrier3A_175)
    %mul3A_176 = arith.constant 632 : i32
    %mul3A_177 = arith.muli %arg1, %mul3A_176 : i32
    %mul3A_178 = arith.constant 632 : i32
    %mul3A_179 = arith.muli %arg1, %mul3A_178 : i32
    "tpu.region"() ({
      %run_scoped3A = tpu.sem_alloc : memref<!tpu.dma_semaphore, #tpu.memory_space<semaphore_mem>>
      %dma_start3A_180 = arith.constant 0 : i32
      %dma_start3A_181 = tpu.memref_slice %arg6[%arg0, %mul3A_179, %dma_start3A_180] : memref<2x10112x32xf32, #tpu.memory_space<hbm>> -> memref<1x632x32xf32, #tpu.memory_space<hbm>>
      %dma_start3A_182 = tpu.memref_squeeze %dma_start3A_181 : memref<1x632x32xf32, #tpu.memory_space<hbm>> -> memref<632x32xf32, #tpu.memory_space<hbm>>
      %dma_start3A_183 = arith.constant 0 : i32
      %dma_start3A_184 = tpu.memref_slice %arg21[%mul3A_177, %dma_start3A_183] : memref<10112x32xf32, #tpu.memory_space<vmem_shared>> -> memref<632x32xf32, #tpu.memory_space<vmem_shared>>
      tpu.enqueue_dma source(%dma_start3A_184 : memref<632x32xf32, #tpu.memory_space<vmem_shared>>) target(%dma_start3A_182 : memref<632x32xf32, #tpu.memory_space<hbm>>) target_semaphore(%run_scoped3A : memref<!tpu.dma_semaphore, #tpu.memory_space<semaphore_mem>>)
      %dma_wait3A_185 = arith.constant 0 : i32
      %dma_wait3A_186 = tpu.memref_slice %arg6[%arg0, %mul3A_179, %dma_wait3A_185] : memref<2x10112x32xf32, #tpu.memory_space<hbm>> -> memref<1x632x32xf32, #tpu.memory_space<hbm>>
      %dma_wait3A_187 = tpu.memref_squeeze %dma_wait3A_186 : memref<1x632x32xf32, #tpu.memory_space<hbm>> -> memref<632x32xf32, #tpu.memory_space<hbm>>
      %dma_wait3A_188 = arith.constant 0 : i32
      %dma_wait3A_189 = tpu.memref_slice %arg21[%mul3A_177, %dma_wait3A_188] : memref<10112x32xf32, #tpu.memory_space<vmem_shared>> -> memref<632x32xf32, #tpu.memory_space<vmem_shared>>
      tpu.wait_dma2 semaphore(%run_scoped3A : memref<!tpu.dma_semaphore, #tpu.memory_space<semaphore_mem>>) src(%dma_wait3A_189 : memref<632x32xf32, #tpu.memory_space<vmem_shared>>) dst(%dma_wait3A_187 : memref<632x32xf32, #tpu.memory_space<hbm>>)
      tpu.yield
    }) : () -> ()
    return
  }
}

#map = affine_map<(d0, d1) -> (0, 0)>
#map1 = affine_map<(d0, d1) -> (0, 0, 0)>
module attributes {stable_mosaic.version = 14 : i64} {
  func.func @k(%arg0: i32, %arg1: i32, %arg2: memref<2500x128xi32, #tpu.memory_space<hbm>>, %arg3: memref<2500x128xi32, #tpu.memory_space<hbm>>, %arg4: memref<10112x8xf32, #tpu.memory_space<hbm>>, %arg5: memref<10112x8xf32, #tpu.memory_space<hbm>>, %arg6: memref<2x10112x8xf32, #tpu.memory_space<hbm>>, %arg7: memref<80x128xi32, #tpu.memory_space<vmem>>, %arg8: memref<80x128xi32, #tpu.memory_space<vmem>>, %arg9: memref<128x8xf32, #tpu.memory_space<vmem>>, %arg10: memref<128x8xf32, #tpu.memory_space<vmem>>, %arg11: memref<128x8xf32, #tpu.memory_space<vmem>>, %arg12: memref<128x8xf32, #tpu.memory_space<vmem>>, %arg13: memref<!tpu.dma_semaphore, #tpu.memory_space<semaphore_mem>>, %arg14: memref<!tpu.dma_semaphore, #tpu.memory_space<semaphore_mem>>, %arg15: memref<!tpu.dma_semaphore, #tpu.memory_space<semaphore_mem>>, %arg16: memref<!tpu.dma_semaphore, #tpu.memory_space<semaphore_mem>>, %arg17: memref<!tpu.dma_semaphore, #tpu.memory_space<semaphore_mem>>, %arg18: memref<!tpu.dma_semaphore, #tpu.memory_space<semaphore_mem>>, %arg19: memref<!tpu.dma_semaphore, #tpu.memory_space<semaphore_mem>>, %arg20: memref<!tpu.dma_semaphore, #tpu.memory_space<semaphore_mem>>, %arg21: memref<10112x8xf32, #tpu.memory_space<vmem_shared>>, %arg22: memref<10112x8xf32, #tpu.memory_space<vmem_shared>>) attributes {dimension_semantics = [#tpu.dimension_semantics<core_parallel>, #tpu.dimension_semantics<subcore_parallel>], iteration_bounds = array<i64: 2, 16>, scalar_prefetch = 0 : i64, scratch_operands = 16 : i64, tpu.core_type = #tpu.core_type<sc_vector_subcore>, window_params = [{transform_indices = #map}, {transform_indices = #map}, {transform_indices = #map}, {transform_indices = #map}, {transform_indices = #map1}]} {
    %mul3A = arith.constant 2 : i32
    %mul3A_0 = arith.muli %arg1, %mul3A : i32
    %add3A = arith.addi %mul3A_0, %arg0 : i32
    %lt3A = arith.constant 15 : i32
    %lt3A_1 = arith.cmpi slt, %add3A, %lt3A : i32
    %jit3A = arith.constant 76 : i32
    %jit3A_2 = arith.constant 80 : i32
    %select_n3A = arith.select %lt3A_1, %jit3A, %jit3A_2 : i32
    %lt3A_3 = arith.constant 15 : i32
    %lt3A_4 = arith.cmpi slt, %add3A, %lt3A_3 : i32
    %mul3A_5 = arith.constant 76 : i32
    %mul3A_6 = arith.muli %mul3A_5, %add3A : i32
    %sub3A = arith.constant 15 : i32
    %sub3A_7 = arith.subi %add3A, %sub3A : i32
    %mul3A_8 = arith.constant 80 : i32
    %mul3A_9 = arith.muli %mul3A_8, %sub3A_7 : i32
    %add3A_10 = arith.constant 1140 : i32
    %add3A_11 = arith.addi %add3A_10, %mul3A_9 : i32
    %select_n3A_12 = arith.select %lt3A_4, %mul3A_6, %add3A_11 : i32
    "tpu.region"() ({
      %run_scoped3A = tpu.sem_alloc : memref<!tpu.dma_semaphore, #tpu.memory_space<semaphore_mem>>
      %dma_start3A_180 = arith.constant 0 : i32
      %dma_start3A_181 = tpu.memref_slice %arg2[%select_n3A_12, %dma_start3A_180] : memref<2500x128xi32, #tpu.memory_space<hbm>> -> memref<80x128xi32, #tpu.memory_space<hbm>>
      %dma_start3A_182 = arith.constant 0 : i32
      %dma_start3A_183 = tpu.memref_slice %arg2[%select_n3A_12, %dma_start3A_182] : memref<2500x128xi32, #tpu.memory_space<hbm>> -> memref<80x128xi32, #tpu.memory_space<hbm>>
      tpu.enqueue_dma source(%dma_start3A_183 : memref<80x128xi32, #tpu.memory_space<hbm>>) target(%arg7 : memref<80x128xi32, #tpu.memory_space<vmem>>) target_semaphore(%run_scoped3A : memref<!tpu.dma_semaphore, #tpu.memory_space<semaphore_mem>>)
      %dma_wait3A_184 = arith.constant 0 : i32
      %dma_wait3A_185 = tpu.memref_slice %arg2[%select_n3A_12, %dma_wait3A_184] : memref<2500x128xi32, #tpu.memory_space<hbm>> -> memref<80x128xi32, #tpu.memory_space<hbm>>
      %dma_wait3A_186 = arith.constant 0 : i32
      %dma_wait3A_187 = tpu.memref_slice %arg2[%select_n3A_12, %dma_wait3A_186] : memref<2500x128xi32, #tpu.memory_space<hbm>> -> memref<80x128xi32, #tpu.memory_space<hbm>>
      tpu.wait_dma2 semaphore(%run_scoped3A : memref<!tpu.dma_semaphore, #tpu.memory_space<semaphore_mem>>) src(%dma_wait3A_187 : memref<80x128xi32, #tpu.memory_space<hbm>>) dst(%arg7 : memref<80x128xi32, #tpu.memory_space<vmem>>)
      tpu.yield
    }) : () -> ()
    "tpu.region"() ({
      %run_scoped3A = tpu.sem_alloc : memref<!tpu.dma_semaphore, #tpu.memory_space<semaphore_mem>>
      %dma_start3A_180 = arith.constant 0 : i32
      %dma_start3A_181 = tpu.memref_slice %arg3[%select_n3A_12, %dma_start3A_180] : memref<2500x128xi32, #tpu.memory_space<hbm>> -> memref<80x128xi32, #tpu.memory_space<hbm>>
      %dma_start3A_182 = arith.constant 0 : i32
      %dma_start3A_183 = tpu.memref_slice %arg3[%select_n3A_12, %dma_start3A_182] : memref<2500x128xi32, #tpu.memory_space<hbm>> -> memref<80x128xi32, #tpu.memory_space<hbm>>
      tpu.enqueue_dma source(%dma_start3A_183 : memref<80x128xi32, #tpu.memory_space<hbm>>) target(%arg8 : memref<80x128xi32, #tpu.memory_space<vmem>>) target_semaphore(%run_scoped3A : memref<!tpu.dma_semaphore, #tpu.memory_space<semaphore_mem>>)
      %dma_wait3A_184 = arith.constant 0 : i32
      %dma_wait3A_185 = tpu.memref_slice %arg3[%select_n3A_12, %dma_wait3A_184] : memref<2500x128xi32, #tpu.memory_space<hbm>> -> memref<80x128xi32, #tpu.memory_space<hbm>>
      %dma_wait3A_186 = arith.constant 0 : i32
      %dma_wait3A_187 = tpu.memref_slice %arg3[%select_n3A_12, %dma_wait3A_186] : memref<2500x128xi32, #tpu.memory_space<hbm>> -> memref<80x128xi32, #tpu.memory_space<hbm>>
      tpu.wait_dma2 semaphore(%run_scoped3A : memref<!tpu.dma_semaphore, #tpu.memory_space<semaphore_mem>>) src(%dma_wait3A_187 : memref<80x128xi32, #tpu.memory_space<hbm>>) dst(%arg8 : memref<80x128xi32, #tpu.memory_space<vmem>>)
      tpu.yield
    }) : () -> ()
    %mul3A_13 = arith.constant 632 : i32
    %mul3A_14 = arith.muli %arg1, %mul3A_13 : i32
    %mul3A_15 = arith.constant 632 : i32
    %mul3A_16 = arith.muli %arg1, %mul3A_15 : i32
    "tpu.region"() ({
      %run_scoped3A = tpu.sem_alloc : memref<!tpu.dma_semaphore, #tpu.memory_space<semaphore_mem>>
      %dma_start3A_180 = arith.constant 0 : i32
      %dma_start3A_181 = tpu.memref_slice %arg21[%mul3A_16, %dma_start3A_180] : memref<10112x8xf32, #tpu.memory_space<vmem_shared>> -> memref<632x8xf32, #tpu.memory_space<vmem_shared>>
      %dma_start3A_182 = arith.constant 0 : i32
      %dma_start3A_183 = tpu.memref_slice %arg5[%mul3A_14, %dma_start3A_182] : memref<10112x8xf32, #tpu.memory_space<hbm>> -> memref<632x8xf32, #tpu.memory_space<hbm>>
      tpu.enqueue_dma source(%dma_start3A_183 : memref<632x8xf32, #tpu.memory_space<hbm>>) target(%dma_start3A_181 : memref<632x8xf32, #tpu.memory_space<vmem_shared>>) target_semaphore(%run_scoped3A : memref<!tpu.dma_semaphore, #tpu.memory_space<semaphore_mem>>)
      %dma_wait3A_184 = arith.constant 0 : i32
      %dma_wait3A_185 = tpu.memref_slice %arg21[%mul3A_16, %dma_wait3A_184] : memref<10112x8xf32, #tpu.memory_space<vmem_shared>> -> memref<632x8xf32, #tpu.memory_space<vmem_shared>>
      %dma_wait3A_186 = arith.constant 0 : i32
      %dma_wait3A_187 = tpu.memref_slice %arg5[%mul3A_14, %dma_wait3A_186] : memref<10112x8xf32, #tpu.memory_space<hbm>> -> memref<632x8xf32, #tpu.memory_space<hbm>>
      tpu.wait_dma2 semaphore(%run_scoped3A : memref<!tpu.dma_semaphore, #tpu.memory_space<semaphore_mem>>) src(%dma_wait3A_187 : memref<632x8xf32, #tpu.memory_space<hbm>>) dst(%dma_wait3A_185 : memref<632x8xf32, #tpu.memory_space<vmem_shared>>)
      tpu.yield
    }) : () -> ()
    %mul3A_17 = arith.constant 632 : i32
    %mul3A_18 = arith.muli %arg1, %mul3A_17 : i32
    %mul3A_19 = arith.constant 632 : i32
    %mul3A_20 = arith.muli %arg1, %mul3A_19 : i32
    "tpu.region"() ({
      %run_scoped3A = tpu.sem_alloc : memref<!tpu.dma_semaphore, #tpu.memory_space<semaphore_mem>>
      %dma_start3A_180 = arith.constant 0 : i32
      %dma_start3A_181 = tpu.memref_slice %arg22[%mul3A_20, %dma_start3A_180] : memref<10112x8xf32, #tpu.memory_space<vmem_shared>> -> memref<632x8xf32, #tpu.memory_space<vmem_shared>>
      %dma_start3A_182 = arith.constant 0 : i32
      %dma_start3A_183 = tpu.memref_slice %arg4[%mul3A_18, %dma_start3A_182] : memref<10112x8xf32, #tpu.memory_space<hbm>> -> memref<632x8xf32, #tpu.memory_space<hbm>>
      tpu.enqueue_dma source(%dma_start3A_183 : memref<632x8xf32, #tpu.memory_space<hbm>>) target(%dma_start3A_181 : memref<632x8xf32, #tpu.memory_space<vmem_shared>>) target_semaphore(%run_scoped3A : memref<!tpu.dma_semaphore, #tpu.memory_space<semaphore_mem>>)
      %dma_wait3A_184 = arith.constant 0 : i32
      %dma_wait3A_185 = tpu.memref_slice %arg22[%mul3A_20, %dma_wait3A_184] : memref<10112x8xf32, #tpu.memory_space<vmem_shared>> -> memref<632x8xf32, #tpu.memory_space<vmem_shared>>
      %dma_wait3A_186 = arith.constant 0 : i32
      %dma_wait3A_187 = tpu.memref_slice %arg4[%mul3A_18, %dma_wait3A_186] : memref<10112x8xf32, #tpu.memory_space<hbm>> -> memref<632x8xf32, #tpu.memory_space<hbm>>
      tpu.wait_dma2 semaphore(%run_scoped3A : memref<!tpu.dma_semaphore, #tpu.memory_space<semaphore_mem>>) src(%dma_wait3A_187 : memref<632x8xf32, #tpu.memory_space<hbm>>) dst(%dma_wait3A_185 : memref<632x8xf32, #tpu.memory_space<vmem_shared>>)
      tpu.yield
    }) : () -> ()
    %barrier3A = arith.constant 0 : index
    tpu.barrier barrier_id(%barrier3A)
    %dma_start3A = arith.constant 0 : i32
    %dma_start3A_21 = arith.constant 0 : i32
    %dma_start3A_22 = tpu.memref_slice %arg7[%dma_start3A, %dma_start3A_21] : memref<80x128xi32, #tpu.memory_space<vmem>> -> memref<1x128xi32, #tpu.memory_space<vmem>>
    %dma_start3A_23 = tpu.memref_squeeze %dma_start3A_22 : memref<1x128xi32, #tpu.memory_space<vmem>> -> memref<128xi32, #tpu.memory_space<vmem>>
    %dma_start3A_24 = arith.constant 0 : i32
    %dma_start3A_25 = arith.constant 0 : i32
    %dma_start3A_26 = tpu.memref_slice %arg22[%dma_start3A_24, %dma_start3A_25] : memref<10112x8xf32, #tpu.memory_space<vmem_shared>> -> memref<10112x8xf32, #tpu.memory_space<vmem_shared>>
    tpu.enqueue_indirect_dma source(%dma_start3A_26 : memref<10112x8xf32, #tpu.memory_space<vmem_shared>>) target(%arg9 : memref<128x8xf32, #tpu.memory_space<vmem>>) offsets(%dma_start3A_23 : memref<128xi32, #tpu.memory_space<vmem>>) semaphore(%arg13 : memref<!tpu.dma_semaphore, #tpu.memory_space<semaphore_mem>>)
    %dma_start3A_27 = arith.constant 1 : i32
    %dma_start3A_28 = arith.constant 0 : i32
    %dma_start3A_29 = tpu.memref_slice %arg7[%dma_start3A_27, %dma_start3A_28] : memref<80x128xi32, #tpu.memory_space<vmem>> -> memref<1x128xi32, #tpu.memory_space<vmem>>
    %dma_start3A_30 = tpu.memref_squeeze %dma_start3A_29 : memref<1x128xi32, #tpu.memory_space<vmem>> -> memref<128xi32, #tpu.memory_space<vmem>>
    %dma_start3A_31 = arith.constant 0 : i32
    %dma_start3A_32 = arith.constant 0 : i32
    %dma_start3A_33 = tpu.memref_slice %arg22[%dma_start3A_31, %dma_start3A_32] : memref<10112x8xf32, #tpu.memory_space<vmem_shared>> -> memref<10112x8xf32, #tpu.memory_space<vmem_shared>>
    tpu.enqueue_indirect_dma source(%dma_start3A_33 : memref<10112x8xf32, #tpu.memory_space<vmem_shared>>) target(%arg10 : memref<128x8xf32, #tpu.memory_space<vmem>>) offsets(%dma_start3A_30 : memref<128xi32, #tpu.memory_space<vmem>>) semaphore(%arg14 : memref<!tpu.dma_semaphore, #tpu.memory_space<semaphore_mem>>)
    %dma_start3A_34 = arith.constant 2 : i32
    %dma_start3A_35 = arith.constant 0 : i32
    %dma_start3A_36 = tpu.memref_slice %arg7[%dma_start3A_34, %dma_start3A_35] : memref<80x128xi32, #tpu.memory_space<vmem>> -> memref<1x128xi32, #tpu.memory_space<vmem>>
    %dma_start3A_37 = tpu.memref_squeeze %dma_start3A_36 : memref<1x128xi32, #tpu.memory_space<vmem>> -> memref<128xi32, #tpu.memory_space<vmem>>
    %dma_start3A_38 = arith.constant 0 : i32
    %dma_start3A_39 = arith.constant 0 : i32
    %dma_start3A_40 = tpu.memref_slice %arg22[%dma_start3A_38, %dma_start3A_39] : memref<10112x8xf32, #tpu.memory_space<vmem_shared>> -> memref<10112x8xf32, #tpu.memory_space<vmem_shared>>
    tpu.enqueue_indirect_dma source(%dma_start3A_40 : memref<10112x8xf32, #tpu.memory_space<vmem_shared>>) target(%arg11 : memref<128x8xf32, #tpu.memory_space<vmem>>) offsets(%dma_start3A_37 : memref<128xi32, #tpu.memory_space<vmem>>) semaphore(%arg15 : memref<!tpu.dma_semaphore, #tpu.memory_space<semaphore_mem>>)
    %dma_start3A_41 = arith.constant 3 : i32
    %dma_start3A_42 = arith.constant 0 : i32
    %dma_start3A_43 = tpu.memref_slice %arg7[%dma_start3A_41, %dma_start3A_42] : memref<80x128xi32, #tpu.memory_space<vmem>> -> memref<1x128xi32, #tpu.memory_space<vmem>>
    %dma_start3A_44 = tpu.memref_squeeze %dma_start3A_43 : memref<1x128xi32, #tpu.memory_space<vmem>> -> memref<128xi32, #tpu.memory_space<vmem>>
    %dma_start3A_45 = arith.constant 0 : i32
    %dma_start3A_46 = arith.constant 0 : i32
    %dma_start3A_47 = tpu.memref_slice %arg22[%dma_start3A_45, %dma_start3A_46] : memref<10112x8xf32, #tpu.memory_space<vmem_shared>> -> memref<10112x8xf32, #tpu.memory_space<vmem_shared>>
    tpu.enqueue_indirect_dma source(%dma_start3A_47 : memref<10112x8xf32, #tpu.memory_space<vmem_shared>>) target(%arg12 : memref<128x8xf32, #tpu.memory_space<vmem>>) offsets(%dma_start3A_44 : memref<128xi32, #tpu.memory_space<vmem>>) semaphore(%arg16 : memref<!tpu.dma_semaphore, #tpu.memory_space<semaphore_mem>>)
    %jit3A_48 = arith.constant 4 : i32
    %div3A = arith.divsi %select_n3A, %jit3A_48 : i32
    %sign3A = arith.constant 0 : i32
    %sign3A_49 = arith.cmpi sgt, %select_n3A, %sign3A : i32
    %sign3A_50 = arith.extui %sign3A_49 : i1 to i32
    %sign3A_51 = arith.constant 0 : i32
    %sign3A_52 = arith.cmpi slt, %select_n3A, %sign3A_51 : i32
    %sign3A_53 = arith.extui %sign3A_52 : i1 to i32
    %sign3A_54 = arith.subi %sign3A_50, %sign3A_53 : i32
    %sign3A_55 = arith.constant 0 : i32
    %sign3A_56 = arith.cmpi sgt, %jit3A_48, %sign3A_55 : i32
    %sign3A_57 = arith.extui %sign3A_56 : i1 to i32
    %sign3A_58 = arith.constant 0 : i32
    %sign3A_59 = arith.cmpi slt, %jit3A_48, %sign3A_58 : i32
    %sign3A_60 = arith.extui %sign3A_59 : i1 to i32
    %sign3A_61 = arith.subi %sign3A_57, %sign3A_60 : i32
    %ne3A = arith.cmpi ne, %sign3A_54, %sign3A_61 : i32
    %rem3A = arith.remsi %select_n3A, %jit3A_48 : i32
    %ne3A_62 = arith.constant 0 : i32
    %ne3A_63 = arith.cmpi ne, %rem3A, %ne3A_62 : i32
    %and3A = arith.andi %ne3A, %ne3A_63 : i1
    %sub3A_64 = arith.constant 1 : i32
    %sub3A_65 = arith.subi %div3A, %sub3A_64 : i32
    %select_n3A_66 = arith.select %and3A, %sub3A_65, %div3A : i32
    %sub3A_67 = arith.constant 1 : i32
    %sub3A_68 = arith.subi %select_n3A_66, %sub3A_67 : i32
    %while3A = arith.constant 0 : i32
    %while3A_69 = arith.constant 0 : i32
    %while3A_70 = arith.subi %sub3A_68, %while3A_69 : i32
    %while3A_71 = arith.addi %while3A_69, %while3A_70 : i32
    %while3A_72 = arith.constant 1 : i32
    %while3A_73 = arith.divsi %while3A_70, %while3A_72 : i32
    %while3A_74 = arith.muli %while3A_73, %while3A_72 : i32
    %while3A_75 = arith.addi %while3A_69, %while3A_74 : i32
    %while3A_76 = arith.constant 1 : i32
    scf.for %while3A_180 = %while3A_69 to %while3A_75 step %while3A_76  : i32 {
      %mul3A_181 = arith.constant 4 : i32
      %mul3A_182 = arith.muli %mul3A_181, %while3A_180 : i32
      %add3A_183 = arith.constant 0 : i32
      %add3A_184 = arith.addi %mul3A_182, %add3A_183 : i32
      %dma_wait3A_185 = arith.constant 0 : i32
      %dma_wait3A_186 = tpu.memref_slice %arg7[%add3A_184, %dma_wait3A_185] : memref<80x128xi32, #tpu.memory_space<vmem>> -> memref<1x128xi32, #tpu.memory_space<vmem>>
      %dma_wait3A_187 = tpu.memref_squeeze %dma_wait3A_186 : memref<1x128xi32, #tpu.memory_space<vmem>> -> memref<128xi32, #tpu.memory_space<vmem>>
      %dma_wait3A_188 = arith.constant 0 : i32
      %dma_wait3A_189 = arith.constant 0 : i32
      %dma_wait3A_190 = tpu.memref_slice %arg22[%dma_wait3A_188, %dma_wait3A_189] : memref<10112x8xf32, #tpu.memory_space<vmem_shared>> -> memref<10112x8xf32, #tpu.memory_space<vmem_shared>>
      tpu.wait_indirect_dma semaphore(%arg13 : memref<!tpu.dma_semaphore, #tpu.memory_space<semaphore_mem>>) src(%dma_wait3A_190 : memref<10112x8xf32, #tpu.memory_space<vmem_shared>>) dst(%arg9 : memref<128x8xf32, #tpu.memory_space<vmem>>)
      %add3A_191 = arith.constant 0 : i32
      %add3A_192 = arith.addi %mul3A_182, %add3A_191 : i32
      %dma_start3A_193 = arith.constant 0 : i32
      %dma_start3A_194 = tpu.memref_slice %arg8[%add3A_192, %dma_start3A_193] : memref<80x128xi32, #tpu.memory_space<vmem>> -> memref<1x128xi32, #tpu.memory_space<vmem>>
      %dma_start3A_195 = tpu.memref_squeeze %dma_start3A_194 : memref<1x128xi32, #tpu.memory_space<vmem>> -> memref<128xi32, #tpu.memory_space<vmem>>
      %dma_start3A_196 = arith.constant 0 : i32
      %dma_start3A_197 = arith.constant 0 : i32
      %dma_start3A_198 = tpu.memref_slice %arg21[%dma_start3A_196, %dma_start3A_197] : memref<10112x8xf32, #tpu.memory_space<vmem_shared>> -> memref<10112x8xf32, #tpu.memory_space<vmem_shared>>
      tpu.enqueue_indirect_dma source(%arg9 : memref<128x8xf32, #tpu.memory_space<vmem>>) target(%dma_start3A_198 : memref<10112x8xf32, #tpu.memory_space<vmem_shared>>) offsets(%dma_start3A_195 : memref<128xi32, #tpu.memory_space<vmem>>) semaphore(%arg17 : memref<!tpu.dma_semaphore, #tpu.memory_space<semaphore_mem>>) {add = true}
      %add3A_199 = arith.constant 1 : i32
      %add3A_200 = arith.addi %mul3A_182, %add3A_199 : i32
      %dma_wait3A_201 = arith.constant 0 : i32
      %dma_wait3A_202 = tpu.memref_slice %arg7[%add3A_200, %dma_wait3A_201] : memref<80x128xi32, #tpu.memory_space<vmem>> -> memref<1x128xi32, #tpu.memory_space<vmem>>
      %dma_wait3A_203 = tpu.memref_squeeze %dma_wait3A_202 : memref<1x128xi32, #tpu.memory_space<vmem>> -> memref<128xi32, #tpu.memory_space<vmem>>
      %dma_wait3A_204 = arith.constant 0 : i32
      %dma_wait3A_205 = arith.constant 0 : i32
      %dma_wait3A_206 = tpu.memref_slice %arg22[%dma_wait3A_204, %dma_wait3A_205] : memref<10112x8xf32, #tpu.memory_space<vmem_shared>> -> memref<10112x8xf32, #tpu.memory_space<vmem_shared>>
      tpu.wait_indirect_dma semaphore(%arg14 : memref<!tpu.dma_semaphore, #tpu.memory_space<semaphore_mem>>) src(%dma_wait3A_206 : memref<10112x8xf32, #tpu.memory_space<vmem_shared>>) dst(%arg10 : memref<128x8xf32, #tpu.memory_space<vmem>>)
      %add3A_207 = arith.constant 1 : i32
      %add3A_208 = arith.addi %mul3A_182, %add3A_207 : i32
      %dma_start3A_209 = arith.constant 0 : i32
      %dma_start3A_210 = tpu.memref_slice %arg8[%add3A_208, %dma_start3A_209] : memref<80x128xi32, #tpu.memory_space<vmem>> -> memref<1x128xi32, #tpu.memory_space<vmem>>
      %dma_start3A_211 = tpu.memref_squeeze %dma_start3A_210 : memref<1x128xi32, #tpu.memory_space<vmem>> -> memref<128xi32, #tpu.memory_space<vmem>>
      %dma_start3A_212 = arith.constant 0 : i32
      %dma_start3A_213 = arith.constant 0 : i32
      %dma_start3A_214 = tpu.memref_slice %arg21[%dma_start3A_212, %dma_start3A_213] : memref<10112x8xf32, #tpu.memory_space<vmem_shared>> -> memref<10112x8xf32, #tpu.memory_space<vmem_shared>>
      tpu.enqueue_indirect_dma source(%arg10 : memref<128x8xf32, #tpu.memory_space<vmem>>) target(%dma_start3A_214 : memref<10112x8xf32, #tpu.memory_space<vmem_shared>>) offsets(%dma_start3A_211 : memref<128xi32, #tpu.memory_space<vmem>>) semaphore(%arg18 : memref<!tpu.dma_semaphore, #tpu.memory_space<semaphore_mem>>) {add = true}
      %add3A_215 = arith.constant 2 : i32
      %add3A_216 = arith.addi %mul3A_182, %add3A_215 : i32
      %dma_wait3A_217 = arith.constant 0 : i32
      %dma_wait3A_218 = tpu.memref_slice %arg7[%add3A_216, %dma_wait3A_217] : memref<80x128xi32, #tpu.memory_space<vmem>> -> memref<1x128xi32, #tpu.memory_space<vmem>>
      %dma_wait3A_219 = tpu.memref_squeeze %dma_wait3A_218 : memref<1x128xi32, #tpu.memory_space<vmem>> -> memref<128xi32, #tpu.memory_space<vmem>>
      %dma_wait3A_220 = arith.constant 0 : i32
      %dma_wait3A_221 = arith.constant 0 : i32
      %dma_wait3A_222 = tpu.memref_slice %arg22[%dma_wait3A_220, %dma_wait3A_221] : memref<10112x8xf32, #tpu.memory_space<vmem_shared>> -> memref<10112x8xf32, #tpu.memory_space<vmem_shared>>
      tpu.wait_indirect_dma semaphore(%arg15 : memref<!tpu.dma_semaphore, #tpu.memory_space<semaphore_mem>>) src(%dma_wait3A_222 : memref<10112x8xf32, #tpu.memory_space<vmem_shared>>) dst(%arg11 : memref<128x8xf32, #tpu.memory_space<vmem>>)
      %add3A_223 = arith.constant 2 : i32
      %add3A_224 = arith.addi %mul3A_182, %add3A_223 : i32
      %dma_start3A_225 = arith.constant 0 : i32
      %dma_start3A_226 = tpu.memref_slice %arg8[%add3A_224, %dma_start3A_225] : memref<80x128xi32, #tpu.memory_space<vmem>> -> memref<1x128xi32, #tpu.memory_space<vmem>>
      %dma_start3A_227 = tpu.memref_squeeze %dma_start3A_226 : memref<1x128xi32, #tpu.memory_space<vmem>> -> memref<128xi32, #tpu.memory_space<vmem>>
      %dma_start3A_228 = arith.constant 0 : i32
      %dma_start3A_229 = arith.constant 0 : i32
      %dma_start3A_230 = tpu.memref_slice %arg21[%dma_start3A_228, %dma_start3A_229] : memref<10112x8xf32, #tpu.memory_space<vmem_shared>> -> memref<10112x8xf32, #tpu.memory_space<vmem_shared>>
      tpu.enqueue_indirect_dma source(%arg11 : memref<128x8xf32, #tpu.memory_space<vmem>>) target(%dma_start3A_230 : memref<10112x8xf32, #tpu.memory_space<vmem_shared>>) offsets(%dma_start3A_227 : memref<128xi32, #tpu.memory_space<vmem>>) semaphore(%arg19 : memref<!tpu.dma_semaphore, #tpu.memory_space<semaphore_mem>>) {add = true}
      %add3A_231 = arith.constant 3 : i32
      %add3A_232 = arith.addi %mul3A_182, %add3A_231 : i32
      %dma_wait3A_233 = arith.constant 0 : i32
      %dma_wait3A_234 = tpu.memref_slice %arg7[%add3A_232, %dma_wait3A_233] : memref<80x128xi32, #tpu.memory_space<vmem>> -> memref<1x128xi32, #tpu.memory_space<vmem>>
      %dma_wait3A_235 = tpu.memref_squeeze %dma_wait3A_234 : memref<1x128xi32, #tpu.memory_space<vmem>> -> memref<128xi32, #tpu.memory_space<vmem>>
      %dma_wait3A_236 = arith.constant 0 : i32
      %dma_wait3A_237 = arith.constant 0 : i32
      %dma_wait3A_238 = tpu.memref_slice %arg22[%dma_wait3A_236, %dma_wait3A_237] : memref<10112x8xf32, #tpu.memory_space<vmem_shared>> -> memref<10112x8xf32, #tpu.memory_space<vmem_shared>>
      tpu.wait_indirect_dma semaphore(%arg16 : memref<!tpu.dma_semaphore, #tpu.memory_space<semaphore_mem>>) src(%dma_wait3A_238 : memref<10112x8xf32, #tpu.memory_space<vmem_shared>>) dst(%arg12 : memref<128x8xf32, #tpu.memory_space<vmem>>)
      %add3A_239 = arith.constant 3 : i32
      %add3A_240 = arith.addi %mul3A_182, %add3A_239 : i32
      %dma_start3A_241 = arith.constant 0 : i32
      %dma_start3A_242 = tpu.memref_slice %arg8[%add3A_240, %dma_start3A_241] : memref<80x128xi32, #tpu.memory_space<vmem>> -> memref<1x128xi32, #tpu.memory_space<vmem>>
      %dma_start3A_243 = tpu.memref_squeeze %dma_start3A_242 : memref<1x128xi32, #tpu.memory_space<vmem>> -> memref<128xi32, #tpu.memory_space<vmem>>
      %dma_start3A_244 = arith.constant 0 : i32
      %dma_start3A_245 = arith.constant 0 : i32
      %dma_start3A_246 = tpu.memref_slice %arg21[%dma_start3A_244, %dma_start3A_245] : memref<10112x8xf32, #tpu.memory_space<vmem_shared>> -> memref<10112x8xf32, #tpu.memory_space<vmem_shared>>
      tpu.enqueue_indirect_dma source(%arg12 : memref<128x8xf32, #tpu.memory_space<vmem>>) target(%dma_start3A_246 : memref<10112x8xf32, #tpu.memory_space<vmem_shared>>) offsets(%dma_start3A_243 : memref<128xi32, #tpu.memory_space<vmem>>) semaphore(%arg20 : memref<!tpu.dma_semaphore, #tpu.memory_space<semaphore_mem>>) {add = true}
      %add3A_247 = arith.constant 0 : i32
      %add3A_248 = arith.addi %mul3A_182, %add3A_247 : i32
      %dma_wait3A_249 = arith.constant 0 : i32
      %dma_wait3A_250 = tpu.memref_slice %arg8[%add3A_248, %dma_wait3A_249] : memref<80x128xi32, #tpu.memory_space<vmem>> -> memref<1x128xi32, #tpu.memory_space<vmem>>
      %dma_wait3A_251 = tpu.memref_squeeze %dma_wait3A_250 : memref<1x128xi32, #tpu.memory_space<vmem>> -> memref<128xi32, #tpu.memory_space<vmem>>
      %dma_wait3A_252 = arith.constant 0 : i32
      %dma_wait3A_253 = arith.constant 0 : i32
      %dma_wait3A_254 = tpu.memref_slice %arg21[%dma_wait3A_252, %dma_wait3A_253] : memref<10112x8xf32, #tpu.memory_space<vmem_shared>> -> memref<10112x8xf32, #tpu.memory_space<vmem_shared>>
      tpu.wait_indirect_dma semaphore(%arg17 : memref<!tpu.dma_semaphore, #tpu.memory_space<semaphore_mem>>) src(%arg9 : memref<128x8xf32, #tpu.memory_space<vmem>>) dst(%dma_wait3A_254 : memref<10112x8xf32, #tpu.memory_space<vmem_shared>>)
      %add3A_255 = arith.constant 4 : i32
      %add3A_256 = arith.addi %mul3A_182, %add3A_255 : i32
      %add3A_257 = arith.constant 0 : i32
      %add3A_258 = arith.addi %add3A_256, %add3A_257 : i32
      %dma_start3A_259 = arith.constant 0 : i32
      %dma_start3A_260 = tpu.memref_slice %arg7[%add3A_258, %dma_start3A_259] : memref<80x128xi32, #tpu.memory_space<vmem>> -> memref<1x128xi32, #tpu.memory_space<vmem>>
      %dma_start3A_261 = tpu.memref_squeeze %dma_start3A_260 : memref<1x128xi32, #tpu.memory_space<vmem>> -> memref<128xi32, #tpu.memory_space<vmem>>
      %dma_start3A_262 = arith.constant 0 : i32
      %dma_start3A_263 = arith.constant 0 : i32
      %dma_start3A_264 = tpu.memref_slice %arg22[%dma_start3A_262, %dma_start3A_263] : memref<10112x8xf32, #tpu.memory_space<vmem_shared>> -> memref<10112x8xf32, #tpu.memory_space<vmem_shared>>
      tpu.enqueue_indirect_dma source(%dma_start3A_264 : memref<10112x8xf32, #tpu.memory_space<vmem_shared>>) target(%arg9 : memref<128x8xf32, #tpu.memory_space<vmem>>) offsets(%dma_start3A_261 : memref<128xi32, #tpu.memory_space<vmem>>) semaphore(%arg13 : memref<!tpu.dma_semaphore, #tpu.memory_space<semaphore_mem>>)
      %add3A_265 = arith.constant 1 : i32
      %add3A_266 = arith.addi %mul3A_182, %add3A_265 : i32
      %dma_wait3A_267 = arith.constant 0 : i32
      %dma_wait3A_268 = tpu.memref_slice %arg8[%add3A_266, %dma_wait3A_267] : memref<80x128xi32, #tpu.memory_space<vmem>> -> memref<1x128xi32, #tpu.memory_space<vmem>>
      %dma_wait3A_269 = tpu.memref_squeeze %dma_wait3A_268 : memref<1x128xi32, #tpu.memory_space<vmem>> -> memref<128xi32, #tpu.memory_space<vmem>>
      %dma_wait3A_270 = arith.constant 0 : i32
      %dma_wait3A_271 = arith.constant 0 : i32
      %dma_wait3A_272 = tpu.memref_slice %arg21[%dma_wait3A_270, %dma_wait3A_271] : memref<10112x8xf32, #tpu.memory_space<vmem_shared>> -> memref<10112x8xf32, #tpu.memory_space<vmem_shared>>
      tpu.wait_indirect_dma semaphore(%arg18 : memref<!tpu.dma_semaphore, #tpu.memory_space<semaphore_mem>>) src(%arg10 : memref<128x8xf32, #tpu.memory_space<vmem>>) dst(%dma_wait3A_272 : memref<10112x8xf32, #tpu.memory_space<vmem_shared>>)
      %add3A_273 = arith.constant 4 : i32
      %add3A_274 = arith.addi %mul3A_182, %add3A_273 : i32
      %add3A_275 = arith.constant 1 : i32
      %add3A_276 = arith.addi %add3A_274, %add3A_275 : i32
      %dma_start3A_277 = arith.constant 0 : i32
      %dma_start3A_278 = tpu.memref_slice %arg7[%add3A_276, %dma_start3A_277] : memref<80x128xi32, #tpu.memory_space<vmem>> -> memref<1x128xi32, #tpu.memory_space<vmem>>
      %dma_start3A_279 = tpu.memref_squeeze %dma_start3A_278 : memref<1x128xi32, #tpu.memory_space<vmem>> -> memref<128xi32, #tpu.memory_space<vmem>>
      %dma_start3A_280 = arith.constant 0 : i32
      %dma_start3A_281 = arith.constant 0 : i32
      %dma_start3A_282 = tpu.memref_slice %arg22[%dma_start3A_280, %dma_start3A_281] : memref<10112x8xf32, #tpu.memory_space<vmem_shared>> -> memref<10112x8xf32, #tpu.memory_space<vmem_shared>>
      tpu.enqueue_indirect_dma source(%dma_start3A_282 : memref<10112x8xf32, #tpu.memory_space<vmem_shared>>) target(%arg10 : memref<128x8xf32, #tpu.memory_space<vmem>>) offsets(%dma_start3A_279 : memref<128xi32, #tpu.memory_space<vmem>>) semaphore(%arg14 : memref<!tpu.dma_semaphore, #tpu.memory_space<semaphore_mem>>)
      %add3A_283 = arith.constant 2 : i32
      %add3A_284 = arith.addi %mul3A_182, %add3A_283 : i32
      %dma_wait3A_285 = arith.constant 0 : i32
      %dma_wait3A_286 = tpu.memref_slice %arg8[%add3A_284, %dma_wait3A_285] : memref<80x128xi32, #tpu.memory_space<vmem>> -> memref<1x128xi32, #tpu.memory_space<vmem>>
      %dma_wait3A_287 = tpu.memref_squeeze %dma_wait3A_286 : memref<1x128xi32, #tpu.memory_space<vmem>> -> memref<128xi32, #tpu.memory_space<vmem>>
      %dma_wait3A_288 = arith.constant 0 : i32
      %dma_wait3A_289 = arith.constant 0 : i32
      %dma_wait3A_290 = tpu.memref_slice %arg21[%dma_wait3A_288, %dma_wait3A_289] : memref<10112x8xf32, #tpu.memory_space<vmem_shared>> -> memref<10112x8xf32, #tpu.memory_space<vmem_shared>>
      tpu.wait_indirect_dma semaphore(%arg19 : memref<!tpu.dma_semaphore, #tpu.memory_space<semaphore_mem>>) src(%arg11 : memref<128x8xf32, #tpu.memory_space<vmem>>) dst(%dma_wait3A_290 : memref<10112x8xf32, #tpu.memory_space<vmem_shared>>)
      %add3A_291 = arith.constant 4 : i32
      %add3A_292 = arith.addi %mul3A_182, %add3A_291 : i32
      %add3A_293 = arith.constant 2 : i32
      %add3A_294 = arith.addi %add3A_292, %add3A_293 : i32
      %dma_start3A_295 = arith.constant 0 : i32
      %dma_start3A_296 = tpu.memref_slice %arg7[%add3A_294, %dma_start3A_295] : memref<80x128xi32, #tpu.memory_space<vmem>> -> memref<1x128xi32, #tpu.memory_space<vmem>>
      %dma_start3A_297 = tpu.memref_squeeze %dma_start3A_296 : memref<1x128xi32, #tpu.memory_space<vmem>> -> memref<128xi32, #tpu.memory_space<vmem>>
      %dma_start3A_298 = arith.constant 0 : i32
      %dma_start3A_299 = arith.constant 0 : i32
      %dma_start3A_300 = tpu.memref_slice %arg22[%dma_start3A_298, %dma_start3A_299] : memref<10112x8xf32, #tpu.memory_space<vmem_shared>> -> memref<10112x8xf32, #tpu.memory_space<vmem_shared>>
      tpu.enqueue_indirect_dma source(%dma_start3A_300 : memref<10112x8xf32, #tpu.memory_space<vmem_shared>>) target(%arg11 : memref<128x8xf32, #tpu.memory_space<vmem>>) offsets(%dma_start3A_297 : memref<128xi32, #tpu.memory_space<vmem>>) semaphore(%arg15 : memref<!tpu.dma_semaphore, #tpu.memory_space<semaphore_mem>>)
      %add3A_301 = arith.constant 3 : i32
      %add3A_302 = arith.addi %mul3A_182, %add3A_301 : i32
      %dma_wait3A_303 = arith.constant 0 : i32
      %dma_wait3A_304 = tpu.memref_slice %arg8[%add3A_302, %dma_wait3A_303] : memref<80x128xi32, #tpu.memory_space<vmem>> -> memref<1x128xi32, #tpu.memory_space<vmem>>
      %dma_wait3A_305 = tpu.memref_squeeze %dma_wait3A_304 : memref<1x128xi32, #tpu.memory_space<vmem>> -> memref<128xi32, #tpu.memory_space<vmem>>
      %dma_wait3A_306 = arith.constant 0 : i32
      %dma_wait3A_307 = arith.constant 0 : i32
      %dma_wait3A_308 = tpu.memref_slice %arg21[%dma_wait3A_306, %dma_wait3A_307] : memref<10112x8xf32, #tpu.memory_space<vmem_shared>> -> memref<10112x8xf32, #tpu.memory_space<vmem_shared>>
      tpu.wait_indirect_dma semaphore(%arg20 : memref<!tpu.dma_semaphore, #tpu.memory_space<semaphore_mem>>) src(%arg12 : memref<128x8xf32, #tpu.memory_space<vmem>>) dst(%dma_wait3A_308 : memref<10112x8xf32, #tpu.memory_space<vmem_shared>>)
      %add3A_309 = arith.constant 4 : i32
      %add3A_310 = arith.addi %mul3A_182, %add3A_309 : i32
      %add3A_311 = arith.constant 3 : i32
      %add3A_312 = arith.addi %add3A_310, %add3A_311 : i32
      %dma_start3A_313 = arith.constant 0 : i32
      %dma_start3A_314 = tpu.memref_slice %arg7[%add3A_312, %dma_start3A_313] : memref<80x128xi32, #tpu.memory_space<vmem>> -> memref<1x128xi32, #tpu.memory_space<vmem>>
      %dma_start3A_315 = tpu.memref_squeeze %dma_start3A_314 : memref<1x128xi32, #tpu.memory_space<vmem>> -> memref<128xi32, #tpu.memory_space<vmem>>
      %dma_start3A_316 = arith.constant 0 : i32
      %dma_start3A_317 = arith.constant 0 : i32
      %dma_start3A_318 = tpu.memref_slice %arg22[%dma_start3A_316, %dma_start3A_317] : memref<10112x8xf32, #tpu.memory_space<vmem_shared>> -> memref<10112x8xf32, #tpu.memory_space<vmem_shared>>
      tpu.enqueue_indirect_dma source(%dma_start3A_318 : memref<10112x8xf32, #tpu.memory_space<vmem_shared>>) target(%arg12 : memref<128x8xf32, #tpu.memory_space<vmem>>) offsets(%dma_start3A_315 : memref<128xi32, #tpu.memory_space<vmem>>) semaphore(%arg16 : memref<!tpu.dma_semaphore, #tpu.memory_space<semaphore_mem>>)
    }
    %while3A_77 = arith.constant 1 : i32
    scf.for %while3A_180 = %while3A_75 to %while3A_71 step %while3A_77  : i32 {
      %mul3A_181 = arith.constant 4 : i32
      %mul3A_182 = arith.muli %mul3A_181, %while3A_180 : i32
      %add3A_183 = arith.constant 0 : i32
      %add3A_184 = arith.addi %mul3A_182, %add3A_183 : i32
      %dma_wait3A_185 = arith.constant 0 : i32
      %dma_wait3A_186 = tpu.memref_slice %arg7[%add3A_184, %dma_wait3A_185] : memref<80x128xi32, #tpu.memory_space<vmem>> -> memref<1x128xi32, #tpu.memory_space<vmem>>
      %dma_wait3A_187 = tpu.memref_squeeze %dma_wait3A_186 : memref<1x128xi32, #tpu.memory_space<vmem>> -> memref<128xi32, #tpu.memory_space<vmem>>
      %dma_wait3A_188 = arith.constant 0 : i32
      %dma_wait3A_189 = arith.constant 0 : i32
      %dma_wait3A_190 = tpu.memref_slice %arg22[%dma_wait3A_188, %dma_wait3A_189] : memref<10112x8xf32, #tpu.memory_space<vmem_shared>> -> memref<10112x8xf32, #tpu.memory_space<vmem_shared>>
      tpu.wait_indirect_dma semaphore(%arg13 : memref<!tpu.dma_semaphore, #tpu.memory_space<semaphore_mem>>) src(%dma_wait3A_190 : memref<10112x8xf32, #tpu.memory_space<vmem_shared>>) dst(%arg9 : memref<128x8xf32, #tpu.memory_space<vmem>>)
      %add3A_191 = arith.constant 0 : i32
      %add3A_192 = arith.addi %mul3A_182, %add3A_191 : i32
      %dma_start3A_193 = arith.constant 0 : i32
      %dma_start3A_194 = tpu.memref_slice %arg8[%add3A_192, %dma_start3A_193] : memref<80x128xi32, #tpu.memory_space<vmem>> -> memref<1x128xi32, #tpu.memory_space<vmem>>
      %dma_start3A_195 = tpu.memref_squeeze %dma_start3A_194 : memref<1x128xi32, #tpu.memory_space<vmem>> -> memref<128xi32, #tpu.memory_space<vmem>>
      %dma_start3A_196 = arith.constant 0 : i32
      %dma_start3A_197 = arith.constant 0 : i32
      %dma_start3A_198 = tpu.memref_slice %arg21[%dma_start3A_196, %dma_start3A_197] : memref<10112x8xf32, #tpu.memory_space<vmem_shared>> -> memref<10112x8xf32, #tpu.memory_space<vmem_shared>>
      tpu.enqueue_indirect_dma source(%arg9 : memref<128x8xf32, #tpu.memory_space<vmem>>) target(%dma_start3A_198 : memref<10112x8xf32, #tpu.memory_space<vmem_shared>>) offsets(%dma_start3A_195 : memref<128xi32, #tpu.memory_space<vmem>>) semaphore(%arg17 : memref<!tpu.dma_semaphore, #tpu.memory_space<semaphore_mem>>) {add = true}
      %add3A_199 = arith.constant 1 : i32
      %add3A_200 = arith.addi %mul3A_182, %add3A_199 : i32
      %dma_wait3A_201 = arith.constant 0 : i32
      %dma_wait3A_202 = tpu.memref_slice %arg7[%add3A_200, %dma_wait3A_201] : memref<80x128xi32, #tpu.memory_space<vmem>> -> memref<1x128xi32, #tpu.memory_space<vmem>>
      %dma_wait3A_203 = tpu.memref_squeeze %dma_wait3A_202 : memref<1x128xi32, #tpu.memory_space<vmem>> -> memref<128xi32, #tpu.memory_space<vmem>>
      %dma_wait3A_204 = arith.constant 0 : i32
      %dma_wait3A_205 = arith.constant 0 : i32
      %dma_wait3A_206 = tpu.memref_slice %arg22[%dma_wait3A_204, %dma_wait3A_205] : memref<10112x8xf32, #tpu.memory_space<vmem_shared>> -> memref<10112x8xf32, #tpu.memory_space<vmem_shared>>
      tpu.wait_indirect_dma semaphore(%arg14 : memref<!tpu.dma_semaphore, #tpu.memory_space<semaphore_mem>>) src(%dma_wait3A_206 : memref<10112x8xf32, #tpu.memory_space<vmem_shared>>) dst(%arg10 : memref<128x8xf32, #tpu.memory_space<vmem>>)
      %add3A_207 = arith.constant 1 : i32
      %add3A_208 = arith.addi %mul3A_182, %add3A_207 : i32
      %dma_start3A_209 = arith.constant 0 : i32
      %dma_start3A_210 = tpu.memref_slice %arg8[%add3A_208, %dma_start3A_209] : memref<80x128xi32, #tpu.memory_space<vmem>> -> memref<1x128xi32, #tpu.memory_space<vmem>>
      %dma_start3A_211 = tpu.memref_squeeze %dma_start3A_210 : memref<1x128xi32, #tpu.memory_space<vmem>> -> memref<128xi32, #tpu.memory_space<vmem>>
      %dma_start3A_212 = arith.constant 0 : i32
      %dma_start3A_213 = arith.constant 0 : i32
      %dma_start3A_214 = tpu.memref_slice %arg21[%dma_start3A_212, %dma_start3A_213] : memref<10112x8xf32, #tpu.memory_space<vmem_shared>> -> memref<10112x8xf32, #tpu.memory_space<vmem_shared>>
      tpu.enqueue_indirect_dma source(%arg10 : memref<128x8xf32, #tpu.memory_space<vmem>>) target(%dma_start3A_214 : memref<10112x8xf32, #tpu.memory_space<vmem_shared>>) offsets(%dma_start3A_211 : memref<128xi32, #tpu.memory_space<vmem>>) semaphore(%arg18 : memref<!tpu.dma_semaphore, #tpu.memory_space<semaphore_mem>>) {add = true}
      %add3A_215 = arith.constant 2 : i32
      %add3A_216 = arith.addi %mul3A_182, %add3A_215 : i32
      %dma_wait3A_217 = arith.constant 0 : i32
      %dma_wait3A_218 = tpu.memref_slice %arg7[%add3A_216, %dma_wait3A_217] : memref<80x128xi32, #tpu.memory_space<vmem>> -> memref<1x128xi32, #tpu.memory_space<vmem>>
      %dma_wait3A_219 = tpu.memref_squeeze %dma_wait3A_218 : memref<1x128xi32, #tpu.memory_space<vmem>> -> memref<128xi32, #tpu.memory_space<vmem>>
      %dma_wait3A_220 = arith.constant 0 : i32
      %dma_wait3A_221 = arith.constant 0 : i32
      %dma_wait3A_222 = tpu.memref_slice %arg22[%dma_wait3A_220, %dma_wait3A_221] : memref<10112x8xf32, #tpu.memory_space<vmem_shared>> -> memref<10112x8xf32, #tpu.memory_space<vmem_shared>>
      tpu.wait_indirect_dma semaphore(%arg15 : memref<!tpu.dma_semaphore, #tpu.memory_space<semaphore_mem>>) src(%dma_wait3A_222 : memref<10112x8xf32, #tpu.memory_space<vmem_shared>>) dst(%arg11 : memref<128x8xf32, #tpu.memory_space<vmem>>)
      %add3A_223 = arith.constant 2 : i32
      %add3A_224 = arith.addi %mul3A_182, %add3A_223 : i32
      %dma_start3A_225 = arith.constant 0 : i32
      %dma_start3A_226 = tpu.memref_slice %arg8[%add3A_224, %dma_start3A_225] : memref<80x128xi32, #tpu.memory_space<vmem>> -> memref<1x128xi32, #tpu.memory_space<vmem>>
      %dma_start3A_227 = tpu.memref_squeeze %dma_start3A_226 : memref<1x128xi32, #tpu.memory_space<vmem>> -> memref<128xi32, #tpu.memory_space<vmem>>
      %dma_start3A_228 = arith.constant 0 : i32
      %dma_start3A_229 = arith.constant 0 : i32
      %dma_start3A_230 = tpu.memref_slice %arg21[%dma_start3A_228, %dma_start3A_229] : memref<10112x8xf32, #tpu.memory_space<vmem_shared>> -> memref<10112x8xf32, #tpu.memory_space<vmem_shared>>
      tpu.enqueue_indirect_dma source(%arg11 : memref<128x8xf32, #tpu.memory_space<vmem>>) target(%dma_start3A_230 : memref<10112x8xf32, #tpu.memory_space<vmem_shared>>) offsets(%dma_start3A_227 : memref<128xi32, #tpu.memory_space<vmem>>) semaphore(%arg19 : memref<!tpu.dma_semaphore, #tpu.memory_space<semaphore_mem>>) {add = true}
      %add3A_231 = arith.constant 3 : i32
      %add3A_232 = arith.addi %mul3A_182, %add3A_231 : i32
      %dma_wait3A_233 = arith.constant 0 : i32
      %dma_wait3A_234 = tpu.memref_slice %arg7[%add3A_232, %dma_wait3A_233] : memref<80x128xi32, #tpu.memory_space<vmem>> -> memref<1x128xi32, #tpu.memory_space<vmem>>
      %dma_wait3A_235 = tpu.memref_squeeze %dma_wait3A_234 : memref<1x128xi32, #tpu.memory_space<vmem>> -> memref<128xi32, #tpu.memory_space<vmem>>
      %dma_wait3A_236 = arith.constant 0 : i32
      %dma_wait3A_237 = arith.constant 0 : i32
      %dma_wait3A_238 = tpu.memref_slice %arg22[%dma_wait3A_236, %dma_wait3A_237] : memref<10112x8xf32, #tpu.memory_space<vmem_shared>> -> memref<10112x8xf32, #tpu.memory_space<vmem_shared>>
      tpu.wait_indirect_dma semaphore(%arg16 : memref<!tpu.dma_semaphore, #tpu.memory_space<semaphore_mem>>) src(%dma_wait3A_238 : memref<10112x8xf32, #tpu.memory_space<vmem_shared>>) dst(%arg12 : memref<128x8xf32, #tpu.memory_space<vmem>>)
      %add3A_239 = arith.constant 3 : i32
      %add3A_240 = arith.addi %mul3A_182, %add3A_239 : i32
      %dma_start3A_241 = arith.constant 0 : i32
      %dma_start3A_242 = tpu.memref_slice %arg8[%add3A_240, %dma_start3A_241] : memref<80x128xi32, #tpu.memory_space<vmem>> -> memref<1x128xi32, #tpu.memory_space<vmem>>
      %dma_start3A_243 = tpu.memref_squeeze %dma_start3A_242 : memref<1x128xi32, #tpu.memory_space<vmem>> -> memref<128xi32, #tpu.memory_space<vmem>>
      %dma_start3A_244 = arith.constant 0 : i32
      %dma_start3A_245 = arith.constant 0 : i32
      %dma_start3A_246 = tpu.memref_slice %arg21[%dma_start3A_244, %dma_start3A_245] : memref<10112x8xf32, #tpu.memory_space<vmem_shared>> -> memref<10112x8xf32, #tpu.memory_space<vmem_shared>>
      tpu.enqueue_indirect_dma source(%arg12 : memref<128x8xf32, #tpu.memory_space<vmem>>) target(%dma_start3A_246 : memref<10112x8xf32, #tpu.memory_space<vmem_shared>>) offsets(%dma_start3A_243 : memref<128xi32, #tpu.memory_space<vmem>>) semaphore(%arg20 : memref<!tpu.dma_semaphore, #tpu.memory_space<semaphore_mem>>) {add = true}
      %add3A_247 = arith.constant 0 : i32
      %add3A_248 = arith.addi %mul3A_182, %add3A_247 : i32
      %dma_wait3A_249 = arith.constant 0 : i32
      %dma_wait3A_250 = tpu.memref_slice %arg8[%add3A_248, %dma_wait3A_249] : memref<80x128xi32, #tpu.memory_space<vmem>> -> memref<1x128xi32, #tpu.memory_space<vmem>>
      %dma_wait3A_251 = tpu.memref_squeeze %dma_wait3A_250 : memref<1x128xi32, #tpu.memory_space<vmem>> -> memref<128xi32, #tpu.memory_space<vmem>>
      %dma_wait3A_252 = arith.constant 0 : i32
      %dma_wait3A_253 = arith.constant 0 : i32
      %dma_wait3A_254 = tpu.memref_slice %arg21[%dma_wait3A_252, %dma_wait3A_253] : memref<10112x8xf32, #tpu.memory_space<vmem_shared>> -> memref<10112x8xf32, #tpu.memory_space<vmem_shared>>
      tpu.wait_indirect_dma semaphore(%arg17 : memref<!tpu.dma_semaphore, #tpu.memory_space<semaphore_mem>>) src(%arg9 : memref<128x8xf32, #tpu.memory_space<vmem>>) dst(%dma_wait3A_254 : memref<10112x8xf32, #tpu.memory_space<vmem_shared>>)
      %add3A_255 = arith.constant 4 : i32
      %add3A_256 = arith.addi %mul3A_182, %add3A_255 : i32
      %add3A_257 = arith.constant 0 : i32
      %add3A_258 = arith.addi %add3A_256, %add3A_257 : i32
      %dma_start3A_259 = arith.constant 0 : i32
      %dma_start3A_260 = tpu.memref_slice %arg7[%add3A_258, %dma_start3A_259] : memref<80x128xi32, #tpu.memory_space<vmem>> -> memref<1x128xi32, #tpu.memory_space<vmem>>
      %dma_start3A_261 = tpu.memref_squeeze %dma_start3A_260 : memref<1x128xi32, #tpu.memory_space<vmem>> -> memref<128xi32, #tpu.memory_space<vmem>>
      %dma_start3A_262 = arith.constant 0 : i32
      %dma_start3A_263 = arith.constant 0 : i32
      %dma_start3A_264 = tpu.memref_slice %arg22[%dma_start3A_262, %dma_start3A_263] : memref<10112x8xf32, #tpu.memory_space<vmem_shared>> -> memref<10112x8xf32, #tpu.memory_space<vmem_shared>>
      tpu.enqueue_indirect_dma source(%dma_start3A_264 : memref<10112x8xf32, #tpu.memory_space<vmem_shared>>) target(%arg9 : memref<128x8xf32, #tpu.memory_space<vmem>>) offsets(%dma_start3A_261 : memref<128xi32, #tpu.memory_space<vmem>>) semaphore(%arg13 : memref<!tpu.dma_semaphore, #tpu.memory_space<semaphore_mem>>)
      %add3A_265 = arith.constant 1 : i32
      %add3A_266 = arith.addi %mul3A_182, %add3A_265 : i32
      %dma_wait3A_267 = arith.constant 0 : i32
      %dma_wait3A_268 = tpu.memref_slice %arg8[%add3A_266, %dma_wait3A_267] : memref<80x128xi32, #tpu.memory_space<vmem>> -> memref<1x128xi32, #tpu.memory_space<vmem>>
      %dma_wait3A_269 = tpu.memref_squeeze %dma_wait3A_268 : memref<1x128xi32, #tpu.memory_space<vmem>> -> memref<128xi32, #tpu.memory_space<vmem>>
      %dma_wait3A_270 = arith.constant 0 : i32
      %dma_wait3A_271 = arith.constant 0 : i32
      %dma_wait3A_272 = tpu.memref_slice %arg21[%dma_wait3A_270, %dma_wait3A_271] : memref<10112x8xf32, #tpu.memory_space<vmem_shared>> -> memref<10112x8xf32, #tpu.memory_space<vmem_shared>>
      tpu.wait_indirect_dma semaphore(%arg18 : memref<!tpu.dma_semaphore, #tpu.memory_space<semaphore_mem>>) src(%arg10 : memref<128x8xf32, #tpu.memory_space<vmem>>) dst(%dma_wait3A_272 : memref<10112x8xf32, #tpu.memory_space<vmem_shared>>)
      %add3A_273 = arith.constant 4 : i32
      %add3A_274 = arith.addi %mul3A_182, %add3A_273 : i32
      %add3A_275 = arith.constant 1 : i32
      %add3A_276 = arith.addi %add3A_274, %add3A_275 : i32
      %dma_start3A_277 = arith.constant 0 : i32
      %dma_start3A_278 = tpu.memref_slice %arg7[%add3A_276, %dma_start3A_277] : memref<80x128xi32, #tpu.memory_space<vmem>> -> memref<1x128xi32, #tpu.memory_space<vmem>>
      %dma_start3A_279 = tpu.memref_squeeze %dma_start3A_278 : memref<1x128xi32, #tpu.memory_space<vmem>> -> memref<128xi32, #tpu.memory_space<vmem>>
      %dma_start3A_280 = arith.constant 0 : i32
      %dma_start3A_281 = arith.constant 0 : i32
      %dma_start3A_282 = tpu.memref_slice %arg22[%dma_start3A_280, %dma_start3A_281] : memref<10112x8xf32, #tpu.memory_space<vmem_shared>> -> memref<10112x8xf32, #tpu.memory_space<vmem_shared>>
      tpu.enqueue_indirect_dma source(%dma_start3A_282 : memref<10112x8xf32, #tpu.memory_space<vmem_shared>>) target(%arg10 : memref<128x8xf32, #tpu.memory_space<vmem>>) offsets(%dma_start3A_279 : memref<128xi32, #tpu.memory_space<vmem>>) semaphore(%arg14 : memref<!tpu.dma_semaphore, #tpu.memory_space<semaphore_mem>>)
      %add3A_283 = arith.constant 2 : i32
      %add3A_284 = arith.addi %mul3A_182, %add3A_283 : i32
      %dma_wait3A_285 = arith.constant 0 : i32
      %dma_wait3A_286 = tpu.memref_slice %arg8[%add3A_284, %dma_wait3A_285] : memref<80x128xi32, #tpu.memory_space<vmem>> -> memref<1x128xi32, #tpu.memory_space<vmem>>
      %dma_wait3A_287 = tpu.memref_squeeze %dma_wait3A_286 : memref<1x128xi32, #tpu.memory_space<vmem>> -> memref<128xi32, #tpu.memory_space<vmem>>
      %dma_wait3A_288 = arith.constant 0 : i32
      %dma_wait3A_289 = arith.constant 0 : i32
      %dma_wait3A_290 = tpu.memref_slice %arg21[%dma_wait3A_288, %dma_wait3A_289] : memref<10112x8xf32, #tpu.memory_space<vmem_shared>> -> memref<10112x8xf32, #tpu.memory_space<vmem_shared>>
      tpu.wait_indirect_dma semaphore(%arg19 : memref<!tpu.dma_semaphore, #tpu.memory_space<semaphore_mem>>) src(%arg11 : memref<128x8xf32, #tpu.memory_space<vmem>>) dst(%dma_wait3A_290 : memref<10112x8xf32, #tpu.memory_space<vmem_shared>>)
      %add3A_291 = arith.constant 4 : i32
      %add3A_292 = arith.addi %mul3A_182, %add3A_291 : i32
      %add3A_293 = arith.constant 2 : i32
      %add3A_294 = arith.addi %add3A_292, %add3A_293 : i32
      %dma_start3A_295 = arith.constant 0 : i32
      %dma_start3A_296 = tpu.memref_slice %arg7[%add3A_294, %dma_start3A_295] : memref<80x128xi32, #tpu.memory_space<vmem>> -> memref<1x128xi32, #tpu.memory_space<vmem>>
      %dma_start3A_297 = tpu.memref_squeeze %dma_start3A_296 : memref<1x128xi32, #tpu.memory_space<vmem>> -> memref<128xi32, #tpu.memory_space<vmem>>
      %dma_start3A_298 = arith.constant 0 : i32
      %dma_start3A_299 = arith.constant 0 : i32
      %dma_start3A_300 = tpu.memref_slice %arg22[%dma_start3A_298, %dma_start3A_299] : memref<10112x8xf32, #tpu.memory_space<vmem_shared>> -> memref<10112x8xf32, #tpu.memory_space<vmem_shared>>
      tpu.enqueue_indirect_dma source(%dma_start3A_300 : memref<10112x8xf32, #tpu.memory_space<vmem_shared>>) target(%arg11 : memref<128x8xf32, #tpu.memory_space<vmem>>) offsets(%dma_start3A_297 : memref<128xi32, #tpu.memory_space<vmem>>) semaphore(%arg15 : memref<!tpu.dma_semaphore, #tpu.memory_space<semaphore_mem>>)
      %add3A_301 = arith.constant 3 : i32
      %add3A_302 = arith.addi %mul3A_182, %add3A_301 : i32
      %dma_wait3A_303 = arith.constant 0 : i32
      %dma_wait3A_304 = tpu.memref_slice %arg8[%add3A_302, %dma_wait3A_303] : memref<80x128xi32, #tpu.memory_space<vmem>> -> memref<1x128xi32, #tpu.memory_space<vmem>>
      %dma_wait3A_305 = tpu.memref_squeeze %dma_wait3A_304 : memref<1x128xi32, #tpu.memory_space<vmem>> -> memref<128xi32, #tpu.memory_space<vmem>>
      %dma_wait3A_306 = arith.constant 0 : i32
      %dma_wait3A_307 = arith.constant 0 : i32
      %dma_wait3A_308 = tpu.memref_slice %arg21[%dma_wait3A_306, %dma_wait3A_307] : memref<10112x8xf32, #tpu.memory_space<vmem_shared>> -> memref<10112x8xf32, #tpu.memory_space<vmem_shared>>
      tpu.wait_indirect_dma semaphore(%arg20 : memref<!tpu.dma_semaphore, #tpu.memory_space<semaphore_mem>>) src(%arg12 : memref<128x8xf32, #tpu.memory_space<vmem>>) dst(%dma_wait3A_308 : memref<10112x8xf32, #tpu.memory_space<vmem_shared>>)
      %add3A_309 = arith.constant 4 : i32
      %add3A_310 = arith.addi %mul3A_182, %add3A_309 : i32
      %add3A_311 = arith.constant 3 : i32
      %add3A_312 = arith.addi %add3A_310, %add3A_311 : i32
      %dma_start3A_313 = arith.constant 0 : i32
      %dma_start3A_314 = tpu.memref_slice %arg7[%add3A_312, %dma_start3A_313] : memref<80x128xi32, #tpu.memory_space<vmem>> -> memref<1x128xi32, #tpu.memory_space<vmem>>
      %dma_start3A_315 = tpu.memref_squeeze %dma_start3A_314 : memref<1x128xi32, #tpu.memory_space<vmem>> -> memref<128xi32, #tpu.memory_space<vmem>>
      %dma_start3A_316 = arith.constant 0 : i32
      %dma_start3A_317 = arith.constant 0 : i32
      %dma_start3A_318 = tpu.memref_slice %arg22[%dma_start3A_316, %dma_start3A_317] : memref<10112x8xf32, #tpu.memory_space<vmem_shared>> -> memref<10112x8xf32, #tpu.memory_space<vmem_shared>>
      tpu.enqueue_indirect_dma source(%dma_start3A_318 : memref<10112x8xf32, #tpu.memory_space<vmem_shared>>) target(%arg12 : memref<128x8xf32, #tpu.memory_space<vmem>>) offsets(%dma_start3A_315 : memref<128xi32, #tpu.memory_space<vmem>>) semaphore(%arg16 : memref<!tpu.dma_semaphore, #tpu.memory_space<semaphore_mem>>)
    }
    %sub3A_78 = arith.constant 4 : i32
    %sub3A_79 = arith.subi %select_n3A, %sub3A_78 : i32
    %add3A_80 = arith.constant 0 : i32
    %add3A_81 = arith.addi %sub3A_79, %add3A_80 : i32
    %dma_wait3A = arith.constant 0 : i32
    %dma_wait3A_82 = tpu.memref_slice %arg7[%add3A_81, %dma_wait3A] : memref<80x128xi32, #tpu.memory_space<vmem>> -> memref<1x128xi32, #tpu.memory_space<vmem>>
    %dma_wait3A_83 = tpu.memref_squeeze %dma_wait3A_82 : memref<1x128xi32, #tpu.memory_space<vmem>> -> memref<128xi32, #tpu.memory_space<vmem>>
    %dma_wait3A_84 = arith.constant 0 : i32
    %dma_wait3A_85 = arith.constant 0 : i32
    %dma_wait3A_86 = tpu.memref_slice %arg22[%dma_wait3A_84, %dma_wait3A_85] : memref<10112x8xf32, #tpu.memory_space<vmem_shared>> -> memref<10112x8xf32, #tpu.memory_space<vmem_shared>>
    tpu.wait_indirect_dma semaphore(%arg13 : memref<!tpu.dma_semaphore, #tpu.memory_space<semaphore_mem>>) src(%dma_wait3A_86 : memref<10112x8xf32, #tpu.memory_space<vmem_shared>>) dst(%arg9 : memref<128x8xf32, #tpu.memory_space<vmem>>)
    %add3A_87 = arith.constant 0 : i32
    %add3A_88 = arith.addi %sub3A_79, %add3A_87 : i32
    %dma_start3A_89 = arith.constant 0 : i32
    %dma_start3A_90 = tpu.memref_slice %arg8[%add3A_88, %dma_start3A_89] : memref<80x128xi32, #tpu.memory_space<vmem>> -> memref<1x128xi32, #tpu.memory_space<vmem>>
    %dma_start3A_91 = tpu.memref_squeeze %dma_start3A_90 : memref<1x128xi32, #tpu.memory_space<vmem>> -> memref<128xi32, #tpu.memory_space<vmem>>
    %dma_start3A_92 = arith.constant 0 : i32
    %dma_start3A_93 = arith.constant 0 : i32
    %dma_start3A_94 = tpu.memref_slice %arg21[%dma_start3A_92, %dma_start3A_93] : memref<10112x8xf32, #tpu.memory_space<vmem_shared>> -> memref<10112x8xf32, #tpu.memory_space<vmem_shared>>
    tpu.enqueue_indirect_dma source(%arg9 : memref<128x8xf32, #tpu.memory_space<vmem>>) target(%dma_start3A_94 : memref<10112x8xf32, #tpu.memory_space<vmem_shared>>) offsets(%dma_start3A_91 : memref<128xi32, #tpu.memory_space<vmem>>) semaphore(%arg17 : memref<!tpu.dma_semaphore, #tpu.memory_space<semaphore_mem>>) {add = true}
    %add3A_95 = arith.constant 1 : i32
    %add3A_96 = arith.addi %sub3A_79, %add3A_95 : i32
    %dma_wait3A_97 = arith.constant 0 : i32
    %dma_wait3A_98 = tpu.memref_slice %arg7[%add3A_96, %dma_wait3A_97] : memref<80x128xi32, #tpu.memory_space<vmem>> -> memref<1x128xi32, #tpu.memory_space<vmem>>
    %dma_wait3A_99 = tpu.memref_squeeze %dma_wait3A_98 : memref<1x128xi32, #tpu.memory_space<vmem>> -> memref<128xi32, #tpu.memory_space<vmem>>
    %dma_wait3A_100 = arith.constant 0 : i32
    %dma_wait3A_101 = arith.constant 0 : i32
    %dma_wait3A_102 = tpu.memref_slice %arg22[%dma_wait3A_100, %dma_wait3A_101] : memref<10112x8xf32, #tpu.memory_space<vmem_shared>> -> memref<10112x8xf32, #tpu.memory_space<vmem_shared>>
    tpu.wait_indirect_dma semaphore(%arg14 : memref<!tpu.dma_semaphore, #tpu.memory_space<semaphore_mem>>) src(%dma_wait3A_102 : memref<10112x8xf32, #tpu.memory_space<vmem_shared>>) dst(%arg10 : memref<128x8xf32, #tpu.memory_space<vmem>>)
    %add3A_103 = arith.constant 1 : i32
    %add3A_104 = arith.addi %sub3A_79, %add3A_103 : i32
    %dma_start3A_105 = arith.constant 0 : i32
    %dma_start3A_106 = tpu.memref_slice %arg8[%add3A_104, %dma_start3A_105] : memref<80x128xi32, #tpu.memory_space<vmem>> -> memref<1x128xi32, #tpu.memory_space<vmem>>
    %dma_start3A_107 = tpu.memref_squeeze %dma_start3A_106 : memref<1x128xi32, #tpu.memory_space<vmem>> -> memref<128xi32, #tpu.memory_space<vmem>>
    %dma_start3A_108 = arith.constant 0 : i32
    %dma_start3A_109 = arith.constant 0 : i32
    %dma_start3A_110 = tpu.memref_slice %arg21[%dma_start3A_108, %dma_start3A_109] : memref<10112x8xf32, #tpu.memory_space<vmem_shared>> -> memref<10112x8xf32, #tpu.memory_space<vmem_shared>>
    tpu.enqueue_indirect_dma source(%arg10 : memref<128x8xf32, #tpu.memory_space<vmem>>) target(%dma_start3A_110 : memref<10112x8xf32, #tpu.memory_space<vmem_shared>>) offsets(%dma_start3A_107 : memref<128xi32, #tpu.memory_space<vmem>>) semaphore(%arg18 : memref<!tpu.dma_semaphore, #tpu.memory_space<semaphore_mem>>) {add = true}
    %add3A_111 = arith.constant 2 : i32
    %add3A_112 = arith.addi %sub3A_79, %add3A_111 : i32
    %dma_wait3A_113 = arith.constant 0 : i32
    %dma_wait3A_114 = tpu.memref_slice %arg7[%add3A_112, %dma_wait3A_113] : memref<80x128xi32, #tpu.memory_space<vmem>> -> memref<1x128xi32, #tpu.memory_space<vmem>>
    %dma_wait3A_115 = tpu.memref_squeeze %dma_wait3A_114 : memref<1x128xi32, #tpu.memory_space<vmem>> -> memref<128xi32, #tpu.memory_space<vmem>>
    %dma_wait3A_116 = arith.constant 0 : i32
    %dma_wait3A_117 = arith.constant 0 : i32
    %dma_wait3A_118 = tpu.memref_slice %arg22[%dma_wait3A_116, %dma_wait3A_117] : memref<10112x8xf32, #tpu.memory_space<vmem_shared>> -> memref<10112x8xf32, #tpu.memory_space<vmem_shared>>
    tpu.wait_indirect_dma semaphore(%arg15 : memref<!tpu.dma_semaphore, #tpu.memory_space<semaphore_mem>>) src(%dma_wait3A_118 : memref<10112x8xf32, #tpu.memory_space<vmem_shared>>) dst(%arg11 : memref<128x8xf32, #tpu.memory_space<vmem>>)
    %add3A_119 = arith.constant 2 : i32
    %add3A_120 = arith.addi %sub3A_79, %add3A_119 : i32
    %dma_start3A_121 = arith.constant 0 : i32
    %dma_start3A_122 = tpu.memref_slice %arg8[%add3A_120, %dma_start3A_121] : memref<80x128xi32, #tpu.memory_space<vmem>> -> memref<1x128xi32, #tpu.memory_space<vmem>>
    %dma_start3A_123 = tpu.memref_squeeze %dma_start3A_122 : memref<1x128xi32, #tpu.memory_space<vmem>> -> memref<128xi32, #tpu.memory_space<vmem>>
    %dma_start3A_124 = arith.constant 0 : i32
    %dma_start3A_125 = arith.constant 0 : i32
    %dma_start3A_126 = tpu.memref_slice %arg21[%dma_start3A_124, %dma_start3A_125] : memref<10112x8xf32, #tpu.memory_space<vmem_shared>> -> memref<10112x8xf32, #tpu.memory_space<vmem_shared>>
    tpu.enqueue_indirect_dma source(%arg11 : memref<128x8xf32, #tpu.memory_space<vmem>>) target(%dma_start3A_126 : memref<10112x8xf32, #tpu.memory_space<vmem_shared>>) offsets(%dma_start3A_123 : memref<128xi32, #tpu.memory_space<vmem>>) semaphore(%arg19 : memref<!tpu.dma_semaphore, #tpu.memory_space<semaphore_mem>>) {add = true}
    %add3A_127 = arith.constant 3 : i32
    %add3A_128 = arith.addi %sub3A_79, %add3A_127 : i32
    %dma_wait3A_129 = arith.constant 0 : i32
    %dma_wait3A_130 = tpu.memref_slice %arg7[%add3A_128, %dma_wait3A_129] : memref<80x128xi32, #tpu.memory_space<vmem>> -> memref<1x128xi32, #tpu.memory_space<vmem>>
    %dma_wait3A_131 = tpu.memref_squeeze %dma_wait3A_130 : memref<1x128xi32, #tpu.memory_space<vmem>> -> memref<128xi32, #tpu.memory_space<vmem>>
    %dma_wait3A_132 = arith.constant 0 : i32
    %dma_wait3A_133 = arith.constant 0 : i32
    %dma_wait3A_134 = tpu.memref_slice %arg22[%dma_wait3A_132, %dma_wait3A_133] : memref<10112x8xf32, #tpu.memory_space<vmem_shared>> -> memref<10112x8xf32, #tpu.memory_space<vmem_shared>>
    tpu.wait_indirect_dma semaphore(%arg16 : memref<!tpu.dma_semaphore, #tpu.memory_space<semaphore_mem>>) src(%dma_wait3A_134 : memref<10112x8xf32, #tpu.memory_space<vmem_shared>>) dst(%arg12 : memref<128x8xf32, #tpu.memory_space<vmem>>)
    %add3A_135 = arith.constant 3 : i32
    %add3A_136 = arith.addi %sub3A_79, %add3A_135 : i32
    %dma_start3A_137 = arith.constant 0 : i32
    %dma_start3A_138 = tpu.memref_slice %arg8[%add3A_136, %dma_start3A_137] : memref<80x128xi32, #tpu.memory_space<vmem>> -> memref<1x128xi32, #tpu.memory_space<vmem>>
    %dma_start3A_139 = tpu.memref_squeeze %dma_start3A_138 : memref<1x128xi32, #tpu.memory_space<vmem>> -> memref<128xi32, #tpu.memory_space<vmem>>
    %dma_start3A_140 = arith.constant 0 : i32
    %dma_start3A_141 = arith.constant 0 : i32
    %dma_start3A_142 = tpu.memref_slice %arg21[%dma_start3A_140, %dma_start3A_141] : memref<10112x8xf32, #tpu.memory_space<vmem_shared>> -> memref<10112x8xf32, #tpu.memory_space<vmem_shared>>
    tpu.enqueue_indirect_dma source(%arg12 : memref<128x8xf32, #tpu.memory_space<vmem>>) target(%dma_start3A_142 : memref<10112x8xf32, #tpu.memory_space<vmem_shared>>) offsets(%dma_start3A_139 : memref<128xi32, #tpu.memory_space<vmem>>) semaphore(%arg20 : memref<!tpu.dma_semaphore, #tpu.memory_space<semaphore_mem>>) {add = true}
    %add3A_143 = arith.constant 0 : i32
    %add3A_144 = arith.addi %sub3A_79, %add3A_143 : i32
    %dma_wait3A_145 = arith.constant 0 : i32
    %dma_wait3A_146 = tpu.memref_slice %arg8[%add3A_144, %dma_wait3A_145] : memref<80x128xi32, #tpu.memory_space<vmem>> -> memref<1x128xi32, #tpu.memory_space<vmem>>
    %dma_wait3A_147 = tpu.memref_squeeze %dma_wait3A_146 : memref<1x128xi32, #tpu.memory_space<vmem>> -> memref<128xi32, #tpu.memory_space<vmem>>
    %dma_wait3A_148 = arith.constant 0 : i32
    %dma_wait3A_149 = arith.constant 0 : i32
    %dma_wait3A_150 = tpu.memref_slice %arg21[%dma_wait3A_148, %dma_wait3A_149] : memref<10112x8xf32, #tpu.memory_space<vmem_shared>> -> memref<10112x8xf32, #tpu.memory_space<vmem_shared>>
    tpu.wait_indirect_dma semaphore(%arg17 : memref<!tpu.dma_semaphore, #tpu.memory_space<semaphore_mem>>) src(%arg9 : memref<128x8xf32, #tpu.memory_space<vmem>>) dst(%dma_wait3A_150 : memref<10112x8xf32, #tpu.memory_space<vmem_shared>>)
    %add3A_151 = arith.constant 1 : i32
    %add3A_152 = arith.addi %sub3A_79, %add3A_151 : i32
    %dma_wait3A_153 = arith.constant 0 : i32
    %dma_wait3A_154 = tpu.memref_slice %arg8[%add3A_152, %dma_wait3A_153] : memref<80x128xi32, #tpu.memory_space<vmem>> -> memref<1x128xi32, #tpu.memory_space<vmem>>
    %dma_wait3A_155 = tpu.memref_squeeze %dma_wait3A_154 : memref<1x128xi32, #tpu.memory_space<vmem>> -> memref<128xi32, #tpu.memory_space<vmem>>
    %dma_wait3A_156 = arith.constant 0 : i32
    %dma_wait3A_157 = arith.constant 0 : i32
    %dma_wait3A_158 = tpu.memref_slice %arg21[%dma_wait3A_156, %dma_wait3A_157] : memref<10112x8xf32, #tpu.memory_space<vmem_shared>> -> memref<10112x8xf32, #tpu.memory_space<vmem_shared>>
    tpu.wait_indirect_dma semaphore(%arg18 : memref<!tpu.dma_semaphore, #tpu.memory_space<semaphore_mem>>) src(%arg10 : memref<128x8xf32, #tpu.memory_space<vmem>>) dst(%dma_wait3A_158 : memref<10112x8xf32, #tpu.memory_space<vmem_shared>>)
    %add3A_159 = arith.constant 2 : i32
    %add3A_160 = arith.addi %sub3A_79, %add3A_159 : i32
    %dma_wait3A_161 = arith.constant 0 : i32
    %dma_wait3A_162 = tpu.memref_slice %arg8[%add3A_160, %dma_wait3A_161] : memref<80x128xi32, #tpu.memory_space<vmem>> -> memref<1x128xi32, #tpu.memory_space<vmem>>
    %dma_wait3A_163 = tpu.memref_squeeze %dma_wait3A_162 : memref<1x128xi32, #tpu.memory_space<vmem>> -> memref<128xi32, #tpu.memory_space<vmem>>
    %dma_wait3A_164 = arith.constant 0 : i32
    %dma_wait3A_165 = arith.constant 0 : i32
    %dma_wait3A_166 = tpu.memref_slice %arg21[%dma_wait3A_164, %dma_wait3A_165] : memref<10112x8xf32, #tpu.memory_space<vmem_shared>> -> memref<10112x8xf32, #tpu.memory_space<vmem_shared>>
    tpu.wait_indirect_dma semaphore(%arg19 : memref<!tpu.dma_semaphore, #tpu.memory_space<semaphore_mem>>) src(%arg11 : memref<128x8xf32, #tpu.memory_space<vmem>>) dst(%dma_wait3A_166 : memref<10112x8xf32, #tpu.memory_space<vmem_shared>>)
    %add3A_167 = arith.constant 3 : i32
    %add3A_168 = arith.addi %sub3A_79, %add3A_167 : i32
    %dma_wait3A_169 = arith.constant 0 : i32
    %dma_wait3A_170 = tpu.memref_slice %arg8[%add3A_168, %dma_wait3A_169] : memref<80x128xi32, #tpu.memory_space<vmem>> -> memref<1x128xi32, #tpu.memory_space<vmem>>
    %dma_wait3A_171 = tpu.memref_squeeze %dma_wait3A_170 : memref<1x128xi32, #tpu.memory_space<vmem>> -> memref<128xi32, #tpu.memory_space<vmem>>
    %dma_wait3A_172 = arith.constant 0 : i32
    %dma_wait3A_173 = arith.constant 0 : i32
    %dma_wait3A_174 = tpu.memref_slice %arg21[%dma_wait3A_172, %dma_wait3A_173] : memref<10112x8xf32, #tpu.memory_space<vmem_shared>> -> memref<10112x8xf32, #tpu.memory_space<vmem_shared>>
    tpu.wait_indirect_dma semaphore(%arg20 : memref<!tpu.dma_semaphore, #tpu.memory_space<semaphore_mem>>) src(%arg12 : memref<128x8xf32, #tpu.memory_space<vmem>>) dst(%dma_wait3A_174 : memref<10112x8xf32, #tpu.memory_space<vmem_shared>>)
    %barrier3A_175 = arith.constant 0 : index
    tpu.barrier barrier_id(%barrier3A_175)
    %mul3A_176 = arith.constant 632 : i32
    %mul3A_177 = arith.muli %arg1, %mul3A_176 : i32
    %mul3A_178 = arith.constant 632 : i32
    %mul3A_179 = arith.muli %arg1, %mul3A_178 : i32
    "tpu.region"() ({
      %run_scoped3A = tpu.sem_alloc : memref<!tpu.dma_semaphore, #tpu.memory_space<semaphore_mem>>
      %dma_start3A_180 = arith.constant 0 : i32
      %dma_start3A_181 = tpu.memref_slice %arg6[%arg0, %mul3A_179, %dma_start3A_180] : memref<2x10112x8xf32, #tpu.memory_space<hbm>> -> memref<1x632x8xf32, #tpu.memory_space<hbm>>
      %dma_start3A_182 = tpu.memref_squeeze %dma_start3A_181 : memref<1x632x8xf32, #tpu.memory_space<hbm>> -> memref<632x8xf32, #tpu.memory_space<hbm>>
      %dma_start3A_183 = arith.constant 0 : i32
      %dma_start3A_184 = tpu.memref_slice %arg21[%mul3A_177, %dma_start3A_183] : memref<10112x8xf32, #tpu.memory_space<vmem_shared>> -> memref<632x8xf32, #tpu.memory_space<vmem_shared>>
      tpu.enqueue_dma source(%dma_start3A_184 : memref<632x8xf32, #tpu.memory_space<vmem_shared>>) target(%dma_start3A_182 : memref<632x8xf32, #tpu.memory_space<hbm>>) target_semaphore(%run_scoped3A : memref<!tpu.dma_semaphore, #tpu.memory_space<semaphore_mem>>)
      %dma_wait3A_185 = arith.constant 0 : i32
      %dma_wait3A_186 = tpu.memref_slice %arg6[%arg0, %mul3A_179, %dma_wait3A_185] : memref<2x10112x8xf32, #tpu.memory_space<hbm>> -> memref<1x632x8xf32, #tpu.memory_space<hbm>>
      %dma_wait3A_187 = tpu.memref_squeeze %dma_wait3A_186 : memref<1x632x8xf32, #tpu.memory_space<hbm>> -> memref<632x8xf32, #tpu.memory_space<hbm>>
      %dma_wait3A_188 = arith.constant 0 : i32
      %dma_wait3A_189 = tpu.memref_slice %arg21[%mul3A_177, %dma_wait3A_188] : memref<10112x8xf32, #tpu.memory_space<vmem_shared>> -> memref<632x8xf32, #tpu.memory_space<vmem_shared>>
      tpu.wait_dma2 semaphore(%run_scoped3A : memref<!tpu.dma_semaphore, #tpu.memory_space<semaphore_mem>>) src(%dma_wait3A_189 : memref<632x8xf32, #tpu.memory_space<vmem_shared>>) dst(%dma_wait3A_187 : memref<632x8xf32, #tpu.memory_space<hbm>>)
      tpu.yield
    }) : () -> ()
    return
  }
}

module attributes {stable_mosaic.version = 14 : i64} {
  func.func @body(%arg0: memref<2x10112xf32, #tpu.memory_space<vmem>>, %arg1: memref<10000x128xf32, #tpu.memory_space<vmem>>, %arg2: memref<128x32xf32, #tpu.memory_space<vmem>>, %arg3: memref<10112x32xf32, #tpu.memory_space<vmem>>, %arg4: memref<10112x1xf32, #tpu.memory_space<vmem>>) attributes {dimension_semantics = [], scalar_prefetch = 0 : i64, scratch_operands = 0 : i64, tpu.core_type = #tpu.core_type<tc>} {
    %get3A = arith.constant 0 : index
    %get3A_0 = arith.constant 0 : index
    %get3A_1 = vector.load %arg0[%get3A, %get3A_0] : memref<2x10112xf32, #tpu.memory_space<vmem>>, vector<1x10112xf32>
    %get3A_2 = vector.shape_cast %get3A_1 : vector<1x10112xf32> to vector<10112xf32>
    %get3A_3 = arith.constant 1 : index
    %get3A_4 = arith.constant 0 : index
    %get3A_5 = vector.load %arg0[%get3A_3, %get3A_4] : memref<2x10112xf32, #tpu.memory_space<vmem>>, vector<1x10112xf32>
    %get3A_6 = vector.shape_cast %get3A_5 : vector<1x10112xf32> to vector<10112xf32>
    %add3A = arith.addf %get3A_2, %get3A_6 : vector<10112xf32>
    %add3A_7 = arith.constant 1.000000e+00 : f32
    %add3A_8 = vector.broadcast %add3A_7 : f32 to vector<10112xf32>
    %add3A_9 = arith.addf %add3A, %add3A_8 : vector<10112xf32>
    %rsqrt3A = math.rsqrt %add3A_9 : vector<10112xf32>
    %reshape3A = vector.shape_cast %rsqrt3A : vector<10112xf32> to vector<10112x1xf32>
    %get3A_10 = arith.constant 0 : index
    %get3A_11 = arith.constant 0 : index
    %get3A_12 = vector.load %arg1[%get3A_10, %get3A_11] : memref<10000x128xf32, #tpu.memory_space<vmem>>, vector<10000x128xf32>
    %get3A_13 = arith.constant 0 : index
    %get3A_14 = arith.constant 0 : index
    %get3A_15 = vector.load %arg2[%get3A_13, %get3A_14] : memref<128x32xf32, #tpu.memory_space<vmem>>, vector<128x32xf32>
    %dot_general3A = arith.constant dense<0.000000e+00> : vector<10000x32xf32>
    %dot_general3A_16 = tpu.matmul %get3A_12, %get3A_15, %dot_general3A {dimension_numbers = #tpu.dot_dimension_numbers<[1], [0], [0], [1], [0, 0, 1, 1], [], []>, transpose_lhs_hint = false} : vector<10000x128xf32>, vector<128x32xf32>, vector<10000x32xf32> -> vector<10000x32xf32>
    %broadcast_in_dim3A = arith.constant 0.000000e+00 : f32
    %broadcast_in_dim3A_17 = vector.broadcast %broadcast_in_dim3A : f32 to vector<112x32xf32>
    %concatenate3A = tpu.concatenate %dot_general3A_16, %broadcast_in_dim3A_17 in 0 : vector<10000x32xf32>, vector<112x32xf32> -> vector<10112x32xf32>
    %mul3A = vector.broadcast %reshape3A : vector<10112x1xf32> to vector<10112x32xf32>
    %mul3A_18 = arith.mulf %concatenate3A, %mul3A : vector<10112x32xf32>
    %swap3A = arith.constant 0 : index
    %swap3A_19 = arith.constant 0 : index
    %swap3A_20 = vector.load %arg3[%swap3A, %swap3A_19] : memref<10112x32xf32, #tpu.memory_space<vmem>>, vector<10112x32xf32>
    tpu.vector_store %arg3[%swap3A, %swap3A_19], %mul3A_18 {strides = array<i32>} : memref<10112x32xf32, #tpu.memory_space<vmem>>, vector<10112x32xf32>,
    %swap3A_21 = arith.constant 0 : index
    %swap3A_22 = arith.constant 0 : index
    %swap3A_23 = vector.load %arg4[%swap3A_21, %swap3A_22] : memref<10112x1xf32, #tpu.memory_space<vmem>>, vector<10112x1xf32>
    tpu.vector_store %arg4[%swap3A_21, %swap3A_22], %reshape3A {strides = array<i32>} : memref<10112x1xf32, #tpu.memory_space<vmem>>, vector<10112x1xf32>,
    return
  }
}

module attributes {stable_mosaic.version = 14 : i64} {
  func.func @body(%arg0: memref<2x10112x32xf32, #tpu.memory_space<vmem>>, %arg1: memref<10112x32xf32, #tpu.memory_space<vmem>>, %arg2: memref<10112x1xf32, #tpu.memory_space<vmem>>, %arg3: memref<1x32xf32, #tpu.memory_space<vmem>>, %arg4: memref<32x8xf32, #tpu.memory_space<vmem>>, %arg5: memref<10112x8xf32, #tpu.memory_space<vmem>>) attributes {dimension_semantics = [], scalar_prefetch = 0 : i64, scratch_operands = 0 : i64, tpu.core_type = #tpu.core_type<tc>} {
    %get3A = arith.constant 0 : index
    %get3A_0 = arith.constant 0 : index
    %get3A_1 = arith.constant 0 : index
    %get3A_2 = vector.load %arg0[%get3A, %get3A_0, %get3A_1] : memref<2x10112x32xf32, #tpu.memory_space<vmem>>, vector<1x10112x32xf32>
    %get3A_3 = vector.shape_cast %get3A_2 : vector<1x10112x32xf32> to vector<10112x32xf32>
    %get3A_4 = arith.constant 1 : index
    %get3A_5 = arith.constant 0 : index
    %get3A_6 = arith.constant 0 : index
    %get3A_7 = vector.load %arg0[%get3A_4, %get3A_5, %get3A_6] : memref<2x10112x32xf32, #tpu.memory_space<vmem>>, vector<1x10112x32xf32>
    %get3A_8 = vector.shape_cast %get3A_7 : vector<1x10112x32xf32> to vector<10112x32xf32>
    %add3A = arith.addf %get3A_3, %get3A_8 : vector<10112x32xf32>
    %get3A_9 = arith.constant 0 : index
    %get3A_10 = arith.constant 0 : index
    %get3A_11 = vector.load %arg1[%get3A_9, %get3A_10] : memref<10112x32xf32, #tpu.memory_space<vmem>>, vector<10112x32xf32>
    %add3A_12 = arith.addf %add3A, %get3A_11 : vector<10112x32xf32>
    %get3A_13 = arith.constant 0 : index
    %get3A_14 = arith.constant 0 : index
    %get3A_15 = vector.load %arg2[%get3A_13, %get3A_14] : memref<10112x1xf32, #tpu.memory_space<vmem>>, vector<10112x1xf32>
    %mul3A = vector.broadcast %get3A_15 : vector<10112x1xf32> to vector<10112x32xf32>
    %mul3A_16 = arith.mulf %add3A_12, %mul3A : vector<10112x32xf32>
    %get3A_17 = arith.constant 0 : index
    %get3A_18 = arith.constant 0 : index
    %get3A_19 = vector.load %arg3[%get3A_17, %get3A_18] : memref<1x32xf32, #tpu.memory_space<vmem>>, vector<1x32xf32>
    %add3A_20 = vector.broadcast %get3A_19 : vector<1x32xf32> to vector<10112x32xf32>
    %add3A_21 = arith.addf %mul3A_16, %add3A_20 : vector<10112x32xf32>
    %max3A = arith.constant 0.000000e+00 : f32
    %max3A_22 = vector.broadcast %max3A : f32 to vector<10112x32xf32>
    %max3A_23 = arith.maximumf %add3A_21, %max3A_22 : vector<10112x32xf32>
    %get3A_24 = arith.constant 0 : index
    %get3A_25 = arith.constant 0 : index
    %get3A_26 = vector.load %arg4[%get3A_24, %get3A_25] : memref<32x8xf32, #tpu.memory_space<vmem>>, vector<32x8xf32>
    %dot_general3A = arith.constant dense<0.000000e+00> : vector<10112x8xf32>
    %dot_general3A_27 = tpu.matmul %max3A_23, %get3A_26, %dot_general3A {dimension_numbers = #tpu.dot_dimension_numbers<[1], [0], [0], [1], [0, 0, 1, 1], [], []>, transpose_lhs_hint = false} : vector<10112x32xf32>, vector<32x8xf32>, vector<10112x8xf32> -> vector<10112x8xf32>
    %get3A_28 = arith.constant 0 : index
    %get3A_29 = arith.constant 0 : index
    %get3A_30 = vector.load %arg2[%get3A_28, %get3A_29] : memref<10112x1xf32, #tpu.memory_space<vmem>>, vector<10112x1xf32>
    %mul3A_31 = vector.broadcast %get3A_30 : vector<10112x1xf32> to vector<10112x8xf32>
    %mul3A_32 = arith.mulf %dot_general3A_27, %mul3A_31 : vector<10112x8xf32>
    %swap3A = arith.constant 0 : index
    %swap3A_33 = arith.constant 0 : index
    %swap3A_34 = vector.load %arg5[%swap3A, %swap3A_33] : memref<10112x8xf32, #tpu.memory_space<vmem>>, vector<10112x8xf32>
    tpu.vector_store %arg5[%swap3A, %swap3A_33], %mul3A_32 {strides = array<i32>} : memref<10112x8xf32, #tpu.memory_space<vmem>>, vector<10112x8xf32>,
    return
  }
}

module attributes {stable_mosaic.version = 14 : i64} {
  func.func @body(%arg0: memref<2x10112x8xf32, #tpu.memory_space<vmem>>, %arg1: memref<10112x8xf32, #tpu.memory_space<vmem>>, %arg2: memref<10112x1xf32, #tpu.memory_space<vmem>>, %arg3: memref<1x4xf32, #tpu.memory_space<vmem>>, %arg4: memref<10000x4xf32, #tpu.memory_space<vmem>>) attributes {dimension_semantics = [], scalar_prefetch = 0 : i64, scratch_operands = 0 : i64, tpu.core_type = #tpu.core_type<tc>} {
    %get3A = arith.constant 0 : index
    %get3A_0 = arith.constant 0 : index
    %get3A_1 = arith.constant 0 : index
    %get3A_2 = vector.load %arg0[%get3A, %get3A_0, %get3A_1] : memref<2x10112x8xf32, #tpu.memory_space<vmem>>, vector<1x10000x8xf32>
    %get3A_3 = vector.shape_cast %get3A_2 : vector<1x10000x8xf32> to vector<10000x8xf32>
    %get3A_4 = arith.constant 1 : index
    %get3A_5 = arith.constant 0 : index
    %get3A_6 = arith.constant 0 : index
    %get3A_7 = vector.load %arg0[%get3A_4, %get3A_5, %get3A_6] : memref<2x10112x8xf32, #tpu.memory_space<vmem>>, vector<1x10000x8xf32>
    %get3A_8 = vector.shape_cast %get3A_7 : vector<1x10000x8xf32> to vector<10000x8xf32>
    %add3A = arith.addf %get3A_3, %get3A_8 : vector<10000x8xf32>
    %get3A_9 = arith.constant 0 : index
    %get3A_10 = arith.constant 0 : index
    %get3A_11 = vector.load %arg1[%get3A_9, %get3A_10] : memref<10112x8xf32, #tpu.memory_space<vmem>>, vector<10000x8xf32>
    %add3A_12 = arith.addf %add3A, %get3A_11 : vector<10000x8xf32>
    %get3A_13 = arith.constant 0 : index
    %get3A_14 = arith.constant 0 : index
    %get3A_15 = vector.load %arg2[%get3A_13, %get3A_14] : memref<10112x1xf32, #tpu.memory_space<vmem>>, vector<10000x1xf32>
    %mul3A = vector.broadcast %get3A_15 : vector<10000x1xf32> to vector<10000x8xf32>
    %mul3A_16 = arith.mulf %add3A_12, %mul3A : vector<10000x8xf32>
    %slice3A = vector.extract_strided_slice %mul3A_16 {offsets = [0, 0], sizes = [10000, 4], strides = [1, 1]} : vector<10000x8xf32> to vector<10000x4xf32>
    %get3A_17 = arith.constant 0 : index
    %get3A_18 = arith.constant 0 : index
    %get3A_19 = vector.load %arg3[%get3A_17, %get3A_18] : memref<1x4xf32, #tpu.memory_space<vmem>>, vector<1x4xf32>
    %add3A_20 = vector.broadcast %get3A_19 : vector<1x4xf32> to vector<10000x4xf32>
    %add3A_21 = arith.addf %slice3A, %add3A_20 : vector<10000x4xf32>
    %reduce_max3A = arith.constant dense<0xFF800000> : vector<10000xf32>
    %reduce_max3A_22 = vector.multi_reduction <maximumf>, %add3A_21, %reduce_max3A [1] : vector<10000x4xf32> to vector<10000xf32>
    %broadcast_in_dim3A = vector.shape_cast %reduce_max3A_22 : vector<10000xf32> to vector<10000x1xf32>
    %sub3A = vector.broadcast %broadcast_in_dim3A : vector<10000x1xf32> to vector<10000x4xf32>
    %sub3A_23 = arith.subf %add3A_21, %sub3A : vector<10000x4xf32>
    %exp3A = math.exp %sub3A_23 : vector<10000x4xf32>
    %reduce_sum3A = arith.constant dense<0.000000e+00> : vector<10000xf32>
    %reduce_sum3A_24 = vector.multi_reduction <add>, %exp3A, %reduce_sum3A [1] : vector<10000x4xf32> to vector<10000xf32>
    %broadcast_in_dim3A_25 = vector.shape_cast %reduce_sum3A_24 : vector<10000xf32> to vector<10000x1xf32>
    %log3A = math.log %broadcast_in_dim3A_25 : vector<10000x1xf32>
    %sub3A_26 = vector.broadcast %broadcast_in_dim3A : vector<10000x1xf32> to vector<10000x4xf32>
    %sub3A_27 = arith.subf %add3A_21, %sub3A_26 : vector<10000x4xf32>
    %sub3A_28 = vector.broadcast %log3A : vector<10000x1xf32> to vector<10000x4xf32>
    %sub3A_29 = arith.subf %sub3A_27, %sub3A_28 : vector<10000x4xf32>
    %swap3A = arith.constant 0 : index
    %swap3A_30 = arith.constant 0 : index
    %swap3A_31 = vector.load %arg4[%swap3A, %swap3A_30] : memref<10000x4xf32, #tpu.memory_space<vmem>>, vector<10000x4xf32>
    tpu.vector_store %arg4[%swap3A, %swap3A_30], %sub3A_29 {strides = array<i32>} : memref<10000x4xf32, #tpu.memory_space<vmem>>, vector<10000x4xf32>,
    return
  }
}

</mosaic_0001>

<sc_bundles>
// kernel: kernel.11.cloned.1.call-start
scs
__scs_entry_jumppad:
0x0: {  	(pc) =	sbr.rel $0x88, $3  }
0x1: {  	(tag) =	ssettag $0x0;
	lr =	simm.s32 $0x1  }
0x2: {  	[smem:$0x3F9B] =	sst lr;
	_ =	strace $0xD0000000  }
0x3: {  	_ = 	snop  }
0x4: {  	_ = 	snop  }
0x5: {  	_ = 	snop  }
0x6: {  	_ = 	snop  }
0x7: {  	_ = 	snop  }
__scs_overlays_trampoline_lowered:
0x8: {  	[smem:$0x3FAA] =	sst s0  }
0x9: {  	[smem:$0x3FAB] =	sst s1  }
0xa: {  	[smem:$0x3FAC] =	sst s2  }
0xb: {  	[smem:$0x3FAD] =	sst s3  }
0xc: {  	[smem:$0x3FAE] =	sst s4  }
0xd: {  	[smem:$0x3FAF] =	sst s5  }
0xe: {  	[smem:$0x3FB0] =	sst s6  }
0xf: {  	[smem:$0x3FB1] =	sst s7  }
0x10: {  	[smem:$0x3FB2] =	sst s8  }
0x11: {  	[smem:$0x3FB3] =	sst s9;
	s0 =	simm.s32 @!p0 $0x0  }
0x12: {  	s1 =	sld [smem:$0x3F99];
	s0 =	simm.s32 @p0 $0x1  }
0x13: {  	[smem:$0x3FB4] =	sst s0;
	s0 =	simm.s32 @!p1 $0x0  }
0x14: {  	s2 =	sld [smem:$0x3F98];
	s0 =	simm.s32 @p1 $0x1  }
0x15: {  	[smem:$0x3FB5] =	sst s0;
	s0 =	simm.s32 @!p2 $0x0  }
0x16: {  	s3 =	sld [smem:$0x3FDB];
	s0 =	simm.s32 @p2 $0x1  }
0x17: {  	s4 =	simm.s32 $0x1BF5;
	[smem:$0x3FB7] =	sst s0  }
0x18: {  	s0 =	sld [smem:$0x3F9A];
	_ =	swait.ge [sflag:s4], $0x0  }
0x19: {  	s7 =	sld [smem:$0x3F9B]  }
0x1a: {  	s8 =	sadd.s32 $0xFFFFE003, lr  }
0x1b: {  	s9 =	sadd.s32 $0xFFFFFEF7, lr;
	s5 =	simm.s32 $0xFFFFFFFF;
	p2 =	slt.u32 s8, $0xFFFFF086  }
0x1c: {  	p1 =	slt.u32 s9, $0xF7A;
	s5 =	simm.s32 @!p2 $0x0  }
0x1d: {  	s5 =	simm.s32 @p1 $0x1;
	p0 =	seq.s32 s7, s2  }
0x1e: {  	s7 =	smul.u32 @!p0 $0xF7A, s2;
	p2 =	seq.s32 @!p0 s5, $0x0  }
0x1f: {  	s9 =	smul.u32 $0xF7A, s1;
	s8 =	simm.s32 @!p0 $0x1BF5;
	p2 =	por !p2, p0  }
0x20: {  	[sflag:s8] =	ssyncset.s32 @!p0 $0xFFFFF086;
	s6 =	sadd.s32 @!p0 s3, s7;
	s7 =	simm.s32 @!p0 $0x108  }
0x21: {  	s3 =	sadd.s32 s3, s9;
	s6 =	sadd.s32 @!p0 $0x88, s6;
	s7 =	simm.s32 @p2 $0x1082  }
0x22: {  	[simem:s7], [sflag:s8] =	dma.local @!p0 [hbm:s6], $0xF7A  }
0x23: {  	s9 =	sor.u32 $0xD0000000, s2;
	s6 =	simm.s32 $0x108;
	_ =	swait.ge @!p0 [sflag:s8], $0x0  }
0x24: {  	s3 =	sadd.s32 $0x88, s3;
	s6 =	simm.s32 @!p1 $0x1082;
	[sflag:s4] =	ssyncset.s32 $0xFFFFF086  }
0x25: {  	[simem:s6], [sflag:s4] =	dma.local [hbm:s3], $0xF7A  }
0x26: {  	[smem:$0x3F9B] =	sst s1;
	(tag) =	ssettag s2;
	_ =	strace s9  }
0x27: {  	s1 =	sld [smem:$0x3FAB]  }
0x28: {  	s2 =	sld [smem:$0x3FAC]  }
0x29: {  	s4 =	sld [smem:$0x3FAE]  }
0x2a: {  	p0 =	seq.s32 s5, $0x0;
	s5 =	sld [smem:$0x3FAF]  }
0x2b: {  	s6 =	sld [smem:$0x3FB0]  }
0x2c: {  	s7 =	sld [smem:$0x3FB1]  }
0x2d: {  	s3 =	simm.s32 $0x108;
	s8 =	sld [smem:$0x3FB2]  }
0x2e: {  	s3 =	simm.s32 @!p0 $0x1082;
	s9 =	sld [smem:$0x3FB3]  }
0x2f: {  	lr =	sadd.s32 s0, s3;
	s0 =	sld [smem:$0x3FAA]  }
0x30: {  	s3 =	sld [smem:$0x3FAD]  }
0x31: {  	[smem:$0x3FB6] =	sst s10  }
0x32: {  	s10 =	sld [smem:$0x3FB4];
	_ =	sdelay $0x3  }
0x33: {  	p0 =	seq.s32 s10, $0x1;
	s10 =	sld [smem:$0x3FB6];
	_ =	sdelay $0x3  }
0x34: {  	[smem:$0x3FB6] =	sst s10  }
0x35: {  	s10 =	sld [smem:$0x3FB5];
	_ =	sdelay $0x3  }
0x36: {  	p1 =	seq.s32 s10, $0x1;
	s10 =	sld [smem:$0x3FB6];
	_ =	sdelay $0x3  }
0x37: {  	[smem:$0x3FB6] =	sst s10  }
0x38: {  	s10 =	sld [smem:$0x3FB7]  }
0x39: {  	_ = 	snop;
	(pc) =	sbr.ind lr, $3  }
0x3a: {  	_ = 	snop  }
0x3b: {  	_ = 	snop  }
0x3c: {  	p2 =	seq.s32 s10, $0x1;
	s10 =	sld [smem:$0x3FB6]  }
0x3d: {  	_ =	shalt  }
0x3e: {  	_ =	shalt  }
0x3f: {  	_ =	shalt  }
0x40: {  	_ =	shalt  }
0x41: {  	_ =	shalt  }
0x42: {  	_ =	shalt  }
0x43: {  	_ =	shalt  }
0x44: {  	_ =	shalt  }
0x45: {  	_ =	shalt  }
0x46: {  	_ =	shalt  }
0x47: {  	_ =	shalt  }
0x48: {  	_ =	shalt  }
0x49: {  	_ =	shalt  }
0x4a: {  	_ =	shalt  }
0x4b: {  	_ =	shalt  }
0x4c: {  	_ =	shalt  }
0x4d: {  	_ =	shalt  }
0x4e: {  	_ =	shalt  }
0x4f: {  	_ =	shalt  }
0x50: {  	_ =	shalt  }
0x51: {  	_ =	shalt  }
0x52: {  	_ =	shalt  }
0x53: {  	_ =	shalt  }
0x54: {  	_ =	shalt  }
0x55: {  	_ =	shalt  }
0x56: {  	_ =	shalt  }
0x57: {  	_ =	shalt  }
0x58: {  	_ =	shalt  }
0x59: {  	_ =	shalt  }
0x5a: {  	_ =	shalt  }
0x5b: {  	_ =	shalt  }
0x5c: {  	_ =	shalt  }
0x5d: {  	_ =	shalt  }
0x5e: {  	_ =	shalt  }
0x5f: {  	_ =	shalt  }
0x60: {  	_ =	shalt  }
0x61: {  	_ =	shalt  }
0x62: {  	_ =	shalt  }
0x63: {  	_ =	shalt  }
0x64: {  	_ =	shalt  }
0x65: {  	_ =	shalt  }
0x66: {  	_ =	shalt  }
0x67: {  	_ =	shalt  }
0x68: {  	_ =	shalt  }
0x69: {  	_ =	shalt  }
0x6a: {  	_ =	shalt  }
0x6b: {  	_ =	shalt  }
0x6c: {  	_ =	shalt  }
0x6d: {  	_ =	shalt  }
0x6e: {  	_ =	shalt  }
0x6f: {  	_ =	shalt  }
0x70: {  	_ =	shalt  }
0x71: {  	_ =	shalt  }
0x72: {  	_ =	shalt  }
0x73: {  	_ =	shalt  }
0x74: {  	_ =	shalt  }
0x75: {  	_ =	shalt  }
0x76: {  	_ =	shalt  }
0x77: {  	_ =	shalt  }
0x78: {  	_ =	shalt  }
0x79: {  	_ =	shalt  }
0x7a: {  	_ =	shalt  }
0x7b: {  	_ =	shalt  }
0x7c: {  	_ =	shalt  }
0x7d: {  	_ =	shalt  }
0x7e: {  	_ =	shalt  }
0x7f: {  	_ =	shalt  }
0x80: {  	_ =	shalt  }
0x81: {  	_ =	shalt  }
0x82: {  	_ =	shalt  }
0x83: {  	_ =	shalt  }
0x84: {  	_ =	shalt  }
0x85: {  	_ =	shalt  }
0x86: {  	_ =	shalt  }
0x87: {  	_ =	shalt  }
.Lfunc_end0:
.L_simem_size_0:
called_computation.1_lowered:
.L_overlay_start_0:
0x88: {  	s2 =	sld [smem:$0x3FD9]  }
0x89: {  	s3 =	sld [smem:$0x3FFE];
	_ =	sdelay $0x1  }
0x8a: {  	s1 =	srdreg.scid  }
0x8b: {  	s0 =	sand.u32 $0x1, s1  }
0x8c: {  	s16 =	sshll.u32 s0, $0xA;
	s2 =	sadd.s32 s3, s2  }
0x8d: {  	s2 =	sadd.s32 s2, s16  }
0x8e: {  	[smem:$0x3FC2] =	sst s2  }
0x8f: {  	_ = 	snop  }
0x90: {  	(tm) =	ssettm $0x1  }
0x91: {  	s17 =	sld [smem:$0x3FFB];
	_ =	sdelay $0x3  }
0x92: {  	_ =	strace s17  }
0x93: {  	s2 =	sld [smem:$0x3FFC];
	_ =	sdelay $0x3  }
0x94: {  	_ =	strace s2  }
0x95: {  	s2 =	sld [smem:$0x3FFD];
	_ =	sdelay $0x3  }
0x96: {  	_ =	strace s2  }
0x97: {  	_ =	strace $0x8FFFFFFF  }
0x98: {  	s18 =	sld [smem:$0x3FDB];
	_ =	sdelay $0x1  }
0x99: {  	s19 =	simm.s32 $_scs_section_size  }
0x9a: {  	s4 =	simm.s32 $_size__tile_overlayer_lowered;
	s5 =	simm.s32 $_tile_overlayer_lowered  }
0x9b: {  	s22 =	simm.s32 $0x1BFF;
	s21 =	sshll.u32 s5, $0x1;
	s2 =	sadd.s32 s19, s18  }
0x9c: {  	s6 =	simm.s32 $0x0;
	s20 =	sshll.u32 s4, $0x1;
	s4 =	sadd.s32 s21, s2  }
0x9d: {  	[timem:s6], [sflag:s22] =	dma.local [hbm:s4], s20  }
0x9e: {  	_ =	swait.ge [sflag:s22], s20  }
0x9f: {  	s3 =	ssub.s32 $0x0, s20;
	[sflag:s22] =	ssyncset.done $0x0  }
0xa0: {  	[sflag:s22] =	ssyncadd.s32 s3;
	_ =	sdelay $0x1  }
0xa1: {  	s23 =	simm.s32 $0x1B8B  }
0xa2: {  	_ =	swait.ge [sflag:s23], $0x1  }
0xa3: {  	[sflag:s23] =	ssyncset.done $0x0  }
0xa4: {  	s25 =	simm.s32 $0x1B8E;
	s24 =	sld [smem:$0x3FFE];
	[sflag:s23] =	ssyncadd.s32 $0xFFFFFFFF  }
0xa5: {  	s26 =	simm.s32 $execute0_lowered;
	[smem:$0x3FD2] =	sst s25  }
0xa6: {  	s4 =	sshll.u32 s26, $0x1;
	_ =	strace $0x80000049;
	[dreg:$0x1] =	wrdreg $0xFFFFFFFF  }
0xa7: {  	s28 =	simm.s32 $_size_execute0_lowered;
	s2 =	sadd.s32 s2, s4;
	[dreg:$0x0] =	wrdreg $0x0  }
0xa8: {  	s4 =	sshll.u32 s28, $0x1;
	[dreg:$0x2] =	wrdreg s2  }
0xa9: {  	[dreg:$0x3] =	wrdreg s4  }
0xaa: {  	[dreg:$0x4] =	wrdreg $0xC0  }
0xab: {  	_ =	task [dreg:s6], $0x5FFFF  }
0xac: {  	[dreg:$0x1] =	wrdreg $0xFFFFFFFF  }
0xad: {  	[dreg:$0x0] =	wrdreg $0x60  }
0xae: {  	[dreg:$0x2] =	wrdreg s24  }
0xaf: {  	[dreg:$0x3] =	wrdreg $0x90000  }
0xb0: {  	[dreg:$0x4] =	wrdreg $0xDF000  }
0xb1: {  	[dreg:$0x5] =	wrdreg $0x9  }
0xb2: {  	_ =	task.clear_ibuf [dreg:s6], $0x6FFFF;
	_ =	strace $0x90000049  }
0xb3: {  	s29 =	simm.s32 $0x9;
	_ =	strace $0x8000004B  }
0xb4: {  	_ =	swait.ge [sflag:s29], $0x1  }
0xb5: {  	[sflag:s29] =	ssyncadd.s32 $0xFFFFFFFF  }
0xb6: {  	_ =	strace $0x9000004B  }
0xb7: {  	_ =	sfence  }
0xb8: {  	s30 =	sld [smem:$0x0];
	_ =	sdelay $0x2  }
0xb9: {  	s31 =	sshll.u32 s1, $0xD;
	s1 =	sshrl.u32 s1, $0x2  }
0xba: {  	s3 =	sand.u32 $0x4000, s31;
	s1 =	sadd.s32 s1, s30  }
0xbb: {  	s0 =	sor.u32 s3, s0;
	s1 =	sshll.u32 s1, $0x11  }
0xbc: {  	s0 =	sor.u32 s1, s0  }
0xbd: {  	s0 =	sadd.s32 $0x8F2B, s0  }
0xbe: {  	[sflag:s0] =	ssyncadd.remote.s32 $0x1  }
0xbf: {  	_ =	sfence.sel $0xFFFF  }
0xc0: {  	[dreg:$0x0] =	wrdreg $0xFFFFFFFF;
	(pc) =	sbr.abs _section_cstart, $3  }
0xc1: {  	[dreg:$0x1] =	wrdreg $0xFFFFFFFF  }
0xc2: {  	_ =	task.clear_ibuf [dreg:s6], $0x2FFFF;
	_ =	strace $0x9FFFFFFF  }
0xc3: {  	(tm) =	ssettm $0x7FFFFFFF  }
tec
execute0_lowered:
.L_overlay_start_1:
0x0: {  	(tag) =	ssettag $0x1  }
0x1: {  	s5 =	rddreg [dreg:$0x0]  }
0x2: {  	s0 =	srdreg.scid;
	s2 =	rddreg [dreg:$0x1]  }
0x3: {  	s16 =	stileid.u32;
	s3 =	rddreg [dreg:$0x2]  }
0x4: {  	s15 =	simm.s32 $0x9800;
	s28 =	simm.s32 $0x8000;
	s29 =	simm.s32 $0x1  }
0x5: {  	s30 =	simm.s32 $0x2;
	s31 =	simm.s32 $0x3;
	s17 =	simm.s32 $0x6  }
0x6: {  	s0 =	sand.u32 $0x1, s0;
	s1 =	sshll.u32 s16, $0x1;
	s21 =	smul.u32 $0x4F00, s16  }
0x7: {  	s26 =	sshll.u32 s16, $0x6;
	s1 =	sor.u32 s0, s1;
	s7 =	smul.u32 $0x4F000, s0  }
0x8: {  	s16 =	simm.s32 $0x9;
	s0 =	ssub.s32 $0x2, s0;
	s4 =	smul.u32 $0x50, s1  }
0x9: {  	s18 =	sor.u32 $0x1C09, s26;
	s26 =	simm.s32 $0x8;
	s6 =	smul.u32 $0x4C, s1  }
0xa: {  	p0 =	slt.u32 s1, $0xF;
	s8 =	sshrl.u32 s21, $0x3;
	s9 =	sshrl.u32 s0, $0x1  }
0xb: {  	s23 =	sadd.s32 s21, s2;
	s8 =	sadd.s32 s8, s5;
	s7 =	sadd.s32 s21, s7  }
0xc: {  	s0 =	ssub.s32 s0, s9;
	s15 =	simm.s32 @!p0 $0xA000;
	s19 =	sshrl.u32 s23, $0x3  }
0xd: {  	s23 =	simm.s32 $0x6000;
	s1 =	sadd.s32 $0x1FFFFC4, s4;
	s4 =	simm.s32 $0x0  }
0xe: {  	s7 =	sshrl.u32 s7, $0x3;
	s24 =	sadd.s32 $0x21400, s8;
	s25 =	sshrl.u32 s15, $0x2  }
0xf: {  	s8 =	sadd.s32 $0x17600, s8;
	s14 =	smax.u32 s0, $0x1;
	s15 =	sadd.s32 $0xFFFFF800, s15  }
0x10: {  	s0 =	simm.s32 $0x5;
	s1 =	smov.u32 @p0 s6;
	[smem:$0x7FF] =	sst s4  }
0x11: {  	s6 =	sadd.s32 s21, s3;
	s9 =	sadd.s32 $0x2600, s25;
	s10 =	sadd.s32 $0x2680, s25  }
0x12: {  	s11 =	sadd.s32 $0x2700, s25;
	s12 =	sadd.s32 $0x2780, s25;
	s21 =	simm.s32 $0x80  }
0x13: {  	s1 =	sshll.u32 s1, $0x4;
	_ =	strace $0x8000004A;
	[dreg:$0x6] =	wrdreg s24  }
0x14: {  	s25 =	simm.s32 $0x7000;
	[dreg:$0x7] =	wrdreg s8;
	s1 =	sand.u32 $0x1FFFFFC0, s1  }
0x15: {  	s20 =	sshrl.u32 s6, $0x3;
	s24 =	simm.s32 $0x7;
	s1 =	sadd.s32 s1, s5  }
0x16: {  	s5 =	sadd.s32 s7, s5;
	s22 =	sadd.s32 $0xAE00, s1;
	s1 =	sadd.s32 $0x1000, s1  }
0x17: {  	s13 =	sadd.s32 $0x2B200, s5;
	s5 =	simm.s32 $0x0;
	[dreg:$0x4] =	wrdreg s22  }
0x18: {  	[dreg:$0x5] =	wrdreg s1;
	s22 =	simm.s32 $0x5000;
	s1 =	simm.s32 $0x4  }
.LBB2_1:
0x19: {  	s6 =	rddreg [dreg:$0x4]  }
0x1a: {  	[tilespmem:s4], [sflag:$0x9] =	stream.linear.gather [hbm4b:s6+s4], $0x2800, $0x38;
	[tilespmem:$0x12E00] =	vst v63  }
0x1b: {  	_ =	swait.ge [sflag:s16], $0x2800  }
0x1c: {  	[sflag:s16] =	ssyncset.done $0x0  }
0x1d: {  	s7 =	simm.s32 $0x2800;
	s8 =	rddreg [dreg:$0x5];
	[sflag:s16] =	ssyncadd.s32 $0xFFFFD800  }
0x1e: {  	[tilespmem:s7], [sflag:$0x9] =	stream.linear.gather [hbm4b:s8+s4], $0x2800, $0x38;
	[tilespmem:$0x12E00] =	vst v63  }
0x1f: {  	_ =	swait.ge [sflag:s16], $0x2800  }
0x20: {  	[sflag:s16] =	ssyncset.done $0x0  }
0x21: {  	s8 =	rddreg [dreg:$0x6];
	[sflag:s16] =	ssyncadd.s32 $0xFFFFD800  }
0x22: {  	[spmem:s19], [sflag:s18] =	dma.local [hbm:s8], $0x9E0  }
0x23: {  	_ =	swait.ge [sflag:s16], $0x9E0  }
0x24: {  	[sflag:s16] =	ssyncset.done $0x0  }
0x25: {  	s7 =	rddreg [dreg:$0x7];
	[sflag:s16] =	ssyncadd.s32 $0xFFFFF620  }
0x26: {  	[spmem:s20], [sflag:s18] =	dma.local [hbm:s7], $0x9E0  }
0x27: {  	_ =	swait.ge [sflag:s16], $0x9E0  }
0x28: {  	[sflag:s16] =	ssyncset.done $0x0  }
0x29: {  	[sflag:s16] =	ssyncadd.s32 $0xFFFFF620  }
0x2a: {  	[bflag:$0x0] =	sbarrier.arrive $0xFFFF  }
0x2b: {  	[tilespmem:s22], [sflag:$0x1] =	stream.indirect.gather [spmem:s3], $0x20, s4, s21, $0xb8;
	[tilespmem:$0x12E00] =	vst v63  }
0x2c: {  	_ = 	snop  }
0x2d: {  	[tilespmem:s23], [sflag:$0x2] =	stream.indirect.gather [spmem:s3], $0x20, s21, s21, $0xb8;
	[tilespmem:$0x12E00] =	vst v63  }
0x2e: {  	s8 =	simm.s32 $0x100  }
0x2f: {  	[tilespmem:s25], [sflag:$0x3] =	stream.indirect.gather [spmem:s3], $0x20, s8, s21, $0xb8;
	[tilespmem:$0x12E00] =	vst v63  }
0x30: {  	s7 =	simm.s32 $0x180  }
0x31: {  	[tilespmem:s28], [sflag:$0x4] =	stream.indirect.gather [spmem:s3], $0x20, s7, s21, $0xb8;
	[tilespmem:$0x12E00] =	vst v63  }
0x32: {  	_ =	swait.ge [sflag:s29], $0x1000  }
0x33: {  	[sflag:s29] =	ssyncset.done $0x0  }
0x34: {  	s8 =	simm.s32 $0x2800;
	[sflag:s29] =	ssyncadd.s32 $0xFFFFF000  }
0x35: {  	[spmem:s2] =	stream.indirect.scatter.add.f32 [tilespmem:s22], [sflag:$0x5], $0x20, s8, s21, $0xb8;
	[tilespmem:$0x12E00] =	vst v63  }
0x36: {  	_ =	swait.ge [sflag:s30], $0x1000  }
0x37: {  	[sflag:s30] =	ssyncset.done $0x0  }
0x38: {  	s7 =	simm.s32 $0x2880;
	[sflag:s30] =	ssyncadd.s32 $0xFFFFF000  }
0x39: {  	[spmem:s2] =	stream.indirect.scatter.add.f32 [tilespmem:s23], [sflag:$0x6], $0x20, s7, s21, $0xb8;
	[tilespmem:$0x12E00] =	vst v63  }
0x3a: {  	_ =	swait.ge [sflag:s31], $0x1000  }
0x3b: {  	[sflag:s31] =	ssyncset.done $0x0  }
0x3c: {  	s8 =	simm.s32 $0x2900;
	[sflag:s31] =	ssyncadd.s32 $0xFFFFF000  }
0x3d: {  	[spmem:s2] =	stream.indirect.scatter.add.f32 [tilespmem:s25], [sflag:$0x7], $0x20, s8, s21, $0xb8;
	[tilespmem:$0x12E00] =	vst v63  }
0x3e: {  	_ =	swait.ge [sflag:s1], $0x1000  }
0x3f: {  	[sflag:s1] =	ssyncset.done $0x0  }
0x40: {  	s7 =	simm.s32 $0x2980;
	[sflag:s1] =	ssyncadd.s32 $0xFFFFF000  }
0x41: {  	[spmem:s2] =	stream.indirect.scatter.add.f32 [tilespmem:s28], [sflag:$0x8], $0x20, s7, s21, $0xb8;
	[tilespmem:$0x12E00] =	vst v63  }
0x42: {  	_ =	swait.ge [sflag:s0], $0x1000  }
0x43: {  	[sflag:s0] =	ssyncset.done $0x0  }
0x44: {  	s8 =	simm.s32 $0x200;
	[sflag:s0] =	ssyncadd.s32 $0xFFFFF000  }
0x45: {  	[tilespmem:s22], [sflag:$0x1] =	stream.indirect.gather [spmem:s3], $0x20, s8, s21, $0xb8;
	[tilespmem:$0x12E00] =	vst v63  }
0x46: {  	_ =	swait.ge [sflag:s17], $0x1000  }
0x47: {  	[sflag:s17] =	ssyncset.done $0x0  }
0x48: {  	s7 =	simm.s32 $0x280;
	[sflag:s17] =	ssyncadd.s32 $0xFFFFF000  }
0x49: {  	[tilespmem:s23], [sflag:$0x2] =	stream.indirect.gather [spmem:s3], $0x20, s7, s21, $0xb8;
	[tilespmem:$0x12E00] =	vst v63  }
0x4a: {  	_ =	swait.ge [sflag:s24], $0x1000  }
0x4b: {  	p0 =	sne.s32 s15, $0x800;
	[sflag:s24] =	ssyncset.done $0x0  }
.Ltmp0:
0x4c: {  	s8 =	simm.s32 $0x300;
	[sflag:s24] =	ssyncadd.s32 $0xFFFFF000;
	(pc) =	sbr.rel @!p0 .LBB2_3-.Ltmp0, $4  }
0x4d: {  	[tilespmem:s25], [sflag:$0x3] =	stream.indirect.gather [spmem:s3], $0x20, s8, s21, $0xb8;
	[tilespmem:$0x12E00] =	vst v63  }
0x4e: {  	_ =	swait.ge [sflag:s26], $0x1000  }
0x4f: {  	[sflag:s26] =	ssyncset.done $0x0  }
0x50: {  	s6 =	simm.s32 $0x800;
	s7 =	simm.s32 $0x380;
	[sflag:s26] =	ssyncadd.s32 $0xFFFFF000  }
.LBB2_2:
0x51: {  	[tilespmem:s28], [sflag:$0x4] =	stream.indirect.gather [spmem:s3], $0x20, s7, s21, $0xb8;
	[tilespmem:$0x12E00] =	vst v63  }
0x52: {  	s7 =	smov.u32 s6;
	s6 =	sadd.s32 $0x800, s6;
	_ =	swait.ge [sflag:s29], $0x1000  }
0x53: {  	s7 =	sshra.s32 s7, $0x2;
	p0 =	sne.s32 s15, s6;
	[sflag:s29] =	ssyncset.done $0x0  }
0x54: {  	s8 =	sadd.s32 $0x2800, s7;
	[sflag:s29] =	ssyncadd.s32 $0xFFFFF000  }
0x55: {  	[spmem:s2] =	stream.indirect.scatter.add.f32 [tilespmem:s22], [sflag:$0x5], $0x20, s8, s21, $0xb8;
	[tilespmem:$0x12E00] =	vst v63  }
0x56: {  	_ =	swait.ge [sflag:s30], $0x1000  }
0x57: {  	[sflag:s30] =	ssyncset.done $0x0  }
0x58: {  	s8 =	sadd.s32 $0x2880, s7;
	[sflag:s30] =	ssyncadd.s32 $0xFFFFF000  }
0x59: {  	[spmem:s2] =	stream.indirect.scatter.add.f32 [tilespmem:s23], [sflag:$0x6], $0x20, s8, s21, $0xb8;
	[tilespmem:$0x12E00] =	vst v63  }
0x5a: {  	_ =	swait.ge [sflag:s31], $0x1000  }
0x5b: {  	[sflag:s31] =	ssyncset.done $0x0  }
0x5c: {  	s8 =	sadd.s32 $0x2900, s7;
	[sflag:s31] =	ssyncadd.s32 $0xFFFFF000  }
0x5d: {  	[spmem:s2] =	stream.indirect.scatter.add.f32 [tilespmem:s25], [sflag:$0x7], $0x20, s8, s21, $0xb8;
	[tilespmem:$0x12E00] =	vst v63  }
0x5e: {  	_ =	swait.ge [sflag:s1], $0x1000  }
0x5f: {  	[sflag:s1] =	ssyncset.done $0x0  }
0x60: {  	s8 =	sadd.s32 $0x2980, s7;
	[sflag:s1] =	ssyncadd.s32 $0xFFFFF000  }
0x61: {  	[spmem:s2] =	stream.indirect.scatter.add.f32 [tilespmem:s28], [sflag:$0x8], $0x20, s8, s21, $0xb8;
	[tilespmem:$0x12E00] =	vst v63  }
0x62: {  	_ =	swait.ge [sflag:s0], $0x1000  }
0x63: {  	[sflag:s0] =	ssyncset.done $0x0  }
0x64: {  	s8 =	sadd.s32 $0x200, s7;
	[sflag:s0] =	ssyncadd.s32 $0xFFFFF000  }
0x65: {  	[tilespmem:s22], [sflag:$0x1] =	stream.indirect.gather [spmem:s3], $0x20, s8, s21, $0xb8;
	[tilespmem:$0x12E00] =	vst v63  }
0x66: {  	_ =	swait.ge [sflag:s17], $0x1000  }
0x67: {  	[sflag:s17] =	ssyncset.done $0x0  }
0x68: {  	s8 =	sadd.s32 $0x280, s7;
	[sflag:s17] =	ssyncadd.s32 $0xFFFFF000  }
0x69: {  	[tilespmem:s23], [sflag:$0x2] =	stream.indirect.gather [spmem:s3], $0x20, s8, s21, $0xb8;
	[tilespmem:$0x12E00] =	vst v63  }
0x6a: {  	_ =	swait.ge [sflag:s24], $0x1000  }
0x6b: {  	[sflag:s24] =	ssyncset.done $0x0  }
.Ltmp1:
0x6c: {  	s8 =	sadd.s32 $0x300, s7;
	[sflag:s24] =	ssyncadd.s32 $0xFFFFF000;
	(pc) =	sbr.rel @p0 .LBB2_2-.Ltmp1, $4  }
0x6d: {  	[tilespmem:s25], [sflag:$0x3] =	stream.indirect.gather [spmem:s3], $0x20, s8, s21, $0xb8;
	[tilespmem:$0x12E00] =	vst v63  }
0x6e: {  	_ =	swait.ge [sflag:s26], $0x1000  }
0x6f: {  	[sflag:s26] =	ssyncset.done $0x0  }
0x70: {  	s7 =	sadd.s32 $0x380, s7;
	[sflag:s26] =	ssyncadd.s32 $0xFFFFF000  }
.LBB2_3:
0x71: {  	[tilespmem:s28], [sflag:$0x4] =	stream.indirect.gather [spmem:s3], $0x20, s7, s21, $0xb8;
	[tilespmem:$0x12E00] =	vst v63  }
0x72: {  	_ =	swait.ge [sflag:s29], $0x1000  }
0x73: {  	[sflag:s29] =	ssyncset.done $0x0  }
0x74: {  	[sflag:s29] =	ssyncadd.s32 $0xFFFFF000  }
0x75: {  	[spmem:s2] =	stream.indirect.scatter.add.f32 [tilespmem:s22], [sflag:$0x5], $0x20, s9, s21, $0xb8;
	[tilespmem:$0x12E00] =	vst v63  }
0x76: {  	_ =	swait.ge [sflag:s30], $0x1000  }
0x77: {  	[sflag:s30] =	ssyncset.done $0x0  }
0x78: {  	[sflag:s30] =	ssyncadd.s32 $0xFFFFF000  }
0x79: {  	[spmem:s2] =	stream.indirect.scatter.add.f32 [tilespmem:s23], [sflag:$0x6], $0x20, s10, s21, $0xb8;
	[tilespmem:$0x12E00] =	vst v63  }
0x7a: {  	_ =	swait.ge [sflag:s31], $0x1000  }
0x7b: {  	[sflag:s31] =	ssyncset.done $0x0  }
0x7c: {  	[sflag:s31] =	ssyncadd.s32 $0xFFFFF000  }
0x7d: {  	[spmem:s2] =	stream.indirect.scatter.add.f32 [tilespmem:s25], [sflag:$0x7], $0x20, s11, s21, $0xb8;
	[tilespmem:$0x12E00] =	vst v63  }
0x7e: {  	_ =	swait.ge [sflag:s1], $0x1000  }
0x7f: {  	[sflag:s1] =	ssyncset.done $0x0  }
0x80: {  	[sflag:s1] =	ssyncadd.s32 $0xFFFFF000  }
0x81: {  	[spmem:s2] =	stream.indirect.scatter.add.f32 [tilespmem:s28], [sflag:$0x8], $0x20, s12, s21, $0xb8;
	[tilespmem:$0x12E00] =	vst v63  }
0x82: {  	_ =	swait.ge [sflag:s0], $0x1000  }
0x83: {  	[sflag:s0] =	ssyncset.done $0x0  }
0x84: {  	[sflag:s0] =	ssyncadd.s32 $0xFFFFF000  }
0x85: {  	_ =	swait.ge [sflag:s17], $0x1000  }
0x86: {  	[sflag:s17] =	ssyncset.done $0x0  }
0x87: {  	[sflag:s17] =	ssyncadd.s32 $0xFFFFF000  }
0x88: {  	_ =	swait.ge [sflag:s24], $0x1000  }
0x89: {  	[sflag:s24] =	ssyncset.done $0x0  }
0x8a: {  	[sflag:s24] =	ssyncadd.s32 $0xFFFFF000  }
0x8b: {  	_ =	swait.ge [sflag:s26], $0x1000  }
0x8c: {  	s5 =	sadd.s32 $0x1, s5;
	[sflag:s26] =	ssyncset.done $0x0  }
0x8d: {  	p0 =	sne.s32 s5, s14;
	[sflag:s26] =	ssyncadd.s32 $0xFFFFF000  }
.Ltmp2:
0x8e: {  	[bflag:$0x0] =	sbarrier.arrive $0xFFFF;
	(pc) =	sbr.rel @p0 .LBB2_1-.Ltmp2, $4  }
0x8f: {  	[hbm:s13], [sflag:s18] =	dma.local [spmem:s19], $0x9E0  }
0x90: {  	_ =	swait.ge [sflag:s16], $0x9E0  }
0x91: {  	[sflag:s16] =	ssyncset.done $0x0  }
0x92: {  	[sflag:s16] =	ssyncadd.s32 $0xFFFFF620  }
0x93: {  	_ =	sfence.sel $0x180000  }
0x94: {  	[bflag:$0x0] =	sbarrier.arrive $0xFFFF  }
0x95: {  	_ =	strace $0x9000004A  }
0x96: {  	s0 =	stileid.u32;
	[bflag:$0x2] =	sbarrier.arrive $0xFFFF  }
0x97: {  	p0 =	sne.s32 s0, $0x0;
	s0 =	rddreg [dreg:$0x3]  }
0x98: {  	s0 =	sadd.s32 @!p0 $0x100000, s0  }
0x99: {  	[sflag:s0] =	ssyncadd.tile.s32 @!p0 $0x1;
	_ =	shalt  }
.Lfunc_end2:
_tile_overlayer_lowered:
.L_overlay_start_2:
0x9a: {  	(tag) =	ssettag $0x2  }
0x9b: {  	s0 =	rddreg [dreg:$0x0];
	s2 =	stileid.u32  }
0x9c: {  	s1 =	rddreg [dreg:$0x1];
	p0 =	sne.s32 s2, $0x0  }
0x9d: {  	s3 =	rddreg [dreg:$0x2];
	[bflag:$0x3] =	sbarrier.arrive $0xFFFF;
	s2 =	simm.s32 @!p0 $0x1C09  }
0x9e: {  	[timem:s3], [sflag:s2] =	dma.local @!p0 [hbm:s0], s1  }
0x9f: {  	s0 =	simm.s32 @!p0 $0x9  }
0xa0: {  	_ =	swait.ge @!p0 [sflag:s0], s1  }
0xa1: {  	s1 =	ssub.s32 @!p0 $0x0, s1;
	[sflag:s0] =	ssyncset.done @!p0 $0x0  }
0xa2: {  	[sflag:s0] =	ssyncadd.s32 @!p0 s1  }
0xa3: {  	[bflag:$0x3] =	sbarrier.arrive $0xFFFF  }
0xa4: {  	_ =	shalt  }

// kernel: kernel.14.cloned.1.call-start
scs
__scs_entry_jumppad:
0x0: {  	(pc) =	sbr.rel $0x88, $3  }
0x1: {  	(tag) =	ssettag $0x0;
	lr =	simm.s32 $0x1  }
0x2: {  	[smem:$0x3F9B] =	sst lr;
	_ =	strace $0xD0000000  }
0x3: {  	_ = 	snop  }
0x4: {  	_ = 	snop  }
0x5: {  	_ = 	snop  }
0x6: {  	_ = 	snop  }
0x7: {  	_ = 	snop  }
__scs_overlays_trampoline_lowered:
0x8: {  	[smem:$0x3FAA] =	sst s0  }
0x9: {  	[smem:$0x3FAB] =	sst s1  }
0xa: {  	[smem:$0x3FAC] =	sst s2  }
0xb: {  	[smem:$0x3FAD] =	sst s3  }
0xc: {  	[smem:$0x3FAE] =	sst s4  }
0xd: {  	[smem:$0x3FAF] =	sst s5  }
0xe: {  	[smem:$0x3FB0] =	sst s6  }
0xf: {  	[smem:$0x3FB1] =	sst s7  }
0x10: {  	[smem:$0x3FB2] =	sst s8  }
0x11: {  	[smem:$0x3FB3] =	sst s9;
	s0 =	simm.s32 @!p0 $0x0  }
0x12: {  	s1 =	sld [smem:$0x3F99];
	s0 =	simm.s32 @p0 $0x1  }
0x13: {  	[smem:$0x3FB4] =	sst s0;
	s0 =	simm.s32 @!p1 $0x0  }
0x14: {  	s2 =	sld [smem:$0x3F98];
	s0 =	simm.s32 @p1 $0x1  }
0x15: {  	[smem:$0x3FB5] =	sst s0;
	s0 =	simm.s32 @!p2 $0x0  }
0x16: {  	s3 =	sld [smem:$0x3FDB];
	s0 =	simm.s32 @p2 $0x1  }
0x17: {  	s4 =	simm.s32 $0x1BF5;
	[smem:$0x3FB7] =	sst s0  }
0x18: {  	s0 =	sld [smem:$0x3F9A];
	_ =	swait.ge [sflag:s4], $0x0  }
0x19: {  	s7 =	sld [smem:$0x3F9B]  }
0x1a: {  	s8 =	sadd.s32 $0xFFFFE003, lr  }
0x1b: {  	s9 =	sadd.s32 $0xFFFFFEF7, lr;
	s5 =	simm.s32 $0xFFFFFFFF;
	p2 =	slt.u32 s8, $0xFFFFF086  }
0x1c: {  	p1 =	slt.u32 s9, $0xF7A;
	s5 =	simm.s32 @!p2 $0x0  }
0x1d: {  	s5 =	simm.s32 @p1 $0x1;
	p0 =	seq.s32 s7, s2  }
0x1e: {  	s7 =	smul.u32 @!p0 $0xF7A, s2;
	p2 =	seq.s32 @!p0 s5, $0x0  }
0x1f: {  	s9 =	smul.u32 $0xF7A, s1;
	s8 =	simm.s32 @!p0 $0x1BF5;
	p2 =	por !p2, p0  }
0x20: {  	[sflag:s8] =	ssyncset.s32 @!p0 $0xFFFFF086;
	s6 =	sadd.s32 @!p0 s3, s7;
	s7 =	simm.s32 @!p0 $0x108  }
0x21: {  	s3 =	sadd.s32 s3, s9;
	s6 =	sadd.s32 @!p0 $0x88, s6;
	s7 =	simm.s32 @p2 $0x1082  }
0x22: {  	[simem:s7], [sflag:s8] =	dma.local @!p0 [hbm:s6], $0xF7A  }
0x23: {  	s9 =	sor.u32 $0xD0000000, s2;
	s6 =	simm.s32 $0x108;
	_ =	swait.ge @!p0 [sflag:s8], $0x0  }
0x24: {  	s3 =	sadd.s32 $0x88, s3;
	s6 =	simm.s32 @!p1 $0x1082;
	[sflag:s4] =	ssyncset.s32 $0xFFFFF086  }
0x25: {  	[simem:s6], [sflag:s4] =	dma.local [hbm:s3], $0xF7A  }
0x26: {  	[smem:$0x3F9B] =	sst s1;
	(tag) =	ssettag s2;
	_ =	strace s9  }
0x27: {  	s1 =	sld [smem:$0x3FAB]  }
0x28: {  	s2 =	sld [smem:$0x3FAC]  }
0x29: {  	s4 =	sld [smem:$0x3FAE]  }
0x2a: {  	p0 =	seq.s32 s5, $0x0;
	s5 =	sld [smem:$0x3FAF]  }
0x2b: {  	s6 =	sld [smem:$0x3FB0]  }
0x2c: {  	s7 =	sld [smem:$0x3FB1]  }
0x2d: {  	s3 =	simm.s32 $0x108;
	s8 =	sld [smem:$0x3FB2]  }
0x2e: {  	s3 =	simm.s32 @!p0 $0x1082;
	s9 =	sld [smem:$0x3FB3]  }
0x2f: {  	lr =	sadd.s32 s0, s3;
	s0 =	sld [smem:$0x3FAA]  }
0x30: {  	s3 =	sld [smem:$0x3FAD]  }
0x31: {  	[smem:$0x3FB6] =	sst s10  }
0x32: {  	s10 =	sld [smem:$0x3FB4];
	_ =	sdelay $0x3  }
0x33: {  	p0 =	seq.s32 s10, $0x1;
	s10 =	sld [smem:$0x3FB6];
	_ =	sdelay $0x3  }
0x34: {  	[smem:$0x3FB6] =	sst s10  }
0x35: {  	s10 =	sld [smem:$0x3FB5];
	_ =	sdelay $0x3  }
0x36: {  	p1 =	seq.s32 s10, $0x1;
	s10 =	sld [smem:$0x3FB6];
	_ =	sdelay $0x3  }
0x37: {  	[smem:$0x3FB6] =	sst s10  }
0x38: {  	s10 =	sld [smem:$0x3FB7]  }
0x39: {  	_ = 	snop;
	(pc) =	sbr.ind lr, $3  }
0x3a: {  	_ = 	snop  }
0x3b: {  	_ = 	snop  }
0x3c: {  	p2 =	seq.s32 s10, $0x1;
	s10 =	sld [smem:$0x3FB6]  }
0x3d: {  	_ =	shalt  }
0x3e: {  	_ =	shalt  }
0x3f: {  	_ =	shalt  }
0x40: {  	_ =	shalt  }
0x41: {  	_ =	shalt  }
0x42: {  	_ =	shalt  }
0x43: {  	_ =	shalt  }
0x44: {  	_ =	shalt  }
0x45: {  	_ =	shalt  }
0x46: {  	_ =	shalt  }
0x47: {  	_ =	shalt  }
0x48: {  	_ =	shalt  }
0x49: {  	_ =	shalt  }
0x4a: {  	_ =	shalt  }
0x4b: {  	_ =	shalt  }
0x4c: {  	_ =	shalt  }
0x4d: {  	_ =	shalt  }
0x4e: {  	_ =	shalt  }
0x4f: {  	_ =	shalt  }
0x50: {  	_ =	shalt  }
0x51: {  	_ =	shalt  }
0x52: {  	_ =	shalt  }
0x53: {  	_ =	shalt  }
0x54: {  	_ =	shalt  }
0x55: {  	_ =	shalt  }
0x56: {  	_ =	shalt  }
0x57: {  	_ =	shalt  }
0x58: {  	_ =	shalt  }
0x59: {  	_ =	shalt  }
0x5a: {  	_ =	shalt  }
0x5b: {  	_ =	shalt  }
0x5c: {  	_ =	shalt  }
0x5d: {  	_ =	shalt  }
0x5e: {  	_ =	shalt  }
0x5f: {  	_ =	shalt  }
0x60: {  	_ =	shalt  }
0x61: {  	_ =	shalt  }
0x62: {  	_ =	shalt  }
0x63: {  	_ =	shalt  }
0x64: {  	_ =	shalt  }
0x65: {  	_ =	shalt  }
0x66: {  	_ =	shalt  }
0x67: {  	_ =	shalt  }
0x68: {  	_ =	shalt  }
0x69: {  	_ =	shalt  }
0x6a: {  	_ =	shalt  }
0x6b: {  	_ =	shalt  }
0x6c: {  	_ =	shalt  }
0x6d: {  	_ =	shalt  }
0x6e: {  	_ =	shalt  }
0x6f: {  	_ =	shalt  }
0x70: {  	_ =	shalt  }
0x71: {  	_ =	shalt  }
0x72: {  	_ =	shalt  }
0x73: {  	_ =	shalt  }
0x74: {  	_ =	shalt  }
0x75: {  	_ =	shalt  }
0x76: {  	_ =	shalt  }
0x77: {  	_ =	shalt  }
0x78: {  	_ =	shalt  }
0x79: {  	_ =	shalt  }
0x7a: {  	_ =	shalt  }
0x7b: {  	_ =	shalt  }
0x7c: {  	_ =	shalt  }
0x7d: {  	_ =	shalt  }
0x7e: {  	_ =	shalt  }
0x7f: {  	_ =	shalt  }
0x80: {  	_ =	shalt  }
0x81: {  	_ =	shalt  }
0x82: {  	_ =	shalt  }
0x83: {  	_ =	shalt  }
0x84: {  	_ =	shalt  }
0x85: {  	_ =	shalt  }
0x86: {  	_ =	shalt  }
0x87: {  	_ =	shalt  }
.Lfunc_end0:
.L_simem_size_0:
called_computation.2_lowered:
.L_overlay_start_0:
0x88: {  	s2 =	sld [smem:$0x3FD9]  }
0x89: {  	s3 =	sld [smem:$0x3FFE];
	_ =	sdelay $0x1  }
0x8a: {  	s1 =	srdreg.scid  }
0x8b: {  	s0 =	sand.u32 $0x1, s1  }
0x8c: {  	s16 =	sshll.u32 s0, $0xA;
	s2 =	sadd.s32 s3, s2  }
0x8d: {  	s2 =	sadd.s32 s2, s16  }
0x8e: {  	[smem:$0x3FC2] =	sst s2  }
0x8f: {  	_ = 	snop  }
0x90: {  	(tm) =	ssettm $0x1  }
0x91: {  	s17 =	sld [smem:$0x3FFB];
	_ =	sdelay $0x3  }
0x92: {  	_ =	strace s17  }
0x93: {  	s2 =	sld [smem:$0x3FFC];
	_ =	sdelay $0x3  }
0x94: {  	_ =	strace s2  }
0x95: {  	s2 =	sld [smem:$0x3FFD];
	_ =	sdelay $0x3  }
0x96: {  	_ =	strace s2  }
0x97: {  	_ =	strace $0x8FFFFFFF  }
0x98: {  	s18 =	sld [smem:$0x3FDB];
	_ =	sdelay $0x1  }
0x99: {  	s19 =	simm.s32 $_scs_section_size  }
0x9a: {  	s4 =	simm.s32 $_size__tile_overlayer_lowered;
	s5 =	simm.s32 $_tile_overlayer_lowered  }
0x9b: {  	s22 =	simm.s32 $0x1BFF;
	s21 =	sshll.u32 s5, $0x1;
	s2 =	sadd.s32 s19, s18  }
0x9c: {  	s6 =	simm.s32 $0x0;
	s20 =	sshll.u32 s4, $0x1;
	s4 =	sadd.s32 s21, s2  }
0x9d: {  	[timem:s6], [sflag:s22] =	dma.local [hbm:s4], s20  }
0x9e: {  	_ =	swait.ge [sflag:s22], s20  }
0x9f: {  	s3 =	ssub.s32 $0x0, s20;
	[sflag:s22] =	ssyncset.done $0x0  }
0xa0: {  	[sflag:s22] =	ssyncadd.s32 s3;
	_ =	sdelay $0x1  }
0xa1: {  	s23 =	simm.s32 $0x1B8B  }
0xa2: {  	_ =	swait.ge [sflag:s23], $0x1  }
0xa3: {  	[sflag:s23] =	ssyncset.done $0x0  }
0xa4: {  	s25 =	simm.s32 $0x1B8E;
	s24 =	sld [smem:$0x3FFE];
	[sflag:s23] =	ssyncadd.s32 $0xFFFFFFFF  }
0xa5: {  	s26 =	simm.s32 $execute0_lowered;
	[smem:$0x3FD2] =	sst s25  }
0xa6: {  	s4 =	sshll.u32 s26, $0x1;
	_ =	strace $0x8000004C;
	[dreg:$0x1] =	wrdreg $0xFFFFFFFF  }
0xa7: {  	s28 =	simm.s32 $_size_execute0_lowered;
	s2 =	sadd.s32 s2, s4;
	[dreg:$0x0] =	wrdreg $0x0  }
0xa8: {  	s4 =	sshll.u32 s28, $0x1;
	[dreg:$0x2] =	wrdreg s2  }
0xa9: {  	[dreg:$0x3] =	wrdreg s4  }
0xaa: {  	[dreg:$0x4] =	wrdreg $0xC0  }
0xab: {  	_ =	task [dreg:s6], $0x5FFFF  }
0xac: {  	[dreg:$0x1] =	wrdreg $0xFFFFFFFF  }
0xad: {  	[dreg:$0x0] =	wrdreg $0x60  }
0xae: {  	[dreg:$0x2] =	wrdreg s24  }
0xaf: {  	[dreg:$0x3] =	wrdreg $0x60000  }
0xb0: {  	[dreg:$0x4] =	wrdreg $0x73C00  }
0xb1: {  	[dreg:$0x5] =	wrdreg $0x9  }
0xb2: {  	_ =	task.clear_ibuf [dreg:s6], $0x6FFFF;
	_ =	strace $0x9000004C  }
0xb3: {  	s29 =	simm.s32 $0x9;
	_ =	strace $0x8000004E  }
0xb4: {  	_ =	swait.ge [sflag:s29], $0x1  }
0xb5: {  	[sflag:s29] =	ssyncadd.s32 $0xFFFFFFFF  }
0xb6: {  	_ =	strace $0x9000004E  }
0xb7: {  	_ =	sfence  }
0xb8: {  	s30 =	sld [smem:$0x0];
	_ =	sdelay $0x2  }
0xb9: {  	s31 =	sshll.u32 s1, $0xD;
	s1 =	sshrl.u32 s1, $0x2  }
0xba: {  	s3 =	sand.u32 $0x4000, s31;
	s1 =	sadd.s32 s1, s30  }
0xbb: {  	s0 =	sor.u32 s3, s0;
	s1 =	sshll.u32 s1, $0x11  }
0xbc: {  	s0 =	sor.u32 s1, s0  }
0xbd: {  	s0 =	sadd.s32 $0x8F2B, s0  }
0xbe: {  	[sflag:s0] =	ssyncadd.remote.s32 $0x1  }
0xbf: {  	_ =	sfence.sel $0xFFFF  }
0xc0: {  	[dreg:$0x0] =	wrdreg $0xFFFFFFFF;
	(pc) =	sbr.abs _section_cstart, $3  }
0xc1: {  	[dreg:$0x1] =	wrdreg $0xFFFFFFFF  }
0xc2: {  	_ =	task.clear_ibuf [dreg:s6], $0x2FFFF;
	_ =	strace $0x9FFFFFFF  }
0xc3: {  	(tm) =	ssettm $0x7FFFFFFF  }
tec
execute0_lowered:
.L_overlay_start_1:
0x0: {  	(tag) =	ssettag $0x1  }
0x1: {  	s5 =	rddreg [dreg:$0x0]  }
0x2: {  	s0 =	srdreg.scid;
	s2 =	rddreg [dreg:$0x1]  }
0x3: {  	s16 =	stileid.u32;
	s3 =	rddreg [dreg:$0x2]  }
0x4: {  	s15 =	simm.s32 $0x9800;
	s28 =	simm.s32 $0x5C00;
	s29 =	simm.s32 $0x1  }
0x5: {  	s30 =	simm.s32 $0x2;
	s31 =	simm.s32 $0x3;
	s17 =	simm.s32 $0x6  }
0x6: {  	s0 =	sand.u32 $0x1, s0;
	s1 =	sshll.u32 s16, $0x1;
	s21 =	smul.u32 $0x13C0, s16  }
0x7: {  	s26 =	sshll.u32 s16, $0x6;
	s1 =	sor.u32 s0, s1;
	s7 =	smul.u32 $0x13C00, s0  }
0x8: {  	s16 =	simm.s32 $0x9;
	s0 =	ssub.s32 $0x2, s0;
	s4 =	smul.u32 $0x50, s1  }
0x9: {  	s18 =	sor.u32 $0x1C09, s26;
	s26 =	simm.s32 $0x8;
	s6 =	smul.u32 $0x4C, s1  }
0xa: {  	p0 =	slt.u32 s1, $0xF;
	s8 =	sshrl.u32 s21, $0x3;
	s9 =	sshrl.u32 s0, $0x1  }
0xb: {  	s23 =	sadd.s32 s21, s2;
	s8 =	sadd.s32 s8, s5;
	s7 =	sadd.s32 s21, s7  }
0xc: {  	s0 =	ssub.s32 s0, s9;
	s15 =	simm.s32 @!p0 $0xA000;
	s19 =	sshrl.u32 s23, $0x3  }
0xd: {  	s23 =	simm.s32 $0x5400;
	s1 =	sadd.s32 $0x1FFFFC4, s4;
	s4 =	simm.s32 $0x0  }
0xe: {  	s7 =	sshrl.u32 s7, $0x3;
	s24 =	sadd.s32 $0x14E00, s8;
	s25 =	sshrl.u32 s15, $0x2  }
0xf: {  	s8 =	sadd.s32 $0x17600, s8;
	s14 =	smax.u32 s0, $0x1;
	s15 =	sadd.s32 $0xFFFFF800, s15  }
0x10: {  	s0 =	simm.s32 $0x5;
	s1 =	smov.u32 @p0 s6;
	[smem:$0x7FF] =	sst s4  }
0x11: {  	s6 =	sadd.s32 s21, s3;
	s9 =	sadd.s32 $0x2600, s25;
	s10 =	sadd.s32 $0x2680, s25  }
0x12: {  	s11 =	sadd.s32 $0x2700, s25;
	s12 =	sadd.s32 $0x2780, s25;
	s21 =	simm.s32 $0x80  }
0x13: {  	s1 =	sshll.u32 s1, $0x4;
	_ =	strace $0x8000004D;
	[dreg:$0x6] =	wrdreg s24  }
0x14: {  	s25 =	simm.s32 $0x5800;
	[dreg:$0x7] =	wrdreg s8;
	s1 =	sand.u32 $0x1FFFFFC0, s1  }
0x15: {  	s20 =	sshrl.u32 s6, $0x3;
	s24 =	simm.s32 $0x7;
	s1 =	sadd.s32 s1, s5  }
0x16: {  	s5 =	sadd.s32 s7, s5;
	s22 =	sadd.s32 $0xAE00, s1;
	s1 =	sadd.s32 $0x1000, s1  }
0x17: {  	s13 =	sadd.s32 $0x19E00, s5;
	s5 =	simm.s32 $0x0;
	[dreg:$0x4] =	wrdreg s22  }
0x18: {  	[dreg:$0x5] =	wrdreg s1;
	s22 =	simm.s32 $0x5000;
	s1 =	simm.s32 $0x4  }
.LBB2_1:
0x19: {  	s6 =	rddreg [dreg:$0x4]  }
0x1a: {  	[tilespmem:s4], [sflag:$0x9] =	stream.linear.gather [hbm4b:s6+s4], $0x2800, $0x38;
	[tilespmem:$0x8780] =	vst v63  }
0x1b: {  	_ =	swait.ge [sflag:s16], $0x2800  }
0x1c: {  	[sflag:s16] =	ssyncset.done $0x0  }
0x1d: {  	s7 =	simm.s32 $0x2800;
	s8 =	rddreg [dreg:$0x5];
	[sflag:s16] =	ssyncadd.s32 $0xFFFFD800  }
0x1e: {  	[tilespmem:s7], [sflag:$0x9] =	stream.linear.gather [hbm4b:s8+s4], $0x2800, $0x38;
	[tilespmem:$0x8780] =	vst v63  }
0x1f: {  	_ =	swait.ge [sflag:s16], $0x2800  }
0x20: {  	[sflag:s16] =	ssyncset.done $0x0  }
0x21: {  	s8 =	rddreg [dreg:$0x6];
	[sflag:s16] =	ssyncadd.s32 $0xFFFFD800  }
0x22: {  	[spmem:s19], [sflag:s18] =	dma.local [hbm:s8], $0x278  }
0x23: {  	_ =	swait.ge [sflag:s16], $0x278  }
0x24: {  	[sflag:s16] =	ssyncset.done $0x0  }
0x25: {  	s7 =	rddreg [dreg:$0x7];
	[sflag:s16] =	ssyncadd.s32 $0xFFFFFD88  }
0x26: {  	[spmem:s20], [sflag:s18] =	dma.local [hbm:s7], $0x278  }
0x27: {  	_ =	swait.ge [sflag:s16], $0x278  }
0x28: {  	[sflag:s16] =	ssyncset.done $0x0  }
0x29: {  	[sflag:s16] =	ssyncadd.s32 $0xFFFFFD88  }
0x2a: {  	[bflag:$0x0] =	sbarrier.arrive $0xFFFF  }
0x2b: {  	[tilespmem:s22], [sflag:$0x1] =	stream.indirect.gather [spmem:s3], $0x8, s4, s21, $0xb8;
	[tilespmem:$0x8780] =	vst v63  }
0x2c: {  	_ = 	snop  }
0x2d: {  	[tilespmem:s23], [sflag:$0x2] =	stream.indirect.gather [spmem:s3], $0x8, s21, s21, $0xb8;
	[tilespmem:$0x8780] =	vst v63  }
0x2e: {  	s8 =	simm.s32 $0x100  }
0x2f: {  	[tilespmem:s25], [sflag:$0x3] =	stream.indirect.gather [spmem:s3], $0x8, s8, s21, $0xb8;
	[tilespmem:$0x8780] =	vst v63  }
0x30: {  	s7 =	simm.s32 $0x180  }
0x31: {  	[tilespmem:s28], [sflag:$0x4] =	stream.indirect.gather [spmem:s3], $0x8, s7, s21, $0xb8;
	[tilespmem:$0x8780] =	vst v63  }
0x32: {  	_ =	swait.ge [sflag:s29], $0x400  }
0x33: {  	[sflag:s29] =	ssyncset.done $0x0  }
0x34: {  	s8 =	simm.s32 $0x2800;
	[sflag:s29] =	ssyncadd.s32 $0xFFFFFC00  }
0x35: {  	[spmem:s2] =	stream.indirect.scatter.add.f32 [tilespmem:s22], [sflag:$0x5], $0x8, s8, s21, $0xb8;
	[tilespmem:$0x8780] =	vst v63  }
0x36: {  	_ =	swait.ge [sflag:s30], $0x400  }
0x37: {  	[sflag:s30] =	ssyncset.done $0x0  }
0x38: {  	s7 =	simm.s32 $0x2880;
	[sflag:s30] =	ssyncadd.s32 $0xFFFFFC00  }
0x39: {  	[spmem:s2] =	stream.indirect.scatter.add.f32 [tilespmem:s23], [sflag:$0x6], $0x8, s7, s21, $0xb8;
	[tilespmem:$0x8780] =	vst v63  }
0x3a: {  	_ =	swait.ge [sflag:s31], $0x400  }
0x3b: {  	[sflag:s31] =	ssyncset.done $0x0  }
0x3c: {  	s8 =	simm.s32 $0x2900;
	[sflag:s31] =	ssyncadd.s32 $0xFFFFFC00  }
0x3d: {  	[spmem:s2] =	stream.indirect.scatter.add.f32 [tilespmem:s25], [sflag:$0x7], $0x8, s8, s21, $0xb8;
	[tilespmem:$0x8780] =	vst v63  }
0x3e: {  	_ =	swait.ge [sflag:s1], $0x400  }
0x3f: {  	[sflag:s1] =	ssyncset.done $0x0  }
0x40: {  	s7 =	simm.s32 $0x2980;
	[sflag:s1] =	ssyncadd.s32 $0xFFFFFC00  }
0x41: {  	[spmem:s2] =	stream.indirect.scatter.add.f32 [tilespmem:s28], [sflag:$0x8], $0x8, s7, s21, $0xb8;
	[tilespmem:$0x8780] =	vst v63  }
0x42: {  	_ =	swait.ge [sflag:s0], $0x400  }
0x43: {  	[sflag:s0] =	ssyncset.done $0x0  }
0x44: {  	s8 =	simm.s32 $0x200;
	[sflag:s0] =	ssyncadd.s32 $0xFFFFFC00  }
0x45: {  	[tilespmem:s22], [sflag:$0x1] =	stream.indirect.gather [spmem:s3], $0x8, s8, s21, $0xb8;
	[tilespmem:$0x8780] =	vst v63  }
0x46: {  	_ =	swait.ge [sflag:s17], $0x400  }
0x47: {  	[sflag:s17] =	ssyncset.done $0x0  }
0x48: {  	s7 =	simm.s32 $0x280;
	[sflag:s17] =	ssyncadd.s32 $0xFFFFFC00  }
0x49: {  	[tilespmem:s23], [sflag:$0x2] =	stream.indirect.gather [spmem:s3], $0x8, s7, s21, $0xb8;
	[tilespmem:$0x8780] =	vst v63  }
0x4a: {  	_ =	swait.ge [sflag:s24], $0x400  }
0x4b: {  	p0 =	sne.s32 s15, $0x800;
	[sflag:s24] =	ssyncset.done $0x0  }
.Ltmp0:
0x4c: {  	s8 =	simm.s32 $0x300;
	[sflag:s24] =	ssyncadd.s32 $0xFFFFFC00;
	(pc) =	sbr.rel @!p0 .LBB2_3-.Ltmp0, $4  }
0x4d: {  	[tilespmem:s25], [sflag:$0x3] =	stream.indirect.gather [spmem:s3], $0x8, s8, s21, $0xb8;
	[tilespmem:$0x8780] =	vst v63  }
0x4e: {  	_ =	swait.ge [sflag:s26], $0x400  }
0x4f: {  	[sflag:s26] =	ssyncset.done $0x0  }
0x50: {  	s6 =	simm.s32 $0x800;
	s7 =	simm.s32 $0x380;
	[sflag:s26] =	ssyncadd.s32 $0xFFFFFC00  }
.LBB2_2:
0x51: {  	[tilespmem:s28], [sflag:$0x4] =	stream.indirect.gather [spmem:s3], $0x8, s7, s21, $0xb8;
	[tilespmem:$0x8780] =	vst v63  }
0x52: {  	s7 =	smov.u32 s6;
	s6 =	sadd.s32 $0x800, s6;
	_ =	swait.ge [sflag:s29], $0x400  }
0x53: {  	s7 =	sshra.s32 s7, $0x2;
	p0 =	sne.s32 s15, s6;
	[sflag:s29] =	ssyncset.done $0x0  }
0x54: {  	s8 =	sadd.s32 $0x2800, s7;
	[sflag:s29] =	ssyncadd.s32 $0xFFFFFC00  }
0x55: {  	[spmem:s2] =	stream.indirect.scatter.add.f32 [tilespmem:s22], [sflag:$0x5], $0x8, s8, s21, $0xb8;
	[tilespmem:$0x8780] =	vst v63  }
0x56: {  	_ =	swait.ge [sflag:s30], $0x400  }
0x57: {  	[sflag:s30] =	ssyncset.done $0x0  }
0x58: {  	s8 =	sadd.s32 $0x2880, s7;
	[sflag:s30] =	ssyncadd.s32 $0xFFFFFC00  }
0x59: {  	[spmem:s2] =	stream.indirect.scatter.add.f32 [tilespmem:s23], [sflag:$0x6], $0x8, s8, s21, $0xb8;
	[tilespmem:$0x8780] =	vst v63  }
0x5a: {  	_ =	swait.ge [sflag:s31], $0x400  }
0x5b: {  	[sflag:s31] =	ssyncset.done $0x0  }
0x5c: {  	s8 =	sadd.s32 $0x2900, s7;
	[sflag:s31] =	ssyncadd.s32 $0xFFFFFC00  }
0x5d: {  	[spmem:s2] =	stream.indirect.scatter.add.f32 [tilespmem:s25], [sflag:$0x7], $0x8, s8, s21, $0xb8;
	[tilespmem:$0x8780] =	vst v63  }
0x5e: {  	_ =	swait.ge [sflag:s1], $0x400  }
0x5f: {  	[sflag:s1] =	ssyncset.done $0x0  }
0x60: {  	s8 =	sadd.s32 $0x2980, s7;
	[sflag:s1] =	ssyncadd.s32 $0xFFFFFC00  }
0x61: {  	[spmem:s2] =	stream.indirect.scatter.add.f32 [tilespmem:s28], [sflag:$0x8], $0x8, s8, s21, $0xb8;
	[tilespmem:$0x8780] =	vst v63  }
0x62: {  	_ =	swait.ge [sflag:s0], $0x400  }
0x63: {  	[sflag:s0] =	ssyncset.done $0x0  }
0x64: {  	s8 =	sadd.s32 $0x200, s7;
	[sflag:s0] =	ssyncadd.s32 $0xFFFFFC00  }
0x65: {  	[tilespmem:s22], [sflag:$0x1] =	stream.indirect.gather [spmem:s3], $0x8, s8, s21, $0xb8;
	[tilespmem:$0x8780] =	vst v63  }
0x66: {  	_ =	swait.ge [sflag:s17], $0x400  }
0x67: {  	[sflag:s17] =	ssyncset.done $0x0  }
0x68: {  	s8 =	sadd.s32 $0x280, s7;
	[sflag:s17] =	ssyncadd.s32 $0xFFFFFC00  }
0x69: {  	[tilespmem:s23], [sflag:$0x2] =	stream.indirect.gather [spmem:s3], $0x8, s8, s21, $0xb8;
	[tilespmem:$0x8780] =	vst v63  }
0x6a: {  	_ =	swait.ge [sflag:s24], $0x400  }
0x6b: {  	[sflag:s24] =	ssyncset.done $0x0  }
.Ltmp1:
0x6c: {  	s8 =	sadd.s32 $0x300, s7;
	[sflag:s24] =	ssyncadd.s32 $0xFFFFFC00;
	(pc) =	sbr.rel @p0 .LBB2_2-.Ltmp1, $4  }
0x6d: {  	[tilespmem:s25], [sflag:$0x3] =	stream.indirect.gather [spmem:s3], $0x8, s8, s21, $0xb8;
	[tilespmem:$0x8780] =	vst v63  }
0x6e: {  	_ =	swait.ge [sflag:s26], $0x400  }
0x6f: {  	[sflag:s26] =	ssyncset.done $0x0  }
0x70: {  	s7 =	sadd.s32 $0x380, s7;
	[sflag:s26] =	ssyncadd.s32 $0xFFFFFC00  }
.LBB2_3:
0x71: {  	[tilespmem:s28], [sflag:$0x4] =	stream.indirect.gather [spmem:s3], $0x8, s7, s21, $0xb8;
	[tilespmem:$0x8780] =	vst v63  }
0x72: {  	_ =	swait.ge [sflag:s29], $0x400  }
0x73: {  	[sflag:s29] =	ssyncset.done $0x0  }
0x74: {  	[sflag:s29] =	ssyncadd.s32 $0xFFFFFC00  }
0x75: {  	[spmem:s2] =	stream.indirect.scatter.add.f32 [tilespmem:s22], [sflag:$0x5], $0x8, s9, s21, $0xb8;
	[tilespmem:$0x8780] =	vst v63  }
0x76: {  	_ =	swait.ge [sflag:s30], $0x400  }
0x77: {  	[sflag:s30] =	ssyncset.done $0x0  }
0x78: {  	[sflag:s30] =	ssyncadd.s32 $0xFFFFFC00  }
0x79: {  	[spmem:s2] =	stream.indirect.scatter.add.f32 [tilespmem:s23], [sflag:$0x6], $0x8, s10, s21, $0xb8;
	[tilespmem:$0x8780] =	vst v63  }
0x7a: {  	_ =	swait.ge [sflag:s31], $0x400  }
0x7b: {  	[sflag:s31] =	ssyncset.done $0x0  }
0x7c: {  	[sflag:s31] =	ssyncadd.s32 $0xFFFFFC00  }
0x7d: {  	[spmem:s2] =	stream.indirect.scatter.add.f32 [tilespmem:s25], [sflag:$0x7], $0x8, s11, s21, $0xb8;
	[tilespmem:$0x8780] =	vst v63  }
0x7e: {  	_ =	swait.ge [sflag:s1], $0x400  }
0x7f: {  	[sflag:s1] =	ssyncset.done $0x0  }
0x80: {  	[sflag:s1] =	ssyncadd.s32 $0xFFFFFC00  }
0x81: {  	[spmem:s2] =	stream.indirect.scatter.add.f32 [tilespmem:s28], [sflag:$0x8], $0x8, s12, s21, $0xb8;
	[tilespmem:$0x8780] =	vst v63  }
0x82: {  	_ =	swait.ge [sflag:s0], $0x400  }
0x83: {  	[sflag:s0] =	ssyncset.done $0x0  }
0x84: {  	[sflag:s0] =	ssyncadd.s32 $0xFFFFFC00  }
0x85: {  	_ =	swait.ge [sflag:s17], $0x400  }
0x86: {  	[sflag:s17] =	ssyncset.done $0x0  }
0x87: {  	[sflag:s17] =	ssyncadd.s32 $0xFFFFFC00  }
0x88: {  	_ =	swait.ge [sflag:s24], $0x400  }
0x89: {  	[sflag:s24] =	ssyncset.done $0x0  }
0x8a: {  	[sflag:s24] =	ssyncadd.s32 $0xFFFFFC00  }
0x8b: {  	_ =	swait.ge [sflag:s26], $0x400  }
0x8c: {  	s5 =	sadd.s32 $0x1, s5;
	[sflag:s26] =	ssyncset.done $0x0  }
0x8d: {  	p0 =	sne.s32 s5, s14;
	[sflag:s26] =	ssyncadd.s32 $0xFFFFFC00  }
.Ltmp2:
0x8e: {  	[bflag:$0x0] =	sbarrier.arrive $0xFFFF;
	(pc) =	sbr.rel @p0 .LBB2_1-.Ltmp2, $4  }
0x8f: {  	[hbm:s13], [sflag:s18] =	dma.local [spmem:s19], $0x278  }
0x90: {  	_ =	swait.ge [sflag:s16], $0x278  }
0x91: {  	[sflag:s16] =	ssyncset.done $0x0  }
0x92: {  	[sflag:s16] =	ssyncadd.s32 $0xFFFFFD88  }
0x93: {  	_ =	sfence.sel $0x180000  }
0x94: {  	[bflag:$0x0] =	sbarrier.arrive $0xFFFF  }
0x95: {  	_ =	strace $0x9000004D  }
0x96: {  	s0 =	stileid.u32;
	[bflag:$0x2] =	sbarrier.arrive $0xFFFF  }
0x97: {  	p0 =	sne.s32 s0, $0x0;
	s0 =	rddreg [dreg:$0x3]  }
0x98: {  	s0 =	sadd.s32 @!p0 $0x100000, s0  }
0x99: {  	[sflag:s0] =	ssyncadd.tile.s32 @!p0 $0x1;
	_ =	shalt  }
.Lfunc_end2:
_tile_overlayer_lowered:
.L_overlay_start_2:
0x9a: {  	(tag) =	ssettag $0x2  }
0x9b: {  	s0 =	rddreg [dreg:$0x0];
	s2 =	stileid.u32  }
0x9c: {  	s1 =	rddreg [dreg:$0x1];
	p0 =	sne.s32 s2, $0x0  }
0x9d: {  	s3 =	rddreg [dreg:$0x2];
	[bflag:$0x3] =	sbarrier.arrive $0xFFFF;
	s2 =	simm.s32 @!p0 $0x1C09  }
0x9e: {  	[timem:s3], [sflag:s2] =	dma.local @!p0 [hbm:s0], s1  }
0x9f: {  	s0 =	simm.s32 @!p0 $0x9  }
0xa0: {  	_ =	swait.ge @!p0 [sflag:s0], s1  }
0xa1: {  	s1 =	ssub.s32 @!p0 $0x0, s1;
	[sflag:s0] =	ssyncset.done @!p0 $0x0  }
0xa2: {  	[sflag:s0] =	ssyncadd.s32 @!p0 s1  }
0xa3: {  	[bflag:$0x3] =	sbarrier.arrive $0xFFFF  }
0xa4: {  	_ =	shalt  }

// kernel: kernel.8.cloned.1.call-start
scs
__scs_entry_jumppad:
0x0: {  	(pc) =	sbr.rel $0x88, $3  }
0x1: {  	(tag) =	ssettag $0x0;
	lr =	simm.s32 $0x1  }
0x2: {  	[smem:$0x3F9B] =	sst lr;
	_ =	strace $0xD0000000  }
0x3: {  	_ = 	snop  }
0x4: {  	_ = 	snop  }
0x5: {  	_ = 	snop  }
0x6: {  	_ = 	snop  }
0x7: {  	_ = 	snop  }
__scs_overlays_trampoline_lowered:
0x8: {  	[smem:$0x3FAA] =	sst s0  }
0x9: {  	[smem:$0x3FAB] =	sst s1  }
0xa: {  	[smem:$0x3FAC] =	sst s2  }
0xb: {  	[smem:$0x3FAD] =	sst s3  }
0xc: {  	[smem:$0x3FAE] =	sst s4  }
0xd: {  	[smem:$0x3FAF] =	sst s5  }
0xe: {  	[smem:$0x3FB0] =	sst s6  }
0xf: {  	[smem:$0x3FB1] =	sst s7  }
0x10: {  	[smem:$0x3FB2] =	sst s8  }
0x11: {  	[smem:$0x3FB3] =	sst s9;
	s0 =	simm.s32 @!p0 $0x0  }
0x12: {  	s1 =	sld [smem:$0x3F99];
	s0 =	simm.s32 @p0 $0x1  }
0x13: {  	[smem:$0x3FB4] =	sst s0;
	s0 =	simm.s32 @!p1 $0x0  }
0x14: {  	s2 =	sld [smem:$0x3F98];
	s0 =	simm.s32 @p1 $0x1  }
0x15: {  	[smem:$0x3FB5] =	sst s0;
	s0 =	simm.s32 @!p2 $0x0  }
0x16: {  	s3 =	sld [smem:$0x3FDB];
	s0 =	simm.s32 @p2 $0x1  }
0x17: {  	s4 =	simm.s32 $0x1BF5;
	[smem:$0x3FB7] =	sst s0  }
0x18: {  	s0 =	sld [smem:$0x3F9A];
	_ =	swait.ge [sflag:s4], $0x0  }
0x19: {  	s7 =	sld [smem:$0x3F9B]  }
0x1a: {  	s8 =	sadd.s32 $0xFFFFE003, lr  }
0x1b: {  	s9 =	sadd.s32 $0xFFFFFEF7, lr;
	s5 =	simm.s32 $0xFFFFFFFF;
	p2 =	slt.u32 s8, $0xFFFFF086  }
0x1c: {  	p1 =	slt.u32 s9, $0xF7A;
	s5 =	simm.s32 @!p2 $0x0  }
0x1d: {  	s5 =	simm.s32 @p1 $0x1;
	p0 =	seq.s32 s7, s2  }
0x1e: {  	s7 =	smul.u32 @!p0 $0xF7A, s2;
	p2 =	seq.s32 @!p0 s5, $0x0  }
0x1f: {  	s9 =	smul.u32 $0xF7A, s1;
	s8 =	simm.s32 @!p0 $0x1BF5;
	p2 =	por !p2, p0  }
0x20: {  	[sflag:s8] =	ssyncset.s32 @!p0 $0xFFFFF086;
	s6 =	sadd.s32 @!p0 s3, s7;
	s7 =	simm.s32 @!p0 $0x108  }
0x21: {  	s3 =	sadd.s32 s3, s9;
	s6 =	sadd.s32 @!p0 $0x88, s6;
	s7 =	simm.s32 @p2 $0x1082  }
0x22: {  	[simem:s7], [sflag:s8] =	dma.local @!p0 [hbm:s6], $0xF7A  }
0x23: {  	s9 =	sor.u32 $0xD0000000, s2;
	s6 =	simm.s32 $0x108;
	_ =	swait.ge @!p0 [sflag:s8], $0x0  }
0x24: {  	s3 =	sadd.s32 $0x88, s3;
	s6 =	simm.s32 @!p1 $0x1082;
	[sflag:s4] =	ssyncset.s32 $0xFFFFF086  }
0x25: {  	[simem:s6], [sflag:s4] =	dma.local [hbm:s3], $0xF7A  }
0x26: {  	[smem:$0x3F9B] =	sst s1;
	(tag) =	ssettag s2;
	_ =	strace s9  }
0x27: {  	s1 =	sld [smem:$0x3FAB]  }
0x28: {  	s2 =	sld [smem:$0x3FAC]  }
0x29: {  	s4 =	sld [smem:$0x3FAE]  }
0x2a: {  	p0 =	seq.s32 s5, $0x0;
	s5 =	sld [smem:$0x3FAF]  }
0x2b: {  	s6 =	sld [smem:$0x3FB0]  }
0x2c: {  	s7 =	sld [smem:$0x3FB1]  }
0x2d: {  	s3 =	simm.s32 $0x108;
	s8 =	sld [smem:$0x3FB2]  }
0x2e: {  	s3 =	simm.s32 @!p0 $0x1082;
	s9 =	sld [smem:$0x3FB3]  }
0x2f: {  	lr =	sadd.s32 s0, s3;
	s0 =	sld [smem:$0x3FAA]  }
0x30: {  	s3 =	sld [smem:$0x3FAD]  }
0x31: {  	[smem:$0x3FB6] =	sst s10  }
0x32: {  	s10 =	sld [smem:$0x3FB4];
	_ =	sdelay $0x3  }
0x33: {  	p0 =	seq.s32 s10, $0x1;
	s10 =	sld [smem:$0x3FB6];
	_ =	sdelay $0x3  }
0x34: {  	[smem:$0x3FB6] =	sst s10  }
0x35: {  	s10 =	sld [smem:$0x3FB5];
	_ =	sdelay $0x3  }
0x36: {  	p1 =	seq.s32 s10, $0x1;
	s10 =	sld [smem:$0x3FB6];
	_ =	sdelay $0x3  }
0x37: {  	[smem:$0x3FB6] =	sst s10  }
0x38: {  	s10 =	sld [smem:$0x3FB7]  }
0x39: {  	_ = 	snop;
	(pc) =	sbr.ind lr, $3  }
0x3a: {  	_ = 	snop  }
0x3b: {  	_ = 	snop  }
0x3c: {  	p2 =	seq.s32 s10, $0x1;
	s10 =	sld [smem:$0x3FB6]  }
0x3d: {  	_ =	shalt  }
0x3e: {  	_ =	shalt  }
0x3f: {  	_ =	shalt  }
0x40: {  	_ =	shalt  }
0x41: {  	_ =	shalt  }
0x42: {  	_ =	shalt  }
0x43: {  	_ =	shalt  }
0x44: {  	_ =	shalt  }
0x45: {  	_ =	shalt  }
0x46: {  	_ =	shalt  }
0x47: {  	_ =	shalt  }
0x48: {  	_ =	shalt  }
0x49: {  	_ =	shalt  }
0x4a: {  	_ =	shalt  }
0x4b: {  	_ =	shalt  }
0x4c: {  	_ =	shalt  }
0x4d: {  	_ =	shalt  }
0x4e: {  	_ =	shalt  }
0x4f: {  	_ =	shalt  }
0x50: {  	_ =	shalt  }
0x51: {  	_ =	shalt  }
0x52: {  	_ =	shalt  }
0x53: {  	_ =	shalt  }
0x54: {  	_ =	shalt  }
0x55: {  	_ =	shalt  }
0x56: {  	_ =	shalt  }
0x57: {  	_ =	shalt  }
0x58: {  	_ =	shalt  }
0x59: {  	_ =	shalt  }
0x5a: {  	_ =	shalt  }
0x5b: {  	_ =	shalt  }
0x5c: {  	_ =	shalt  }
0x5d: {  	_ =	shalt  }
0x5e: {  	_ =	shalt  }
0x5f: {  	_ =	shalt  }
0x60: {  	_ =	shalt  }
0x61: {  	_ =	shalt  }
0x62: {  	_ =	shalt  }
0x63: {  	_ =	shalt  }
0x64: {  	_ =	shalt  }
0x65: {  	_ =	shalt  }
0x66: {  	_ =	shalt  }
0x67: {  	_ =	shalt  }
0x68: {  	_ =	shalt  }
0x69: {  	_ =	shalt  }
0x6a: {  	_ =	shalt  }
0x6b: {  	_ =	shalt  }
0x6c: {  	_ =	shalt  }
0x6d: {  	_ =	shalt  }
0x6e: {  	_ =	shalt  }
0x6f: {  	_ =	shalt  }
0x70: {  	_ =	shalt  }
0x71: {  	_ =	shalt  }
0x72: {  	_ =	shalt  }
0x73: {  	_ =	shalt  }
0x74: {  	_ =	shalt  }
0x75: {  	_ =	shalt  }
0x76: {  	_ =	shalt  }
0x77: {  	_ =	shalt  }
0x78: {  	_ =	shalt  }
0x79: {  	_ =	shalt  }
0x7a: {  	_ =	shalt  }
0x7b: {  	_ =	shalt  }
0x7c: {  	_ =	shalt  }
0x7d: {  	_ =	shalt  }
0x7e: {  	_ =	shalt  }
0x7f: {  	_ =	shalt  }
0x80: {  	_ =	shalt  }
0x81: {  	_ =	shalt  }
0x82: {  	_ =	shalt  }
0x83: {  	_ =	shalt  }
0x84: {  	_ =	shalt  }
0x85: {  	_ =	shalt  }
0x86: {  	_ =	shalt  }
0x87: {  	_ =	shalt  }
.Lfunc_end0:
.L_simem_size_0:
called_computation_lowered:
.L_overlay_start_0:
0x88: {  	s2 =	sld [smem:$0x3FD9]  }
0x89: {  	s3 =	sld [smem:$0x3FFE];
	_ =	sdelay $0x1  }
0x8a: {  	s1 =	srdreg.scid  }
0x8b: {  	s0 =	sand.u32 $0x1, s1  }
0x8c: {  	s17 =	sshll.u32 s0, $0xA;
	s2 =	sadd.s32 s3, s2  }
0x8d: {  	s2 =	sadd.s32 s2, s17  }
0x8e: {  	[smem:$0x3FC2] =	sst s2  }
0x8f: {  	_ = 	snop  }
0x90: {  	s2 =	sld [smem:$0x3FD0];
	(tm) =	ssettm $0x1  }
0x91: {  	s18 =	sld [smem:$0x3FFB];
	_ =	sdelay $0x3  }
0x92: {  	_ =	strace s18  }
0x93: {  	s3 =	sld [smem:$0x3FFC];
	_ =	sdelay $0x3  }
0x94: {  	_ =	strace s3  }
0x95: {  	s3 =	sld [smem:$0x3FFD];
	_ =	sdelay $0x3  }
0x96: {  	_ =	strace s3  }
0x97: {  	_ =	strace $0x8FFFFFFF  }
0x98: {  	s19 =	sld [smem:$0x3FDB];
	_ =	sdelay $0x1  }
0x99: {  	s4 =	simm.s32 $_scs_section_size  }
0x9a: {  	s5 =	simm.s32 $_size__tile_overlayer_lowered;
	s6 =	simm.s32 $_tile_overlayer_lowered  }
0x9b: {  	s22 =	simm.s32 $0x1BFF;
	s21 =	sshll.u32 s6, $0x1;
	s3 =	sadd.s32 s4, s19  }
0x9c: {  	s7 =	simm.s32 $0x0;
	s20 =	sshll.u32 s5, $0x1;
	s5 =	sadd.s32 s21, s3  }
0x9d: {  	[timem:s7], [sflag:s22] =	dma.local [hbm:s5], s20  }
0x9e: {  	_ =	swait.ge [sflag:s22], s20  }
0x9f: {  	s4 =	ssub.s32 $0x0, s20;
	[sflag:s22] =	ssyncset.done $0x0  }
0xa0: {  	[sflag:s22] =	ssyncadd.s32 s4;
	_ =	sdelay $0x1  }
0xa1: {  	s23 =	simm.s32 $0x1B8B  }
0xa2: {  	_ =	swait.ge [sflag:s23], $0x1  }
0xa3: {  	[sflag:s23] =	ssyncset.done $0x0  }
0xa4: {  	s25 =	simm.s32 $0x1B8E;
	s24 =	sld [smem:$0x3FFE];
	[sflag:s23] =	ssyncadd.s32 $0xFFFFFFFF  }
0xa5: {  	s26 =	simm.s32 $execute0_lowered;
	[smem:$0x3FD2] =	sst s25  }
0xa6: {  	s5 =	sshll.u32 s26, $0x1;
	_ =	strace $0x80000046;
	[dreg:$0x1] =	wrdreg $0xFFFFFFFF  }
0xa7: {  	s28 =	simm.s32 $_size_execute0_lowered;
	s3 =	sadd.s32 s3, s5;
	[dreg:$0x0] =	wrdreg $0x0  }
0xa8: {  	s5 =	sshll.u32 s28, $0x1;
	[dreg:$0x2] =	wrdreg s3  }
0xa9: {  	[dreg:$0x3] =	wrdreg s5  }
0xaa: {  	[dreg:$0x4] =	wrdreg $0xC0  }
0xab: {  	_ =	task [dreg:s7], $0x5FFFF  }
0xac: {  	[dreg:$0x1] =	wrdreg $0xFFFFFFFF  }
0xad: {  	[dreg:$0x0] =	wrdreg $0x60  }
0xae: {  	[dreg:$0x2] =	wrdreg s24  }
0xaf: {  	[dreg:$0x3] =	wrdreg s2  }
0xb0: {  	[dreg:$0x4] =	wrdreg $0x2C000  }
0xb1: {  	[dreg:$0x5] =	wrdreg $0x9  }
0xb2: {  	_ =	task.clear_ibuf [dreg:s7], $0x6FFFF;
	_ =	strace $0x90000046  }
0xb3: {  	s29 =	simm.s32 $0x9;
	_ =	strace $0x80000048  }
0xb4: {  	_ =	swait.ge [sflag:s29], $0x1  }
0xb5: {  	[sflag:s29] =	ssyncadd.s32 $0xFFFFFFFF  }
0xb6: {  	_ =	strace $0x90000048  }
0xb7: {  	_ =	sfence  }
0xb8: {  	s30 =	sld [smem:$0x0];
	_ =	sdelay $0x2  }
0xb9: {  	s31 =	sshll.u32 s1, $0xD;
	s1 =	sshrl.u32 s1, $0x2  }
0xba: {  	s3 =	sand.u32 $0x4000, s31;
	s1 =	sadd.s32 s1, s30  }
0xbb: {  	s0 =	sor.u32 s3, s0;
	s1 =	sshll.u32 s1, $0x11  }
0xbc: {  	s0 =	sor.u32 s1, s0  }
0xbd: {  	s0 =	sadd.s32 $0x8F2B, s0  }
0xbe: {  	[sflag:s0] =	ssyncadd.remote.s32 $0x1  }
0xbf: {  	_ =	sfence.sel $0xFFFF  }
0xc0: {  	[dreg:$0x0] =	wrdreg $0xFFFFFFFF;
	(pc) =	sbr.abs _section_cstart, $3  }
0xc1: {  	[dreg:$0x1] =	wrdreg $0xFFFFFFFF  }
0xc2: {  	_ =	task.clear_ibuf [dreg:s7], $0x2FFFF;
	_ =	strace $0x9FFFFFFF  }
0xc3: {  	(tm) =	ssettm $0x7FFFFFFF  }
tec
execute0_lowered:
.L_overlay_start_1:
0x0: {  	(tag) =	ssettag $0x1  }
0x1: {  	s1 =	srdreg.scid  }
0x2: {  	s0 =	stileid.u32;
	s5 =	rddreg [dreg:$0x0]  }
0x3: {  	s9 =	rddreg [dreg:$0x1];
	s15 =	simm.s32 $0x80;
	s16 =	simm.s32 $0x1  }
0x4: {  	s17 =	simm.s32 $0x3FC0;
	s18 =	simm.s32 $0x5380;
	s7 =	smul.u32 $0x13C0, s0  }
0x5: {  	s4 =	sand.u32 $0x1, s1;
	s30 =	sshll.u32 s0, $0x1;
	s11 =	smul.u32 $0x278, s0  }
0x6: {  	s19 =	simm.s32 $0x0;
	s1 =	sor.u32 s4, s30;
	s13 =	smul.u32 $0x2780, s4  }
0x7: {  	s31 =	sshll.u32 s0, $0x6;
	s10 =	ssub.s32 $0x2, s4;
	s2 =	smul.u32 $0x50, s1  }
0x8: {  	s4 =	sadd.s32 $0x14C00, s5;
	s3 =	smul.u32 $0x4C, s1;
	p0 =	slt.u32 s1, $0xF  }
0x9: {  	s1 =	rddreg [dreg:$0x3];
	s8 =	sshrl.u32 s7, $0x3;
	s12 =	sshrl.u32 s10, $0x1  }
0xa: {  	s8 =	sadd.s32 s8, s5;
	s10 =	ssub.s32 s10, s12;
	s11 =	sadd.s32 s11, s13  }
0xb: {  	s12 =	simm.s32 $0x2800;
	s13 =	sor.u32 $0x1C02, s31;
	s6 =	sadd.s32 $0x1FFFFC4, s2  }
0xc: {  	s2 =	rddreg [dreg:$0x2];
	s8 =	sadd.s32 $0x14E00, s8;
	s11 =	sshrl.u32 s11, $0x3  }
0xd: {  	s10 =	smax.u32 s10, $0x1;
	s6 =	smov.u32 @p0 s3;
	s3 =	simm.s32 $0x0  }
0xe: {  	s7 =	sadd.s32 s7, s2;
	s9 =	sadd.s32 s9, s11;
	s6 =	sshll.u32 s6, $0x4  }
0xf: {  	s11 =	simm.s32 $0x2;
	[smem:$0x7FF] =	sst s3;
	s6 =	sand.u32 $0x1FFFFFC0, s6  }
0x10: {  	s14 =	sshrl.u32 s7, $0x3;
	s6 =	sadd.s32 s6, s5;
	s5 =	simm.s32 $0x4C  }
0x11: {  	v0 =	vlaneseq.u32;
	_ =	strace $0x80000047;
	s5 =	simm.s32 @!p0 $0x50;
	s6 =	sadd.s32 $0x1000, s6  }
.LBB2_1:
0x12: {  	[tilespmem:s3], [sflag:$0x2] =	stream.linear.gather [hbm4b:s6+s3], $0x2800, $0x38;
	[tilespmem:$0x5600] =	vst v63  }
0x13: {  	_ =	swait.ge [sflag:s11], $0x2800  }
0x14: {  	[sflag:s11] =	ssyncset.done $0x0  }
0x15: {  	[sflag:s11] =	ssyncadd.s32 $0xFFFFD800  }
0x16: {  	[tilespmem:s12], [sflag:$0x2] =	stream.linear.gather [hbm4b:s4+s3], $0x400, $0x38;
	[tilespmem:$0x5600] =	vst v63  }
0x17: {  	_ =	swait.ge [sflag:s11], $0x400  }
0x18: {  	[sflag:s11] =	ssyncset.done $0x0  }
0x19: {  	p0 =	sne.s32 s5, $0x1;
	[sflag:s11] =	ssyncadd.s32 $0xFFFFFC00  }
0x1a: {  	[spmem:s14], [sflag:s13] =	dma.local [hbm:s8], $0x278  }
.Ltmp0:
0x1b: {  	_ =	swait.ge [sflag:s11], $0x278;
	(pc) =	sbr.rel @!p0 .LBB2_3-.Ltmp0, $4  }
0x1c: {  	[sflag:s11] =	ssyncset.done $0x0  }
0x1d: {  	[sflag:s11] =	ssyncadd.s32 $0xFFFFFD88  }
0x1e: {  	s20 =	sadd.s32 $0xFFFFFFFF, s5;
	s21 =	simm.s32 $0x0;
	[bflag:$0x0] =	sbarrier.arrive $0xFFFF  }
0x1f: {  	[spmem:s2] =	stream.indirect.scatter.add.f32 [tilespmem:s12], [sflag:$0x1], $0x8, s3, s15, $0xb8;
	[tilespmem:$0x5600] =	vst v63  }
.LBB2_2:
0x20: {  	p1 =	sne.s32 s20, $0x1  }
.Ltmp1:
0x21: {  	_ = 	snop;
	(pc) =	sbr.rel @p1 .LBB2_2-.Ltmp1, $3  }
0x22: {  	_ = 	snop  }
0x23: {  	s20 =	sadd.s32 $0xFFFFFFFF, s20;
	s21 =	sadd.s32 $0x80, s21;
	_ =	sdelay $0x1  }
0x24: {  	[spmem:s2] =	stream.indirect.scatter.add.f32 [tilespmem:s12], [sflag:$0x1], $0x8, s21, s15, $0xb8;
	[tilespmem:$0x5600] =	vst v63  }
.LBB2_3:
.Ltmp2:
0x25: {  	(pc) =	sbr.rel @!p0 .LBB2_5-.Ltmp2, $3  }
0x26: {  	_ =	sdelay $0x1  }
0x27: {  	_ =	swait.ge [sflag:s16], $0x400  }
0x28: {  	s20 =	sadd.s32 $0xFFFFFFFF, s5;
	[sflag:s16] =	ssyncset.done $0x0  }
.LBB2_4:
0x29: {  	p0 =	sne.s32 s20, $0x1;
	s20 =	sadd.s32 $0xFFFFFFFF, s20;
	[sflag:s16] =	ssyncadd.s32 $0xFFFFFC00  }
.Ltmp3:
0x2a: {  	(pc) =	sbr.rel @p0 .LBB2_4-.Ltmp3, $3  }
0x2b: {  	_ =	sdelay $0x1  }
0x2c: {  	_ =	swait.ge [sflag:s16], $0x400  }
0x2d: {  	[sflag:s16] =	ssyncset.done $0x0  }
.LBB2_5:
0x2e: {  	s20 =	simm.s32 $0x0  }
0x2f: {  	v1 =	vor.u32 s20, v0  }
0x30: {  	vm0 =	vlt.s32 v1, $0x277  }
0x31: {  	[sflag:s16] =	ssyncadd.s32 $0xFFFFFC00;
	v1 =	vnsel vm0, $0x277, v1  }
0x32: {  	[bflag:$0x0] =	sbarrier.arrive $0xFFFF;
	v1 =	vshll.u32 v1, $0x3  }
0x33: {  	[tilespmem:s17], [sflag:$0x2] =	stream.linear.gather [spmem:s7], $0x13C0, $0x38;
	[tilespmem:$0x5600] =	vst v63  }
0x34: {  	_ =	swait.ge [sflag:s11], $0x13C0  }
0x35: {  	[sflag:s11] =	ssyncset.done $0x0  }
0x36: {  	s31 =	simm.s32 $0x10;
	[sflag:s11] =	ssyncadd.s32 $0xFFFFEC40  }
0x37: {  	v3 =	vld.idx.msk [tilespmem:v1+s17+$0x0], $0xffff;
	v1 =	vor.u32 s31, v0  }
0x38: {  	vm15 =	vlt.s32 v1, $0x277  }
0x39: {  	v1 =	vnsel vm15, $0x277, v1  }
0x3a: {  	v1 =	vshll.u32 v1, $0x3;
	_ =	sdelay $0x2  }
0x3b: {  	s21 =	simm.s32 $0x20;
	s20 =	simm.s32 $0x5380  }
0x3c: {  	v2 =	vor.u32 s21, v0;
	s21 =	simm.s32 $0x30;
	[tilespmem:s20+$0x0] =	vst v3  }
.LBB2_6:
0x3d: {  	p0 =	sne.s32 s21, $0x270;
	vm0 =	vlt.s32 v2, $0x277;
	v3 =	vld.idx.msk [tilespmem:v1+s17+$0x0], $0xffff  }
0x3e: {  	v1 =	vnsel vm0, $0x277, v2  }
.Ltmp4:
0x3f: {  	v1 =	vshll.u32 v1, $0x3;
	(pc) =	sbr.rel @p0 .LBB2_6-.Ltmp4, $3  }
0x40: {  	_ =	sdelay $0x1  }
0x41: {  	s20 =	sadd.s32 $0x10, s20  }
0x42: {  	v2 =	vor.u32 s21, v0;
	s21 =	sadd.s32 $0x10, s21;
	[tilespmem:s20+$0x0] =	vst v3  }
0x43: {  	_ =	sdelay $0x2  }
0x44: {  	vm0 =	vlt.s32 v2, $0x277  }
0x45: {  	v1 =	vld.idx.msk [tilespmem:v1+s17+$0x0], $0xffff;
	v2 =	vnsel vm0, $0x277, v2  }
0x46: {  	v2 =	vshll.u32 v2, $0x3;
	_ =	sdelay $0x2  }
0x47: {  	s20 =	sadd.s32 $0x10, s20  }
0x48: {  	[tilespmem:s20+$0x0] =	vst v1  }
0x49: {  	v1 =	vld.idx.msk [tilespmem:v2+s17+$0x0], $0xffff;
	_ =	sdelay $0x2  }
0x4a: {  	s19 =	sadd.s32 $0x1, s19  }
0x4b: {  	p0 =	sne.s32 s19, s10;
	s20 =	sadd.s32 $0x10, s20  }
.Ltmp5:
0x4c: {  	[tilespmem:s20+$0x0] =	vst v1;
	(pc) =	sbr.rel @p0 .LBB2_1-.Ltmp5, $4  }
0x4d: {  	[hbm4b:s9+s3] =	stream.linear.scatter [tilespmem:s18], [sflag:$0x2], $0x278, $0x38;
	[tilespmem:$0x5600] =	vst v63  }
0x4e: {  	_ =	swait.ge [sflag:s11], $0x278  }
0x4f: {  	[sflag:s11] =	ssyncset.done $0x0  }
0x50: {  	[sflag:s11] =	ssyncadd.s32 $0xFFFFFD88  }
0x51: {  	_ =	sfence.sel $0x180000  }
0x52: {  	[bflag:$0x0] =	sbarrier.arrive $0xFFFF  }
0x53: {  	p0 =	sne.s32 s0, $0x0;
	_ =	strace $0x90000047  }
0x54: {  	s0 =	sadd.s32 @!p0 $0x100000, s1;
	[bflag:$0x2] =	sbarrier.arrive $0xFFFF  }
0x55: {  	[sflag:s0] =	ssyncadd.tile.s32 @!p0 $0x1;
	_ =	shalt  }
.Lfunc_end2:
_tile_overlayer_lowered:
.L_overlay_start_2:
0x56: {  	(tag) =	ssettag $0x2  }
0x57: {  	s0 =	rddreg [dreg:$0x0];
	s2 =	stileid.u32  }
0x58: {  	s1 =	rddreg [dreg:$0x1];
	p0 =	sne.s32 s2, $0x0  }
0x59: {  	s3 =	rddreg [dreg:$0x2];
	[bflag:$0x3] =	sbarrier.arrive $0xFFFF;
	s2 =	simm.s32 @!p0 $0x1C02  }
0x5a: {  	[timem:s3], [sflag:s2] =	dma.local @!p0 [hbm:s0], s1  }
0x5b: {  	s0 =	simm.s32 @!p0 $0x2  }
0x5c: {  	_ =	swait.ge @!p0 [sflag:s0], s1  }
0x5d: {  	s1 =	ssub.s32 @!p0 $0x0, s1;
	[sflag:s0] =	ssyncset.done @!p0 $0x0  }
0x5e: {  	[sflag:s0] =	ssyncadd.s32 @!p0 s1  }
0x5f: {  	[bflag:$0x3] =	sbarrier.arrive $0xFFFF  }
0x60: {  	_ =	shalt  }

</sc_bundles>
